<compile_context>
chip_gen: v7x
topology: tpu7x:2x2x1
jax: 0.10.2.dev20260603
libtpu: 0.0.44.dev20260713+nightly
codegen_flags: <defaults>
</compile_context>

<pallas_src>
import functools

import jax
import jax.numpy as jnp
import numpy as np
from jax import lax
from jax.experimental import pallas as pl
from jax.experimental.pallas import tpu as pltpu
from jax.experimental.pallas import tpu_sc as plsc

_TUPLE = 16
_NR = 64
_NC = 10
_NP = _NC * _NR
_NA = 1 << _TUPLE
_B = 4096
_E = _NR * _TUPLE

_BN = 512
_NCORE = 2
_NSUB = 16
_CPC = _NC // _NCORE
_RPS = _NR // _NSUB
_LANES = 16


def _addr_body(map_ref, s_ref, out_ref, wt_ref):
    @pl.when(pl.program_id(0) == 0)
    def _():
        j = lax.broadcasted_iota(jnp.int32, (_NP, _E), 1)
        wt = jnp.zeros((_NP, _E), jnp.float32)
        for t in range(_TUPLE):
            col = map_ref[:, t : t + 1]
            wt = wt + jnp.where(col == j, np.float32(1 << (15 - t)),
                                np.float32(0.0))
        wt_ref[...] = wt.astype(jnp.bfloat16)

    acc = lax.dot_general(
        wt_ref[...], s_ref[...],
        dimension_numbers=(((1,), (0,)), ((), ())),
        preferred_element_type=jnp.float32)
    out_ref[...] = acc.astype(jnp.int32)


def _compute_addr(map2, samples_bf):
    return pl.pallas_call(
        _addr_body,
        grid=(_B // _BN,),
        in_specs=[
            pl.BlockSpec((_NP, _TUPLE), lambda i: (0, 0)),
            pl.BlockSpec((_E, _BN), lambda i: (0, i)),
        ],
        out_specs=pl.BlockSpec((_NP, _BN), lambda i: (0, i)),
        out_shape=jax.ShapeDtypeStruct((_NP, _B), jnp.int32),
        scratch_shapes=[pltpu.VMEM((_NP, _E), jnp.bfloat16)],
        compiler_params=pltpu.CompilerParams(
            dimension_semantics=("arbitrary",)),
    )(map2, samples_bf)


_sc_mesh = plsc.VectorSubcoreMesh(core_axis_name="c", subcore_axis_name="s")


@functools.partial(
    pl.kernel,
    out_type=jax.ShapeDtypeStruct((_NC * _B,), jnp.float32),
    mesh=_sc_mesh,
    scratch_types=[
        pltpu.VMEM((_NA,), jnp.float32),
        pltpu.VMEM((_B,), jnp.int32),
        pltpu.VMEM((_CPC * _B,), jnp.float32),
        pltpu.VMEM_SHARED((_CPC * _NSUB * _B,), jnp.float32),
    ],
    compiler_params=pltpu.CompilerParams(needs_layout_passes=False),
)
def _sc_lookup(table_hbm, addr_hbm, zeros_hbm, out_hbm,
               row_v, addr_v, acc_v, shared):
    cid = lax.axis_index("c")
    sid = lax.axis_index("s")

    pltpu.sync_copy(zeros_hbm, acc_v)

    for cl in range(_CPC):
        for r4 in range(_RPS):
            p = (cid * _CPC + cl) * _NR + sid * _RPS + r4
            pltpu.sync_copy(addr_hbm.at[pl.ds(p * _B, _B)], addr_v)
            pltpu.sync_copy(table_hbm.at[pl.ds(p * _NA, _NA)], row_v)

            def body(i, _, cl=cl):
                iv = addr_v[pl.ds(i * _LANES, _LANES)]
                g = plsc.load_gather(row_v, [iv])
                acc_v[pl.ds(cl * _B + i * _LANES, _LANES)] += g
                return 0

            lax.fori_loop(0, _B // _LANES, body, 0)

    for cl in range(_CPC):
        pltpu.sync_copy(acc_v.at[pl.ds(cl * _B, _B)],
                        shared.at[pl.ds((cl * _NSUB + sid) * _B, _B)])
    plsc.subcore_barrier()

    @pl.when(sid < _CPC)
    def _():
        pltpu.sync_copy(shared.at[pl.ds(sid * (_NSUB * _B), _NSUB * _B)],
                        row_v)

        def rbody(i, _):
            tot = row_v[pl.ds(i * _LANES, _LANES)]
            for k in range(1, _NSUB):
                tot = tot + row_v[pl.ds(k * _B + i * _LANES, _LANES)]
            acc_v[pl.ds(i * _LANES, _LANES)] = tot
            return 0

        lax.fori_loop(0, _B // _LANES, rbody, 0)
        pltpu.sync_copy(acc_v.at[pl.ds(0, _B)],
                        out_hbm.at[pl.ds((cid * _CPC + sid) * _B, _B)])


def kernel(samples, tuple_mapping, ram_table):
    samples_bf = samples.astype(jnp.bfloat16).T
    map2 = tuple_mapping.reshape(_NP, _TUPLE)
    table2 = ram_table.reshape(_NP * _NA)
    addr = _compute_addr(map2, samples_bf)
    zeros = jnp.zeros((_CPC * _B,), jnp.float32)
    out = _sc_lookup(table2, addr.reshape(_NP * _B), zeros)
    return out.reshape(_NC, _B).T.astype(jnp.int8)

# --- scband reference (transcript-rebuilt; emitter-appended) ---
"""Pipeline reference for scband-wisard-68401649156855 (READ-ONLY COPY).

The authoritative reference and input builder live on the scoring server;
editing this copy changes nothing except your own understanding.
"""

import jax, jax.numpy as jnp
import numpy as np

ENTRY_SIZE = 1024
N_CLASSES = 10
TUPLE_SIZE = 16
N_RAMS = ENTRY_SIZE // TUPLE_SIZE
N_ADDR = 2 ** TUPLE_SIZE
BATCH = 4096


def setup_inputs(seed: int = 0) -> dict:
    key = jax.random.key(seed)
    k1, k2, k3 = jax.random.split(key, 3)
    # binary input samples (bits)
    samples = jax.random.randint(k1, (BATCH, ENTRY_SIZE), 0, 2, dtype=jnp.int32)
    # per-class random permutation of input bits (tuple_mapping from __init__)
    tuple_mapping = jnp.stack([
        jax.random.permutation(jax.random.fold_in(k2, i), ENTRY_SIZE)
        for i in range(N_CLASSES)
    ]).astype(jnp.int32)
    # RAM contents: membership bitmap per (class, ram, address).
    # Equivalent to the dict-of-seen-addresses in Discriminator (isin test),
    # materialized as a dense 0/1 table after a hypothetical fit().
    ram_table = (jax.random.uniform(k3, (N_CLASSES, N_RAMS, N_ADDR)) < 0.1).astype(jnp.float32)
    return {"samples": samples, "tuple_mapping": tuple_mapping, "ram_table": ram_table}


def reference(samples, tuple_mapping, ram_table):
    # tidx = arange(tuple_size).flip(0): big-endian bit packing weights
    tidx = jnp.flip(jnp.arange(TUPLE_SIZE, dtype=jnp.int32))
    ram_ids = jnp.arange(N_RAMS, dtype=jnp.int32)

    def per_class(mapping, table):
        # torch.index_select(samples, 1, tuple_mapping[i])
        mapped = jnp.take(samples, mapping, axis=1)
        mapped = mapped.reshape(samples.shape[0], N_RAMS, TUPLE_SIZE)
        # (mapped << tidx).sum(dim=2): pack tuple bits into RAM address
        addr = jnp.sum(jnp.left_shift(mapped, tidx), axis=2)  # [B, n_rams]
        # Discriminator.rank: += isin(addresses, trained_tuples)
        memb = table[ram_ids[None, :], addr]  # [B, n_rams]
        return jnp.sum(memb, axis=1)  # [B]

    resp = jax.vmap(per_class)(tuple_mapping, ram_table)  # [n_classes, B]
    return resp.T.astype(jnp.int8)  # [B, n_classes], int8 like torch response

if __name__ == "__main__":
    import jax
    _d = setup_inputs()
    print(jax.jit(kernel)(*tuple(_d.values())))

</pallas_src>

<mosaic_0001>
#map = affine_map<(d0, d1) -> (0)>
module attributes {stable_mosaic.version = 14 : i64} {
  func.func @_sc_lookup(%arg0: i32, %arg1: i32, %arg2: memref<41943040xf32, #tpu.memory_space<hbm>>, %arg3: memref<2621440xi32, #tpu.memory_space<hbm>>, %arg4: memref<20480xf32, #tpu.memory_space<hbm>>, %arg5: memref<40960xf32, #tpu.memory_space<hbm>>, %arg6: memref<65536xf32, #tpu.memory_space<vmem>>, %arg7: memref<4096xi32, #tpu.memory_space<vmem>>, %arg8: memref<20480xf32, #tpu.memory_space<vmem>>, %arg9: memref<327680xf32, #tpu.memory_space<vmem_shared>>) attributes {dimension_semantics = [#tpu.dimension_semantics<core_parallel>, #tpu.dimension_semantics<subcore_parallel>], iteration_bounds = array<i64: 2, 16>, scalar_prefetch = 0 : i64, scratch_operands = 4 : i64, tpu.core_type = #tpu.core_type<sc_vector_subcore>, window_params = [{transform_indices = #map}, {transform_indices = #map}, {transform_indices = #map}, {transform_indices = #map}]} {
    "tpu.region"() ({
      %run_scoped3A = tpu.sem_alloc : memref<!tpu.dma_semaphore, #tpu.memory_space<semaphore_mem>>
      tpu.enqueue_dma source(%arg4 : memref<20480xf32, #tpu.memory_space<hbm>>) target(%arg8 : memref<20480xf32, #tpu.memory_space<vmem>>) target_semaphore(%run_scoped3A : memref<!tpu.dma_semaphore, #tpu.memory_space<semaphore_mem>>)
      tpu.wait_dma2 semaphore(%run_scoped3A : memref<!tpu.dma_semaphore, #tpu.memory_space<semaphore_mem>>) src(%arg4 : memref<20480xf32, #tpu.memory_space<hbm>>) dst(%arg8 : memref<20480xf32, #tpu.memory_space<vmem>>)
      tpu.yield
    }) : () -> ()
    %mul3A = arith.constant 5 : i32
    %mul3A_0 = arith.muli %arg0, %mul3A : i32
    %add3A = arith.constant 0 : i32
    %add3A_1 = arith.addi %mul3A_0, %add3A : i32
    %mul3A_2 = arith.constant 64 : i32
    %mul3A_3 = arith.muli %add3A_1, %mul3A_2 : i32
    %mul3A_4 = arith.constant 4 : i32
    %mul3A_5 = arith.muli %arg1, %mul3A_4 : i32
    %add3A_6 = arith.addi %mul3A_3, %mul3A_5 : i32
    %add3A_7 = arith.constant 0 : i32
    %add3A_8 = arith.addi %add3A_6, %add3A_7 : i32
    %mul3A_9 = arith.constant 4096 : i32
    %mul3A_10 = arith.muli %add3A_8, %mul3A_9 : i32
    "tpu.region"() ({
      %run_scoped3A = tpu.sem_alloc : memref<!tpu.dma_semaphore, #tpu.memory_space<semaphore_mem>>
      %dma_start3A = tpu.memref_slice %arg3[%mul3A_10] : memref<2621440xi32, #tpu.memory_space<hbm>> -> memref<4096xi32, #tpu.memory_space<hbm>>
      %dma_start3A_459 = tpu.memref_slice %arg3[%mul3A_10] : memref<2621440xi32, #tpu.memory_space<hbm>> -> memref<4096xi32, #tpu.memory_space<hbm>>
      tpu.enqueue_dma source(%dma_start3A_459 : memref<4096xi32, #tpu.memory_space<hbm>>) target(%arg7 : memref<4096xi32, #tpu.memory_space<vmem>>) target_semaphore(%run_scoped3A : memref<!tpu.dma_semaphore, #tpu.memory_space<semaphore_mem>>)
      %dma_wait3A = tpu.memref_slice %arg3[%mul3A_10] : memref<2621440xi32, #tpu.memory_space<hbm>> -> memref<4096xi32, #tpu.memory_space<hbm>>
      %dma_wait3A_460 = tpu.memref_slice %arg3[%mul3A_10] : memref<2621440xi32, #tpu.memory_space<hbm>> -> memref<4096xi32, #tpu.memory_space<hbm>>
      tpu.wait_dma2 semaphore(%run_scoped3A : memref<!tpu.dma_semaphore, #tpu.memory_space<semaphore_mem>>) src(%dma_wait3A_460 : memref<4096xi32, #tpu.memory_space<hbm>>) dst(%arg7 : memref<4096xi32, #tpu.memory_space<vmem>>)
      tpu.yield
    }) : () -> ()
    %mul3A_11 = arith.constant 65536 : i32
    %mul3A_12 = arith.muli %add3A_8, %mul3A_11 : i32
    "tpu.region"() ({
      %run_scoped3A = tpu.sem_alloc : memref<!tpu.dma_semaphore, #tpu.memory_space<semaphore_mem>>
      %dma_start3A = tpu.memref_slice %arg2[%mul3A_12] : memref<41943040xf32, #tpu.memory_space<hbm>> -> memref<65536xf32, #tpu.memory_space<hbm>>
      %dma_start3A_459 = tpu.memref_slice %arg2[%mul3A_12] : memref<41943040xf32, #tpu.memory_space<hbm>> -> memref<65536xf32, #tpu.memory_space<hbm>>
      tpu.enqueue_dma source(%dma_start3A_459 : memref<65536xf32, #tpu.memory_space<hbm>>) target(%arg6 : memref<65536xf32, #tpu.memory_space<vmem>>) target_semaphore(%run_scoped3A : memref<!tpu.dma_semaphore, #tpu.memory_space<semaphore_mem>>)
      %dma_wait3A = tpu.memref_slice %arg2[%mul3A_12] : memref<41943040xf32, #tpu.memory_space<hbm>> -> memref<65536xf32, #tpu.memory_space<hbm>>
      %dma_wait3A_460 = tpu.memref_slice %arg2[%mul3A_12] : memref<41943040xf32, #tpu.memory_space<hbm>> -> memref<65536xf32, #tpu.memory_space<hbm>>
      tpu.wait_dma2 semaphore(%run_scoped3A : memref<!tpu.dma_semaphore, #tpu.memory_space<semaphore_mem>>) src(%dma_wait3A_460 : memref<65536xf32, #tpu.memory_space<hbm>>) dst(%arg6 : memref<65536xf32, #tpu.memory_space<vmem>>)
      tpu.yield
    }) : () -> ()
    %scan3A = arith.constant 0 : i32
    %scan3A_13 = arith.constant 0 : i32
    %scan3A_14 = arith.constant 256 : i32
    %scan3A_15 = arith.addi %scan3A_13, %scan3A_14 : i32
    %scan3A_16 = arith.constant 1 : i32
    %scan3A_17 = scf.for %scan3A_459 = %scan3A_13 to %scan3A_15 step %scan3A_16 iter_args(%scan3A_460 = %scan3A) -> (i32)  : i32 {
      %mul3A_461 = arith.constant 16 : i32
      %mul3A_462 = arith.muli %scan3A_459, %mul3A_461 : i32
      %get3A = arith.index_cast %mul3A_462 : i32 to index
      %get3A_463 = tpu.vector_load %arg7[%get3A] {strides = array<i32>} : memref<4096xi32, #tpu.memory_space<vmem>>, vector<16xi32>,
      %gather3A = tpu.vector_load_idx %arg6[%get3A_463] : memref<65536xf32, #tpu.memory_space<vmem>>[vector<16xi32>], vector<16xf32>,
      %mul3A_464 = arith.constant 16 : i32
      %mul3A_465 = arith.muli %scan3A_459, %mul3A_464 : i32
      %add3A_466 = arith.constant 0 : i32
      %add3A_467 = arith.addi %add3A_466, %mul3A_465 : i32
      %get3A_468 = arith.index_cast %add3A_467 : i32 to index
      %get3A_469 = tpu.vector_load %arg8[%get3A_468] {strides = array<i32>} : memref<20480xf32, #tpu.memory_space<vmem>>, vector<16xf32>,
      %add3A_470 = arith.addf %get3A_469, %gather3A : vector<16xf32>
      %swap3A = arith.index_cast %add3A_467 : i32 to index
      %swap3A_471 = tpu.vector_load %arg8[%swap3A] {strides = array<i32>} : memref<20480xf32, #tpu.memory_space<vmem>>, vector<16xf32>,
      tpu.vector_store %arg8[%swap3A], %add3A_470 {strides = array<i32>} : memref<20480xf32, #tpu.memory_space<vmem>>, vector<16xf32>,
      %scan3A_472 = arith.constant 0 : i32
      scf.yield %scan3A_472 : i32
    }
    %scan3A_18 = arith.constant 256 : i32
    %mul3A_19 = arith.constant 5 : i32
    %mul3A_20 = arith.muli %arg0, %mul3A_19 : i32
    %add3A_21 = arith.constant 0 : i32
    %add3A_22 = arith.addi %mul3A_20, %add3A_21 : i32
    %mul3A_23 = arith.constant 64 : i32
    %mul3A_24 = arith.muli %add3A_22, %mul3A_23 : i32
    %mul3A_25 = arith.constant 4 : i32
    %mul3A_26 = arith.muli %arg1, %mul3A_25 : i32
    %add3A_27 = arith.addi %mul3A_24, %mul3A_26 : i32
    %add3A_28 = arith.constant 1 : i32
    %add3A_29 = arith.addi %add3A_27, %add3A_28 : i32
    %mul3A_30 = arith.constant 4096 : i32
    %mul3A_31 = arith.muli %add3A_29, %mul3A_30 : i32
    "tpu.region"() ({
      %run_scoped3A = tpu.sem_alloc : memref<!tpu.dma_semaphore, #tpu.memory_space<semaphore_mem>>
      %dma_start3A = tpu.memref_slice %arg3[%mul3A_31] : memref<2621440xi32, #tpu.memory_space<hbm>> -> memref<4096xi32, #tpu.memory_space<hbm>>
      %dma_start3A_459 = tpu.memref_slice %arg3[%mul3A_31] : memref<2621440xi32, #tpu.memory_space<hbm>> -> memref<4096xi32, #tpu.memory_space<hbm>>
      tpu.enqueue_dma source(%dma_start3A_459 : memref<4096xi32, #tpu.memory_space<hbm>>) target(%arg7 : memref<4096xi32, #tpu.memory_space<vmem>>) target_semaphore(%run_scoped3A : memref<!tpu.dma_semaphore, #tpu.memory_space<semaphore_mem>>)
      %dma_wait3A = tpu.memref_slice %arg3[%mul3A_31] : memref<2621440xi32, #tpu.memory_space<hbm>> -> memref<4096xi32, #tpu.memory_space<hbm>>
      %dma_wait3A_460 = tpu.memref_slice %arg3[%mul3A_31] : memref<2621440xi32, #tpu.memory_space<hbm>> -> memref<4096xi32, #tpu.memory_space<hbm>>
      tpu.wait_dma2 semaphore(%run_scoped3A : memref<!tpu.dma_semaphore, #tpu.memory_space<semaphore_mem>>) src(%dma_wait3A_460 : memref<4096xi32, #tpu.memory_space<hbm>>) dst(%arg7 : memref<4096xi32, #tpu.memory_space<vmem>>)
      tpu.yield
    }) : () -> ()
    %mul3A_32 = arith.constant 65536 : i32
    %mul3A_33 = arith.muli %add3A_29, %mul3A_32 : i32
    "tpu.region"() ({
      %run_scoped3A = tpu.sem_alloc : memref<!tpu.dma_semaphore, #tpu.memory_space<semaphore_mem>>
      %dma_start3A = tpu.memref_slice %arg2[%mul3A_33] : memref<41943040xf32, #tpu.memory_space<hbm>> -> memref<65536xf32, #tpu.memory_space<hbm>>
      %dma_start3A_459 = tpu.memref_slice %arg2[%mul3A_33] : memref<41943040xf32, #tpu.memory_space<hbm>> -> memref<65536xf32, #tpu.memory_space<hbm>>
      tpu.enqueue_dma source(%dma_start3A_459 : memref<65536xf32, #tpu.memory_space<hbm>>) target(%arg6 : memref<65536xf32, #tpu.memory_space<vmem>>) target_semaphore(%run_scoped3A : memref<!tpu.dma_semaphore, #tpu.memory_space<semaphore_mem>>)
      %dma_wait3A = tpu.memref_slice %arg2[%mul3A_33] : memref<41943040xf32, #tpu.memory_space<hbm>> -> memref<65536xf32, #tpu.memory_space<hbm>>
      %dma_wait3A_460 = tpu.memref_slice %arg2[%mul3A_33] : memref<41943040xf32, #tpu.memory_space<hbm>> -> memref<65536xf32, #tpu.memory_space<hbm>>
      tpu.wait_dma2 semaphore(%run_scoped3A : memref<!tpu.dma_semaphore, #tpu.memory_space<semaphore_mem>>) src(%dma_wait3A_460 : memref<65536xf32, #tpu.memory_space<hbm>>) dst(%arg6 : memref<65536xf32, #tpu.memory_space<vmem>>)
      tpu.yield
    }) : () -> ()
    %scan3A_34 = arith.constant 0 : i32
    %scan3A_35 = arith.constant 0 : i32
    %scan3A_36 = arith.constant 256 : i32
    %scan3A_37 = arith.addi %scan3A_35, %scan3A_36 : i32
    %scan3A_38 = arith.constant 1 : i32
    %scan3A_39 = scf.for %scan3A_459 = %scan3A_35 to %scan3A_37 step %scan3A_38 iter_args(%scan3A_460 = %scan3A_34) -> (i32)  : i32 {
      %mul3A_461 = arith.constant 16 : i32
      %mul3A_462 = arith.muli %scan3A_459, %mul3A_461 : i32
      %get3A = arith.index_cast %mul3A_462 : i32 to index
      %get3A_463 = tpu.vector_load %arg7[%get3A] {strides = array<i32>} : memref<4096xi32, #tpu.memory_space<vmem>>, vector<16xi32>,
      %gather3A = tpu.vector_load_idx %arg6[%get3A_463] : memref<65536xf32, #tpu.memory_space<vmem>>[vector<16xi32>], vector<16xf32>,
      %mul3A_464 = arith.constant 16 : i32
      %mul3A_465 = arith.muli %scan3A_459, %mul3A_464 : i32
      %add3A_466 = arith.constant 0 : i32
      %add3A_467 = arith.addi %add3A_466, %mul3A_465 : i32
      %get3A_468 = arith.index_cast %add3A_467 : i32 to index
      %get3A_469 = tpu.vector_load %arg8[%get3A_468] {strides = array<i32>} : memref<20480xf32, #tpu.memory_space<vmem>>, vector<16xf32>,
      %add3A_470 = arith.addf %get3A_469, %gather3A : vector<16xf32>
      %swap3A = arith.index_cast %add3A_467 : i32 to index
      %swap3A_471 = tpu.vector_load %arg8[%swap3A] {strides = array<i32>} : memref<20480xf32, #tpu.memory_space<vmem>>, vector<16xf32>,
      tpu.vector_store %arg8[%swap3A], %add3A_470 {strides = array<i32>} : memref<20480xf32, #tpu.memory_space<vmem>>, vector<16xf32>,
      %scan3A_472 = arith.constant 0 : i32
      scf.yield %scan3A_472 : i32
    }
    %scan3A_40 = arith.constant 256 : i32
    %mul3A_41 = arith.constant 5 : i32
    %mul3A_42 = arith.muli %arg0, %mul3A_41 : i32
    %add3A_43 = arith.constant 0 : i32
    %add3A_44 = arith.addi %mul3A_42, %add3A_43 : i32
    %mul3A_45 = arith.constant 64 : i32
    %mul3A_46 = arith.muli %add3A_44, %mul3A_45 : i32
    %mul3A_47 = arith.constant 4 : i32
    %mul3A_48 = arith.muli %arg1, %mul3A_47 : i32
    %add3A_49 = arith.addi %mul3A_46, %mul3A_48 : i32
    %add3A_50 = arith.constant 2 : i32
    %add3A_51 = arith.addi %add3A_49, %add3A_50 : i32
    %mul3A_52 = arith.constant 4096 : i32
    %mul3A_53 = arith.muli %add3A_51, %mul3A_52 : i32
    "tpu.region"() ({
      %run_scoped3A = tpu.sem_alloc : memref<!tpu.dma_semaphore, #tpu.memory_space<semaphore_mem>>
      %dma_start3A = tpu.memref_slice %arg3[%mul3A_53] : memref<2621440xi32, #tpu.memory_space<hbm>> -> memref<4096xi32, #tpu.memory_space<hbm>>
      %dma_start3A_459 = tpu.memref_slice %arg3[%mul3A_53] : memref<2621440xi32, #tpu.memory_space<hbm>> -> memref<4096xi32, #tpu.memory_space<hbm>>
      tpu.enqueue_dma source(%dma_start3A_459 : memref<4096xi32, #tpu.memory_space<hbm>>) target(%arg7 : memref<4096xi32, #tpu.memory_space<vmem>>) target_semaphore(%run_scoped3A : memref<!tpu.dma_semaphore, #tpu.memory_space<semaphore_mem>>)
      %dma_wait3A = tpu.memref_slice %arg3[%mul3A_53] : memref<2621440xi32, #tpu.memory_space<hbm>> -> memref<4096xi32, #tpu.memory_space<hbm>>
      %dma_wait3A_460 = tpu.memref_slice %arg3[%mul3A_53] : memref<2621440xi32, #tpu.memory_space<hbm>> -> memref<4096xi32, #tpu.memory_space<hbm>>
      tpu.wait_dma2 semaphore(%run_scoped3A : memref<!tpu.dma_semaphore, #tpu.memory_space<semaphore_mem>>) src(%dma_wait3A_460 : memref<4096xi32, #tpu.memory_space<hbm>>) dst(%arg7 : memref<4096xi32, #tpu.memory_space<vmem>>)
      tpu.yield
    }) : () -> ()
    %mul3A_54 = arith.constant 65536 : i32
    %mul3A_55 = arith.muli %add3A_51, %mul3A_54 : i32
    "tpu.region"() ({
      %run_scoped3A = tpu.sem_alloc : memref<!tpu.dma_semaphore, #tpu.memory_space<semaphore_mem>>
      %dma_start3A = tpu.memref_slice %arg2[%mul3A_55] : memref<41943040xf32, #tpu.memory_space<hbm>> -> memref<65536xf32, #tpu.memory_space<hbm>>
      %dma_start3A_459 = tpu.memref_slice %arg2[%mul3A_55] : memref<41943040xf32, #tpu.memory_space<hbm>> -> memref<65536xf32, #tpu.memory_space<hbm>>
      tpu.enqueue_dma source(%dma_start3A_459 : memref<65536xf32, #tpu.memory_space<hbm>>) target(%arg6 : memref<65536xf32, #tpu.memory_space<vmem>>) target_semaphore(%run_scoped3A : memref<!tpu.dma_semaphore, #tpu.memory_space<semaphore_mem>>)
      %dma_wait3A = tpu.memref_slice %arg2[%mul3A_55] : memref<41943040xf32, #tpu.memory_space<hbm>> -> memref<65536xf32, #tpu.memory_space<hbm>>
      %dma_wait3A_460 = tpu.memref_slice %arg2[%mul3A_55] : memref<41943040xf32, #tpu.memory_space<hbm>> -> memref<65536xf32, #tpu.memory_space<hbm>>
      tpu.wait_dma2 semaphore(%run_scoped3A : memref<!tpu.dma_semaphore, #tpu.memory_space<semaphore_mem>>) src(%dma_wait3A_460 : memref<65536xf32, #tpu.memory_space<hbm>>) dst(%arg6 : memref<65536xf32, #tpu.memory_space<vmem>>)
      tpu.yield
    }) : () -> ()
    %scan3A_56 = arith.constant 0 : i32
    %scan3A_57 = arith.constant 0 : i32
    %scan3A_58 = arith.constant 256 : i32
    %scan3A_59 = arith.addi %scan3A_57, %scan3A_58 : i32
    %scan3A_60 = arith.constant 1 : i32
    %scan3A_61 = scf.for %scan3A_459 = %scan3A_57 to %scan3A_59 step %scan3A_60 iter_args(%scan3A_460 = %scan3A_56) -> (i32)  : i32 {
      %mul3A_461 = arith.constant 16 : i32
      %mul3A_462 = arith.muli %scan3A_459, %mul3A_461 : i32
      %get3A = arith.index_cast %mul3A_462 : i32 to index
      %get3A_463 = tpu.vector_load %arg7[%get3A] {strides = array<i32>} : memref<4096xi32, #tpu.memory_space<vmem>>, vector<16xi32>,
      %gather3A = tpu.vector_load_idx %arg6[%get3A_463] : memref<65536xf32, #tpu.memory_space<vmem>>[vector<16xi32>], vector<16xf32>,
      %mul3A_464 = arith.constant 16 : i32
      %mul3A_465 = arith.muli %scan3A_459, %mul3A_464 : i32
      %add3A_466 = arith.constant 0 : i32
      %add3A_467 = arith.addi %add3A_466, %mul3A_465 : i32
      %get3A_468 = arith.index_cast %add3A_467 : i32 to index
      %get3A_469 = tpu.vector_load %arg8[%get3A_468] {strides = array<i32>} : memref<20480xf32, #tpu.memory_space<vmem>>, vector<16xf32>,
      %add3A_470 = arith.addf %get3A_469, %gather3A : vector<16xf32>
      %swap3A = arith.index_cast %add3A_467 : i32 to index
      %swap3A_471 = tpu.vector_load %arg8[%swap3A] {strides = array<i32>} : memref<20480xf32, #tpu.memory_space<vmem>>, vector<16xf32>,
      tpu.vector_store %arg8[%swap3A], %add3A_470 {strides = array<i32>} : memref<20480xf32, #tpu.memory_space<vmem>>, vector<16xf32>,
      %scan3A_472 = arith.constant 0 : i32
      scf.yield %scan3A_472 : i32
    }
    %scan3A_62 = arith.constant 256 : i32
    %mul3A_63 = arith.constant 5 : i32
    %mul3A_64 = arith.muli %arg0, %mul3A_63 : i32
    %add3A_65 = arith.constant 0 : i32
    %add3A_66 = arith.addi %mul3A_64, %add3A_65 : i32
    %mul3A_67 = arith.constant 64 : i32
    %mul3A_68 = arith.muli %add3A_66, %mul3A_67 : i32
    %mul3A_69 = arith.constant 4 : i32
    %mul3A_70 = arith.muli %arg1, %mul3A_69 : i32
    %add3A_71 = arith.addi %mul3A_68, %mul3A_70 : i32
    %add3A_72 = arith.constant 3 : i32
    %add3A_73 = arith.addi %add3A_71, %add3A_72 : i32
    %mul3A_74 = arith.constant 4096 : i32
    %mul3A_75 = arith.muli %add3A_73, %mul3A_74 : i32
    "tpu.region"() ({
      %run_scoped3A = tpu.sem_alloc : memref<!tpu.dma_semaphore, #tpu.memory_space<semaphore_mem>>
      %dma_start3A = tpu.memref_slice %arg3[%mul3A_75] : memref<2621440xi32, #tpu.memory_space<hbm>> -> memref<4096xi32, #tpu.memory_space<hbm>>
      %dma_start3A_459 = tpu.memref_slice %arg3[%mul3A_75] : memref<2621440xi32, #tpu.memory_space<hbm>> -> memref<4096xi32, #tpu.memory_space<hbm>>
      tpu.enqueue_dma source(%dma_start3A_459 : memref<4096xi32, #tpu.memory_space<hbm>>) target(%arg7 : memref<4096xi32, #tpu.memory_space<vmem>>) target_semaphore(%run_scoped3A : memref<!tpu.dma_semaphore, #tpu.memory_space<semaphore_mem>>)
      %dma_wait3A = tpu.memref_slice %arg3[%mul3A_75] : memref<2621440xi32, #tpu.memory_space<hbm>> -> memref<4096xi32, #tpu.memory_space<hbm>>
      %dma_wait3A_460 = tpu.memref_slice %arg3[%mul3A_75] : memref<2621440xi32, #tpu.memory_space<hbm>> -> memref<4096xi32, #tpu.memory_space<hbm>>
      tpu.wait_dma2 semaphore(%run_scoped3A : memref<!tpu.dma_semaphore, #tpu.memory_space<semaphore_mem>>) src(%dma_wait3A_460 : memref<4096xi32, #tpu.memory_space<hbm>>) dst(%arg7 : memref<4096xi32, #tpu.memory_space<vmem>>)
      tpu.yield
    }) : () -> ()
    %mul3A_76 = arith.constant 65536 : i32
    %mul3A_77 = arith.muli %add3A_73, %mul3A_76 : i32
    "tpu.region"() ({
      %run_scoped3A = tpu.sem_alloc : memref<!tpu.dma_semaphore, #tpu.memory_space<semaphore_mem>>
      %dma_start3A = tpu.memref_slice %arg2[%mul3A_77] : memref<41943040xf32, #tpu.memory_space<hbm>> -> memref<65536xf32, #tpu.memory_space<hbm>>
      %dma_start3A_459 = tpu.memref_slice %arg2[%mul3A_77] : memref<41943040xf32, #tpu.memory_space<hbm>> -> memref<65536xf32, #tpu.memory_space<hbm>>
      tpu.enqueue_dma source(%dma_start3A_459 : memref<65536xf32, #tpu.memory_space<hbm>>) target(%arg6 : memref<65536xf32, #tpu.memory_space<vmem>>) target_semaphore(%run_scoped3A : memref<!tpu.dma_semaphore, #tpu.memory_space<semaphore_mem>>)
      %dma_wait3A = tpu.memref_slice %arg2[%mul3A_77] : memref<41943040xf32, #tpu.memory_space<hbm>> -> memref<65536xf32, #tpu.memory_space<hbm>>
      %dma_wait3A_460 = tpu.memref_slice %arg2[%mul3A_77] : memref<41943040xf32, #tpu.memory_space<hbm>> -> memref<65536xf32, #tpu.memory_space<hbm>>
      tpu.wait_dma2 semaphore(%run_scoped3A : memref<!tpu.dma_semaphore, #tpu.memory_space<semaphore_mem>>) src(%dma_wait3A_460 : memref<65536xf32, #tpu.memory_space<hbm>>) dst(%arg6 : memref<65536xf32, #tpu.memory_space<vmem>>)
      tpu.yield
    }) : () -> ()
    %scan3A_78 = arith.constant 0 : i32
    %scan3A_79 = arith.constant 0 : i32
    %scan3A_80 = arith.constant 256 : i32
    %scan3A_81 = arith.addi %scan3A_79, %scan3A_80 : i32
    %scan3A_82 = arith.constant 1 : i32
    %scan3A_83 = scf.for %scan3A_459 = %scan3A_79 to %scan3A_81 step %scan3A_82 iter_args(%scan3A_460 = %scan3A_78) -> (i32)  : i32 {
      %mul3A_461 = arith.constant 16 : i32
      %mul3A_462 = arith.muli %scan3A_459, %mul3A_461 : i32
      %get3A = arith.index_cast %mul3A_462 : i32 to index
      %get3A_463 = tpu.vector_load %arg7[%get3A] {strides = array<i32>} : memref<4096xi32, #tpu.memory_space<vmem>>, vector<16xi32>,
      %gather3A = tpu.vector_load_idx %arg6[%get3A_463] : memref<65536xf32, #tpu.memory_space<vmem>>[vector<16xi32>], vector<16xf32>,
      %mul3A_464 = arith.constant 16 : i32
      %mul3A_465 = arith.muli %scan3A_459, %mul3A_464 : i32
      %add3A_466 = arith.constant 0 : i32
      %add3A_467 = arith.addi %add3A_466, %mul3A_465 : i32
      %get3A_468 = arith.index_cast %add3A_467 : i32 to index
      %get3A_469 = tpu.vector_load %arg8[%get3A_468] {strides = array<i32>} : memref<20480xf32, #tpu.memory_space<vmem>>, vector<16xf32>,
      %add3A_470 = arith.addf %get3A_469, %gather3A : vector<16xf32>
      %swap3A = arith.index_cast %add3A_467 : i32 to index
      %swap3A_471 = tpu.vector_load %arg8[%swap3A] {strides = array<i32>} : memref<20480xf32, #tpu.memory_space<vmem>>, vector<16xf32>,
      tpu.vector_store %arg8[%swap3A], %add3A_470 {strides = array<i32>} : memref<20480xf32, #tpu.memory_space<vmem>>, vector<16xf32>,
      %scan3A_472 = arith.constant 0 : i32
      scf.yield %scan3A_472 : i32
    }
    %scan3A_84 = arith.constant 256 : i32
    %mul3A_85 = arith.constant 5 : i32
    %mul3A_86 = arith.muli %arg0, %mul3A_85 : i32
    %add3A_87 = arith.constant 1 : i32
    %add3A_88 = arith.addi %mul3A_86, %add3A_87 : i32
    %mul3A_89 = arith.constant 64 : i32
    %mul3A_90 = arith.muli %add3A_88, %mul3A_89 : i32
    %mul3A_91 = arith.constant 4 : i32
    %mul3A_92 = arith.muli %arg1, %mul3A_91 : i32
    %add3A_93 = arith.addi %mul3A_90, %mul3A_92 : i32
    %add3A_94 = arith.constant 0 : i32
    %add3A_95 = arith.addi %add3A_93, %add3A_94 : i32
    %mul3A_96 = arith.constant 4096 : i32
    %mul3A_97 = arith.muli %add3A_95, %mul3A_96 : i32
    "tpu.region"() ({
      %run_scoped3A = tpu.sem_alloc : memref<!tpu.dma_semaphore, #tpu.memory_space<semaphore_mem>>
      %dma_start3A = tpu.memref_slice %arg3[%mul3A_97] : memref<2621440xi32, #tpu.memory_space<hbm>> -> memref<4096xi32, #tpu.memory_space<hbm>>
      %dma_start3A_459 = tpu.memref_slice %arg3[%mul3A_97] : memref<2621440xi32, #tpu.memory_space<hbm>> -> memref<4096xi32, #tpu.memory_space<hbm>>
      tpu.enqueue_dma source(%dma_start3A_459 : memref<4096xi32, #tpu.memory_space<hbm>>) target(%arg7 : memref<4096xi32, #tpu.memory_space<vmem>>) target_semaphore(%run_scoped3A : memref<!tpu.dma_semaphore, #tpu.memory_space<semaphore_mem>>)
      %dma_wait3A = tpu.memref_slice %arg3[%mul3A_97] : memref<2621440xi32, #tpu.memory_space<hbm>> -> memref<4096xi32, #tpu.memory_space<hbm>>
      %dma_wait3A_460 = tpu.memref_slice %arg3[%mul3A_97] : memref<2621440xi32, #tpu.memory_space<hbm>> -> memref<4096xi32, #tpu.memory_space<hbm>>
      tpu.wait_dma2 semaphore(%run_scoped3A : memref<!tpu.dma_semaphore, #tpu.memory_space<semaphore_mem>>) src(%dma_wait3A_460 : memref<4096xi32, #tpu.memory_space<hbm>>) dst(%arg7 : memref<4096xi32, #tpu.memory_space<vmem>>)
      tpu.yield
    }) : () -> ()
    %mul3A_98 = arith.constant 65536 : i32
    %mul3A_99 = arith.muli %add3A_95, %mul3A_98 : i32
    "tpu.region"() ({
      %run_scoped3A = tpu.sem_alloc : memref<!tpu.dma_semaphore, #tpu.memory_space<semaphore_mem>>
      %dma_start3A = tpu.memref_slice %arg2[%mul3A_99] : memref<41943040xf32, #tpu.memory_space<hbm>> -> memref<65536xf32, #tpu.memory_space<hbm>>
      %dma_start3A_459 = tpu.memref_slice %arg2[%mul3A_99] : memref<41943040xf32, #tpu.memory_space<hbm>> -> memref<65536xf32, #tpu.memory_space<hbm>>
      tpu.enqueue_dma source(%dma_start3A_459 : memref<65536xf32, #tpu.memory_space<hbm>>) target(%arg6 : memref<65536xf32, #tpu.memory_space<vmem>>) target_semaphore(%run_scoped3A : memref<!tpu.dma_semaphore, #tpu.memory_space<semaphore_mem>>)
      %dma_wait3A = tpu.memref_slice %arg2[%mul3A_99] : memref<41943040xf32, #tpu.memory_space<hbm>> -> memref<65536xf32, #tpu.memory_space<hbm>>
      %dma_wait3A_460 = tpu.memref_slice %arg2[%mul3A_99] : memref<41943040xf32, #tpu.memory_space<hbm>> -> memref<65536xf32, #tpu.memory_space<hbm>>
      tpu.wait_dma2 semaphore(%run_scoped3A : memref<!tpu.dma_semaphore, #tpu.memory_space<semaphore_mem>>) src(%dma_wait3A_460 : memref<65536xf32, #tpu.memory_space<hbm>>) dst(%arg6 : memref<65536xf32, #tpu.memory_space<vmem>>)
      tpu.yield
    }) : () -> ()
    %scan3A_100 = arith.constant 0 : i32
    %scan3A_101 = arith.constant 0 : i32
    %scan3A_102 = arith.constant 256 : i32
    %scan3A_103 = arith.addi %scan3A_101, %scan3A_102 : i32
    %scan3A_104 = arith.constant 1 : i32
    %scan3A_105 = scf.for %scan3A_459 = %scan3A_101 to %scan3A_103 step %scan3A_104 iter_args(%scan3A_460 = %scan3A_100) -> (i32)  : i32 {
      %mul3A_461 = arith.constant 16 : i32
      %mul3A_462 = arith.muli %scan3A_459, %mul3A_461 : i32
      %get3A = arith.index_cast %mul3A_462 : i32 to index
      %get3A_463 = tpu.vector_load %arg7[%get3A] {strides = array<i32>} : memref<4096xi32, #tpu.memory_space<vmem>>, vector<16xi32>,
      %gather3A = tpu.vector_load_idx %arg6[%get3A_463] : memref<65536xf32, #tpu.memory_space<vmem>>[vector<16xi32>], vector<16xf32>,
      %mul3A_464 = arith.constant 16 : i32
      %mul3A_465 = arith.muli %scan3A_459, %mul3A_464 : i32
      %add3A_466 = arith.constant 4096 : i32
      %add3A_467 = arith.addi %add3A_466, %mul3A_465 : i32
      %get3A_468 = arith.index_cast %add3A_467 : i32 to index
      %get3A_469 = tpu.vector_load %arg8[%get3A_468] {strides = array<i32>} : memref<20480xf32, #tpu.memory_space<vmem>>, vector<16xf32>,
      %add3A_470 = arith.addf %get3A_469, %gather3A : vector<16xf32>
      %swap3A = arith.index_cast %add3A_467 : i32 to index
      %swap3A_471 = tpu.vector_load %arg8[%swap3A] {strides = array<i32>} : memref<20480xf32, #tpu.memory_space<vmem>>, vector<16xf32>,
      tpu.vector_store %arg8[%swap3A], %add3A_470 {strides = array<i32>} : memref<20480xf32, #tpu.memory_space<vmem>>, vector<16xf32>,
      %scan3A_472 = arith.constant 0 : i32
      scf.yield %scan3A_472 : i32
    }
    %scan3A_106 = arith.constant 256 : i32
    %mul3A_107 = arith.constant 5 : i32
    %mul3A_108 = arith.muli %arg0, %mul3A_107 : i32
    %add3A_109 = arith.constant 1 : i32
    %add3A_110 = arith.addi %mul3A_108, %add3A_109 : i32
    %mul3A_111 = arith.constant 64 : i32
    %mul3A_112 = arith.muli %add3A_110, %mul3A_111 : i32
    %mul3A_113 = arith.constant 4 : i32
    %mul3A_114 = arith.muli %arg1, %mul3A_113 : i32
    %add3A_115 = arith.addi %mul3A_112, %mul3A_114 : i32
    %add3A_116 = arith.constant 1 : i32
    %add3A_117 = arith.addi %add3A_115, %add3A_116 : i32
    %mul3A_118 = arith.constant 4096 : i32
    %mul3A_119 = arith.muli %add3A_117, %mul3A_118 : i32
    "tpu.region"() ({
      %run_scoped3A = tpu.sem_alloc : memref<!tpu.dma_semaphore, #tpu.memory_space<semaphore_mem>>
      %dma_start3A = tpu.memref_slice %arg3[%mul3A_119] : memref<2621440xi32, #tpu.memory_space<hbm>> -> memref<4096xi32, #tpu.memory_space<hbm>>
      %dma_start3A_459 = tpu.memref_slice %arg3[%mul3A_119] : memref<2621440xi32, #tpu.memory_space<hbm>> -> memref<4096xi32, #tpu.memory_space<hbm>>
      tpu.enqueue_dma source(%dma_start3A_459 : memref<4096xi32, #tpu.memory_space<hbm>>) target(%arg7 : memref<4096xi32, #tpu.memory_space<vmem>>) target_semaphore(%run_scoped3A : memref<!tpu.dma_semaphore, #tpu.memory_space<semaphore_mem>>)
      %dma_wait3A = tpu.memref_slice %arg3[%mul3A_119] : memref<2621440xi32, #tpu.memory_space<hbm>> -> memref<4096xi32, #tpu.memory_space<hbm>>
      %dma_wait3A_460 = tpu.memref_slice %arg3[%mul3A_119] : memref<2621440xi32, #tpu.memory_space<hbm>> -> memref<4096xi32, #tpu.memory_space<hbm>>
      tpu.wait_dma2 semaphore(%run_scoped3A : memref<!tpu.dma_semaphore, #tpu.memory_space<semaphore_mem>>) src(%dma_wait3A_460 : memref<4096xi32, #tpu.memory_space<hbm>>) dst(%arg7 : memref<4096xi32, #tpu.memory_space<vmem>>)
      tpu.yield
    }) : () -> ()
    %mul3A_120 = arith.constant 65536 : i32
    %mul3A_121 = arith.muli %add3A_117, %mul3A_120 : i32
    "tpu.region"() ({
      %run_scoped3A = tpu.sem_alloc : memref<!tpu.dma_semaphore, #tpu.memory_space<semaphore_mem>>
      %dma_start3A = tpu.memref_slice %arg2[%mul3A_121] : memref<41943040xf32, #tpu.memory_space<hbm>> -> memref<65536xf32, #tpu.memory_space<hbm>>
      %dma_start3A_459 = tpu.memref_slice %arg2[%mul3A_121] : memref<41943040xf32, #tpu.memory_space<hbm>> -> memref<65536xf32, #tpu.memory_space<hbm>>
      tpu.enqueue_dma source(%dma_start3A_459 : memref<65536xf32, #tpu.memory_space<hbm>>) target(%arg6 : memref<65536xf32, #tpu.memory_space<vmem>>) target_semaphore(%run_scoped3A : memref<!tpu.dma_semaphore, #tpu.memory_space<semaphore_mem>>)
      %dma_wait3A = tpu.memref_slice %arg2[%mul3A_121] : memref<41943040xf32, #tpu.memory_space<hbm>> -> memref<65536xf32, #tpu.memory_space<hbm>>
      %dma_wait3A_460 = tpu.memref_slice %arg2[%mul3A_121] : memref<41943040xf32, #tpu.memory_space<hbm>> -> memref<65536xf32, #tpu.memory_space<hbm>>
      tpu.wait_dma2 semaphore(%run_scoped3A : memref<!tpu.dma_semaphore, #tpu.memory_space<semaphore_mem>>) src(%dma_wait3A_460 : memref<65536xf32, #tpu.memory_space<hbm>>) dst(%arg6 : memref<65536xf32, #tpu.memory_space<vmem>>)
      tpu.yield
    }) : () -> ()
    %scan3A_122 = arith.constant 0 : i32
    %scan3A_123 = arith.constant 0 : i32
    %scan3A_124 = arith.constant 256 : i32
    %scan3A_125 = arith.addi %scan3A_123, %scan3A_124 : i32
    %scan3A_126 = arith.constant 1 : i32
    %scan3A_127 = scf.for %scan3A_459 = %scan3A_123 to %scan3A_125 step %scan3A_126 iter_args(%scan3A_460 = %scan3A_122) -> (i32)  : i32 {
      %mul3A_461 = arith.constant 16 : i32
      %mul3A_462 = arith.muli %scan3A_459, %mul3A_461 : i32
      %get3A = arith.index_cast %mul3A_462 : i32 to index
      %get3A_463 = tpu.vector_load %arg7[%get3A] {strides = array<i32>} : memref<4096xi32, #tpu.memory_space<vmem>>, vector<16xi32>,
      %gather3A = tpu.vector_load_idx %arg6[%get3A_463] : memref<65536xf32, #tpu.memory_space<vmem>>[vector<16xi32>], vector<16xf32>,
      %mul3A_464 = arith.constant 16 : i32
      %mul3A_465 = arith.muli %scan3A_459, %mul3A_464 : i32
      %add3A_466 = arith.constant 4096 : i32
      %add3A_467 = arith.addi %add3A_466, %mul3A_465 : i32
      %get3A_468 = arith.index_cast %add3A_467 : i32 to index
      %get3A_469 = tpu.vector_load %arg8[%get3A_468] {strides = array<i32>} : memref<20480xf32, #tpu.memory_space<vmem>>, vector<16xf32>,
      %add3A_470 = arith.addf %get3A_469, %gather3A : vector<16xf32>
      %swap3A = arith.index_cast %add3A_467 : i32 to index
      %swap3A_471 = tpu.vector_load %arg8[%swap3A] {strides = array<i32>} : memref<20480xf32, #tpu.memory_space<vmem>>, vector<16xf32>,
      tpu.vector_store %arg8[%swap3A], %add3A_470 {strides = array<i32>} : memref<20480xf32, #tpu.memory_space<vmem>>, vector<16xf32>,
      %scan3A_472 = arith.constant 0 : i32
      scf.yield %scan3A_472 : i32
    }
    %scan3A_128 = arith.constant 256 : i32
    %mul3A_129 = arith.constant 5 : i32
    %mul3A_130 = arith.muli %arg0, %mul3A_129 : i32
    %add3A_131 = arith.constant 1 : i32
    %add3A_132 = arith.addi %mul3A_130, %add3A_131 : i32
    %mul3A_133 = arith.constant 64 : i32
    %mul3A_134 = arith.muli %add3A_132, %mul3A_133 : i32
    %mul3A_135 = arith.constant 4 : i32
    %mul3A_136 = arith.muli %arg1, %mul3A_135 : i32
    %add3A_137 = arith.addi %mul3A_134, %mul3A_136 : i32
    %add3A_138 = arith.constant 2 : i32
    %add3A_139 = arith.addi %add3A_137, %add3A_138 : i32
    %mul3A_140 = arith.constant 4096 : i32
    %mul3A_141 = arith.muli %add3A_139, %mul3A_140 : i32
    "tpu.region"() ({
      %run_scoped3A = tpu.sem_alloc : memref<!tpu.dma_semaphore, #tpu.memory_space<semaphore_mem>>
      %dma_start3A = tpu.memref_slice %arg3[%mul3A_141] : memref<2621440xi32, #tpu.memory_space<hbm>> -> memref<4096xi32, #tpu.memory_space<hbm>>
      %dma_start3A_459 = tpu.memref_slice %arg3[%mul3A_141] : memref<2621440xi32, #tpu.memory_space<hbm>> -> memref<4096xi32, #tpu.memory_space<hbm>>
      tpu.enqueue_dma source(%dma_start3A_459 : memref<4096xi32, #tpu.memory_space<hbm>>) target(%arg7 : memref<4096xi32, #tpu.memory_space<vmem>>) target_semaphore(%run_scoped3A : memref<!tpu.dma_semaphore, #tpu.memory_space<semaphore_mem>>)
      %dma_wait3A = tpu.memref_slice %arg3[%mul3A_141] : memref<2621440xi32, #tpu.memory_space<hbm>> -> memref<4096xi32, #tpu.memory_space<hbm>>
      %dma_wait3A_460 = tpu.memref_slice %arg3[%mul3A_141] : memref<2621440xi32, #tpu.memory_space<hbm>> -> memref<4096xi32, #tpu.memory_space<hbm>>
      tpu.wait_dma2 semaphore(%run_scoped3A : memref<!tpu.dma_semaphore, #tpu.memory_space<semaphore_mem>>) src(%dma_wait3A_460 : memref<4096xi32, #tpu.memory_space<hbm>>) dst(%arg7 : memref<4096xi32, #tpu.memory_space<vmem>>)
      tpu.yield
    }) : () -> ()
    %mul3A_142 = arith.constant 65536 : i32
    %mul3A_143 = arith.muli %add3A_139, %mul3A_142 : i32
    "tpu.region"() ({
      %run_scoped3A = tpu.sem_alloc : memref<!tpu.dma_semaphore, #tpu.memory_space<semaphore_mem>>
      %dma_start3A = tpu.memref_slice %arg2[%mul3A_143] : memref<41943040xf32, #tpu.memory_space<hbm>> -> memref<65536xf32, #tpu.memory_space<hbm>>
      %dma_start3A_459 = tpu.memref_slice %arg2[%mul3A_143] : memref<41943040xf32, #tpu.memory_space<hbm>> -> memref<65536xf32, #tpu.memory_space<hbm>>
      tpu.enqueue_dma source(%dma_start3A_459 : memref<65536xf32, #tpu.memory_space<hbm>>) target(%arg6 : memref<65536xf32, #tpu.memory_space<vmem>>) target_semaphore(%run_scoped3A : memref<!tpu.dma_semaphore, #tpu.memory_space<semaphore_mem>>)
      %dma_wait3A = tpu.memref_slice %arg2[%mul3A_143] : memref<41943040xf32, #tpu.memory_space<hbm>> -> memref<65536xf32, #tpu.memory_space<hbm>>
      %dma_wait3A_460 = tpu.memref_slice %arg2[%mul3A_143] : memref<41943040xf32, #tpu.memory_space<hbm>> -> memref<65536xf32, #tpu.memory_space<hbm>>
      tpu.wait_dma2 semaphore(%run_scoped3A : memref<!tpu.dma_semaphore, #tpu.memory_space<semaphore_mem>>) src(%dma_wait3A_460 : memref<65536xf32, #tpu.memory_space<hbm>>) dst(%arg6 : memref<65536xf32, #tpu.memory_space<vmem>>)
      tpu.yield
    }) : () -> ()
    %scan3A_144 = arith.constant 0 : i32
    %scan3A_145 = arith.constant 0 : i32
    %scan3A_146 = arith.constant 256 : i32
    %scan3A_147 = arith.addi %scan3A_145, %scan3A_146 : i32
    %scan3A_148 = arith.constant 1 : i32
    %scan3A_149 = scf.for %scan3A_459 = %scan3A_145 to %scan3A_147 step %scan3A_148 iter_args(%scan3A_460 = %scan3A_144) -> (i32)  : i32 {
      %mul3A_461 = arith.constant 16 : i32
      %mul3A_462 = arith.muli %scan3A_459, %mul3A_461 : i32
      %get3A = arith.index_cast %mul3A_462 : i32 to index
      %get3A_463 = tpu.vector_load %arg7[%get3A] {strides = array<i32>} : memref<4096xi32, #tpu.memory_space<vmem>>, vector<16xi32>,
      %gather3A = tpu.vector_load_idx %arg6[%get3A_463] : memref<65536xf32, #tpu.memory_space<vmem>>[vector<16xi32>], vector<16xf32>,
      %mul3A_464 = arith.constant 16 : i32
      %mul3A_465 = arith.muli %scan3A_459, %mul3A_464 : i32
      %add3A_466 = arith.constant 4096 : i32
      %add3A_467 = arith.addi %add3A_466, %mul3A_465 : i32
      %get3A_468 = arith.index_cast %add3A_467 : i32 to index
      %get3A_469 = tpu.vector_load %arg8[%get3A_468] {strides = array<i32>} : memref<20480xf32, #tpu.memory_space<vmem>>, vector<16xf32>,
      %add3A_470 = arith.addf %get3A_469, %gather3A : vector<16xf32>
      %swap3A = arith.index_cast %add3A_467 : i32 to index
      %swap3A_471 = tpu.vector_load %arg8[%swap3A] {strides = array<i32>} : memref<20480xf32, #tpu.memory_space<vmem>>, vector<16xf32>,
      tpu.vector_store %arg8[%swap3A], %add3A_470 {strides = array<i32>} : memref<20480xf32, #tpu.memory_space<vmem>>, vector<16xf32>,
      %scan3A_472 = arith.constant 0 : i32
      scf.yield %scan3A_472 : i32
    }
    %scan3A_150 = arith.constant 256 : i32
    %mul3A_151 = arith.constant 5 : i32
    %mul3A_152 = arith.muli %arg0, %mul3A_151 : i32
    %add3A_153 = arith.constant 1 : i32
    %add3A_154 = arith.addi %mul3A_152, %add3A_153 : i32
    %mul3A_155 = arith.constant 64 : i32
    %mul3A_156 = arith.muli %add3A_154, %mul3A_155 : i32
    %mul3A_157 = arith.constant 4 : i32
    %mul3A_158 = arith.muli %arg1, %mul3A_157 : i32
    %add3A_159 = arith.addi %mul3A_156, %mul3A_158 : i32
    %add3A_160 = arith.constant 3 : i32
    %add3A_161 = arith.addi %add3A_159, %add3A_160 : i32
    %mul3A_162 = arith.constant 4096 : i32
    %mul3A_163 = arith.muli %add3A_161, %mul3A_162 : i32
    "tpu.region"() ({
      %run_scoped3A = tpu.sem_alloc : memref<!tpu.dma_semaphore, #tpu.memory_space<semaphore_mem>>
      %dma_start3A = tpu.memref_slice %arg3[%mul3A_163] : memref<2621440xi32, #tpu.memory_space<hbm>> -> memref<4096xi32, #tpu.memory_space<hbm>>
      %dma_start3A_459 = tpu.memref_slice %arg3[%mul3A_163] : memref<2621440xi32, #tpu.memory_space<hbm>> -> memref<4096xi32, #tpu.memory_space<hbm>>
      tpu.enqueue_dma source(%dma_start3A_459 : memref<4096xi32, #tpu.memory_space<hbm>>) target(%arg7 : memref<4096xi32, #tpu.memory_space<vmem>>) target_semaphore(%run_scoped3A : memref<!tpu.dma_semaphore, #tpu.memory_space<semaphore_mem>>)
      %dma_wait3A = tpu.memref_slice %arg3[%mul3A_163] : memref<2621440xi32, #tpu.memory_space<hbm>> -> memref<4096xi32, #tpu.memory_space<hbm>>
      %dma_wait3A_460 = tpu.memref_slice %arg3[%mul3A_163] : memref<2621440xi32, #tpu.memory_space<hbm>> -> memref<4096xi32, #tpu.memory_space<hbm>>
      tpu.wait_dma2 semaphore(%run_scoped3A : memref<!tpu.dma_semaphore, #tpu.memory_space<semaphore_mem>>) src(%dma_wait3A_460 : memref<4096xi32, #tpu.memory_space<hbm>>) dst(%arg7 : memref<4096xi32, #tpu.memory_space<vmem>>)
      tpu.yield
    }) : () -> ()
    %mul3A_164 = arith.constant 65536 : i32
    %mul3A_165 = arith.muli %add3A_161, %mul3A_164 : i32
    "tpu.region"() ({
      %run_scoped3A = tpu.sem_alloc : memref<!tpu.dma_semaphore, #tpu.memory_space<semaphore_mem>>
      %dma_start3A = tpu.memref_slice %arg2[%mul3A_165] : memref<41943040xf32, #tpu.memory_space<hbm>> -> memref<65536xf32, #tpu.memory_space<hbm>>
      %dma_start3A_459 = tpu.memref_slice %arg2[%mul3A_165] : memref<41943040xf32, #tpu.memory_space<hbm>> -> memref<65536xf32, #tpu.memory_space<hbm>>
      tpu.enqueue_dma source(%dma_start3A_459 : memref<65536xf32, #tpu.memory_space<hbm>>) target(%arg6 : memref<65536xf32, #tpu.memory_space<vmem>>) target_semaphore(%run_scoped3A : memref<!tpu.dma_semaphore, #tpu.memory_space<semaphore_mem>>)
      %dma_wait3A = tpu.memref_slice %arg2[%mul3A_165] : memref<41943040xf32, #tpu.memory_space<hbm>> -> memref<65536xf32, #tpu.memory_space<hbm>>
      %dma_wait3A_460 = tpu.memref_slice %arg2[%mul3A_165] : memref<41943040xf32, #tpu.memory_space<hbm>> -> memref<65536xf32, #tpu.memory_space<hbm>>
      tpu.wait_dma2 semaphore(%run_scoped3A : memref<!tpu.dma_semaphore, #tpu.memory_space<semaphore_mem>>) src(%dma_wait3A_460 : memref<65536xf32, #tpu.memory_space<hbm>>) dst(%arg6 : memref<65536xf32, #tpu.memory_space<vmem>>)
      tpu.yield
    }) : () -> ()
    %scan3A_166 = arith.constant 0 : i32
    %scan3A_167 = arith.constant 0 : i32
    %scan3A_168 = arith.constant 256 : i32
    %scan3A_169 = arith.addi %scan3A_167, %scan3A_168 : i32
    %scan3A_170 = arith.constant 1 : i32
    %scan3A_171 = scf.for %scan3A_459 = %scan3A_167 to %scan3A_169 step %scan3A_170 iter_args(%scan3A_460 = %scan3A_166) -> (i32)  : i32 {
      %mul3A_461 = arith.constant 16 : i32
      %mul3A_462 = arith.muli %scan3A_459, %mul3A_461 : i32
      %get3A = arith.index_cast %mul3A_462 : i32 to index
      %get3A_463 = tpu.vector_load %arg7[%get3A] {strides = array<i32>} : memref<4096xi32, #tpu.memory_space<vmem>>, vector<16xi32>,
      %gather3A = tpu.vector_load_idx %arg6[%get3A_463] : memref<65536xf32, #tpu.memory_space<vmem>>[vector<16xi32>], vector<16xf32>,
      %mul3A_464 = arith.constant 16 : i32
      %mul3A_465 = arith.muli %scan3A_459, %mul3A_464 : i32
      %add3A_466 = arith.constant 4096 : i32
      %add3A_467 = arith.addi %add3A_466, %mul3A_465 : i32
      %get3A_468 = arith.index_cast %add3A_467 : i32 to index
      %get3A_469 = tpu.vector_load %arg8[%get3A_468] {strides = array<i32>} : memref<20480xf32, #tpu.memory_space<vmem>>, vector<16xf32>,
      %add3A_470 = arith.addf %get3A_469, %gather3A : vector<16xf32>
      %swap3A = arith.index_cast %add3A_467 : i32 to index
      %swap3A_471 = tpu.vector_load %arg8[%swap3A] {strides = array<i32>} : memref<20480xf32, #tpu.memory_space<vmem>>, vector<16xf32>,
      tpu.vector_store %arg8[%swap3A], %add3A_470 {strides = array<i32>} : memref<20480xf32, #tpu.memory_space<vmem>>, vector<16xf32>,
      %scan3A_472 = arith.constant 0 : i32
      scf.yield %scan3A_472 : i32
    }
    %scan3A_172 = arith.constant 256 : i32
    %mul3A_173 = arith.constant 5 : i32
    %mul3A_174 = arith.muli %arg0, %mul3A_173 : i32
    %add3A_175 = arith.constant 2 : i32
    %add3A_176 = arith.addi %mul3A_174, %add3A_175 : i32
    %mul3A_177 = arith.constant 64 : i32
    %mul3A_178 = arith.muli %add3A_176, %mul3A_177 : i32
    %mul3A_179 = arith.constant 4 : i32
    %mul3A_180 = arith.muli %arg1, %mul3A_179 : i32
    %add3A_181 = arith.addi %mul3A_178, %mul3A_180 : i32
    %add3A_182 = arith.constant 0 : i32
    %add3A_183 = arith.addi %add3A_181, %add3A_182 : i32
    %mul3A_184 = arith.constant 4096 : i32
    %mul3A_185 = arith.muli %add3A_183, %mul3A_184 : i32
    "tpu.region"() ({
      %run_scoped3A = tpu.sem_alloc : memref<!tpu.dma_semaphore, #tpu.memory_space<semaphore_mem>>
      %dma_start3A = tpu.memref_slice %arg3[%mul3A_185] : memref<2621440xi32, #tpu.memory_space<hbm>> -> memref<4096xi32, #tpu.memory_space<hbm>>
      %dma_start3A_459 = tpu.memref_slice %arg3[%mul3A_185] : memref<2621440xi32, #tpu.memory_space<hbm>> -> memref<4096xi32, #tpu.memory_space<hbm>>
      tpu.enqueue_dma source(%dma_start3A_459 : memref<4096xi32, #tpu.memory_space<hbm>>) target(%arg7 : memref<4096xi32, #tpu.memory_space<vmem>>) target_semaphore(%run_scoped3A : memref<!tpu.dma_semaphore, #tpu.memory_space<semaphore_mem>>)
      %dma_wait3A = tpu.memref_slice %arg3[%mul3A_185] : memref<2621440xi32, #tpu.memory_space<hbm>> -> memref<4096xi32, #tpu.memory_space<hbm>>
      %dma_wait3A_460 = tpu.memref_slice %arg3[%mul3A_185] : memref<2621440xi32, #tpu.memory_space<hbm>> -> memref<4096xi32, #tpu.memory_space<hbm>>
      tpu.wait_dma2 semaphore(%run_scoped3A : memref<!tpu.dma_semaphore, #tpu.memory_space<semaphore_mem>>) src(%dma_wait3A_460 : memref<4096xi32, #tpu.memory_space<hbm>>) dst(%arg7 : memref<4096xi32, #tpu.memory_space<vmem>>)
      tpu.yield
    }) : () -> ()
    %mul3A_186 = arith.constant 65536 : i32
    %mul3A_187 = arith.muli %add3A_183, %mul3A_186 : i32
    "tpu.region"() ({
      %run_scoped3A = tpu.sem_alloc : memref<!tpu.dma_semaphore, #tpu.memory_space<semaphore_mem>>
      %dma_start3A = tpu.memref_slice %arg2[%mul3A_187] : memref<41943040xf32, #tpu.memory_space<hbm>> -> memref<65536xf32, #tpu.memory_space<hbm>>
      %dma_start3A_459 = tpu.memref_slice %arg2[%mul3A_187] : memref<41943040xf32, #tpu.memory_space<hbm>> -> memref<65536xf32, #tpu.memory_space<hbm>>
      tpu.enqueue_dma source(%dma_start3A_459 : memref<65536xf32, #tpu.memory_space<hbm>>) target(%arg6 : memref<65536xf32, #tpu.memory_space<vmem>>) target_semaphore(%run_scoped3A : memref<!tpu.dma_semaphore, #tpu.memory_space<semaphore_mem>>)
      %dma_wait3A = tpu.memref_slice %arg2[%mul3A_187] : memref<41943040xf32, #tpu.memory_space<hbm>> -> memref<65536xf32, #tpu.memory_space<hbm>>
      %dma_wait3A_460 = tpu.memref_slice %arg2[%mul3A_187] : memref<41943040xf32, #tpu.memory_space<hbm>> -> memref<65536xf32, #tpu.memory_space<hbm>>
      tpu.wait_dma2 semaphore(%run_scoped3A : memref<!tpu.dma_semaphore, #tpu.memory_space<semaphore_mem>>) src(%dma_wait3A_460 : memref<65536xf32, #tpu.memory_space<hbm>>) dst(%arg6 : memref<65536xf32, #tpu.memory_space<vmem>>)
      tpu.yield
    }) : () -> ()
    %scan3A_188 = arith.constant 0 : i32
    %scan3A_189 = arith.constant 0 : i32
    %scan3A_190 = arith.constant 256 : i32
    %scan3A_191 = arith.addi %scan3A_189, %scan3A_190 : i32
    %scan3A_192 = arith.constant 1 : i32
    %scan3A_193 = scf.for %scan3A_459 = %scan3A_189 to %scan3A_191 step %scan3A_192 iter_args(%scan3A_460 = %scan3A_188) -> (i32)  : i32 {
      %mul3A_461 = arith.constant 16 : i32
      %mul3A_462 = arith.muli %scan3A_459, %mul3A_461 : i32
      %get3A = arith.index_cast %mul3A_462 : i32 to index
      %get3A_463 = tpu.vector_load %arg7[%get3A] {strides = array<i32>} : memref<4096xi32, #tpu.memory_space<vmem>>, vector<16xi32>,
      %gather3A = tpu.vector_load_idx %arg6[%get3A_463] : memref<65536xf32, #tpu.memory_space<vmem>>[vector<16xi32>], vector<16xf32>,
      %mul3A_464 = arith.constant 16 : i32
      %mul3A_465 = arith.muli %scan3A_459, %mul3A_464 : i32
      %add3A_466 = arith.constant 8192 : i32
      %add3A_467 = arith.addi %add3A_466, %mul3A_465 : i32
      %get3A_468 = arith.index_cast %add3A_467 : i32 to index
      %get3A_469 = tpu.vector_load %arg8[%get3A_468] {strides = array<i32>} : memref<20480xf32, #tpu.memory_space<vmem>>, vector<16xf32>,
      %add3A_470 = arith.addf %get3A_469, %gather3A : vector<16xf32>
      %swap3A = arith.index_cast %add3A_467 : i32 to index
      %swap3A_471 = tpu.vector_load %arg8[%swap3A] {strides = array<i32>} : memref<20480xf32, #tpu.memory_space<vmem>>, vector<16xf32>,
      tpu.vector_store %arg8[%swap3A], %add3A_470 {strides = array<i32>} : memref<20480xf32, #tpu.memory_space<vmem>>, vector<16xf32>,
      %scan3A_472 = arith.constant 0 : i32
      scf.yield %scan3A_472 : i32
    }
    %scan3A_194 = arith.constant 256 : i32
    %mul3A_195 = arith.constant 5 : i32
    %mul3A_196 = arith.muli %arg0, %mul3A_195 : i32
    %add3A_197 = arith.constant 2 : i32
    %add3A_198 = arith.addi %mul3A_196, %add3A_197 : i32
    %mul3A_199 = arith.constant 64 : i32
    %mul3A_200 = arith.muli %add3A_198, %mul3A_199 : i32
    %mul3A_201 = arith.constant 4 : i32
    %mul3A_202 = arith.muli %arg1, %mul3A_201 : i32
    %add3A_203 = arith.addi %mul3A_200, %mul3A_202 : i32
    %add3A_204 = arith.constant 1 : i32
    %add3A_205 = arith.addi %add3A_203, %add3A_204 : i32
    %mul3A_206 = arith.constant 4096 : i32
    %mul3A_207 = arith.muli %add3A_205, %mul3A_206 : i32
    "tpu.region"() ({
      %run_scoped3A = tpu.sem_alloc : memref<!tpu.dma_semaphore, #tpu.memory_space<semaphore_mem>>
      %dma_start3A = tpu.memref_slice %arg3[%mul3A_207] : memref<2621440xi32, #tpu.memory_space<hbm>> -> memref<4096xi32, #tpu.memory_space<hbm>>
      %dma_start3A_459 = tpu.memref_slice %arg3[%mul3A_207] : memref<2621440xi32, #tpu.memory_space<hbm>> -> memref<4096xi32, #tpu.memory_space<hbm>>
      tpu.enqueue_dma source(%dma_start3A_459 : memref<4096xi32, #tpu.memory_space<hbm>>) target(%arg7 : memref<4096xi32, #tpu.memory_space<vmem>>) target_semaphore(%run_scoped3A : memref<!tpu.dma_semaphore, #tpu.memory_space<semaphore_mem>>)
      %dma_wait3A = tpu.memref_slice %arg3[%mul3A_207] : memref<2621440xi32, #tpu.memory_space<hbm>> -> memref<4096xi32, #tpu.memory_space<hbm>>
      %dma_wait3A_460 = tpu.memref_slice %arg3[%mul3A_207] : memref<2621440xi32, #tpu.memory_space<hbm>> -> memref<4096xi32, #tpu.memory_space<hbm>>
      tpu.wait_dma2 semaphore(%run_scoped3A : memref<!tpu.dma_semaphore, #tpu.memory_space<semaphore_mem>>) src(%dma_wait3A_460 : memref<4096xi32, #tpu.memory_space<hbm>>) dst(%arg7 : memref<4096xi32, #tpu.memory_space<vmem>>)
      tpu.yield
    }) : () -> ()
    %mul3A_208 = arith.constant 65536 : i32
    %mul3A_209 = arith.muli %add3A_205, %mul3A_208 : i32
    "tpu.region"() ({
      %run_scoped3A = tpu.sem_alloc : memref<!tpu.dma_semaphore, #tpu.memory_space<semaphore_mem>>
      %dma_start3A = tpu.memref_slice %arg2[%mul3A_209] : memref<41943040xf32, #tpu.memory_space<hbm>> -> memref<65536xf32, #tpu.memory_space<hbm>>
      %dma_start3A_459 = tpu.memref_slice %arg2[%mul3A_209] : memref<41943040xf32, #tpu.memory_space<hbm>> -> memref<65536xf32, #tpu.memory_space<hbm>>
      tpu.enqueue_dma source(%dma_start3A_459 : memref<65536xf32, #tpu.memory_space<hbm>>) target(%arg6 : memref<65536xf32, #tpu.memory_space<vmem>>) target_semaphore(%run_scoped3A : memref<!tpu.dma_semaphore, #tpu.memory_space<semaphore_mem>>)
      %dma_wait3A = tpu.memref_slice %arg2[%mul3A_209] : memref<41943040xf32, #tpu.memory_space<hbm>> -> memref<65536xf32, #tpu.memory_space<hbm>>
      %dma_wait3A_460 = tpu.memref_slice %arg2[%mul3A_209] : memref<41943040xf32, #tpu.memory_space<hbm>> -> memref<65536xf32, #tpu.memory_space<hbm>>
      tpu.wait_dma2 semaphore(%run_scoped3A : memref<!tpu.dma_semaphore, #tpu.memory_space<semaphore_mem>>) src(%dma_wait3A_460 : memref<65536xf32, #tpu.memory_space<hbm>>) dst(%arg6 : memref<65536xf32, #tpu.memory_space<vmem>>)
      tpu.yield
    }) : () -> ()
    %scan3A_210 = arith.constant 0 : i32
    %scan3A_211 = arith.constant 0 : i32
    %scan3A_212 = arith.constant 256 : i32
    %scan3A_213 = arith.addi %scan3A_211, %scan3A_212 : i32
    %scan3A_214 = arith.constant 1 : i32
    %scan3A_215 = scf.for %scan3A_459 = %scan3A_211 to %scan3A_213 step %scan3A_214 iter_args(%scan3A_460 = %scan3A_210) -> (i32)  : i32 {
      %mul3A_461 = arith.constant 16 : i32
      %mul3A_462 = arith.muli %scan3A_459, %mul3A_461 : i32
      %get3A = arith.index_cast %mul3A_462 : i32 to index
      %get3A_463 = tpu.vector_load %arg7[%get3A] {strides = array<i32>} : memref<4096xi32, #tpu.memory_space<vmem>>, vector<16xi32>,
      %gather3A = tpu.vector_load_idx %arg6[%get3A_463] : memref<65536xf32, #tpu.memory_space<vmem>>[vector<16xi32>], vector<16xf32>,
      %mul3A_464 = arith.constant 16 : i32
      %mul3A_465 = arith.muli %scan3A_459, %mul3A_464 : i32
      %add3A_466 = arith.constant 8192 : i32
      %add3A_467 = arith.addi %add3A_466, %mul3A_465 : i32
      %get3A_468 = arith.index_cast %add3A_467 : i32 to index
      %get3A_469 = tpu.vector_load %arg8[%get3A_468] {strides = array<i32>} : memref<20480xf32, #tpu.memory_space<vmem>>, vector<16xf32>,
      %add3A_470 = arith.addf %get3A_469, %gather3A : vector<16xf32>
      %swap3A = arith.index_cast %add3A_467 : i32 to index
      %swap3A_471 = tpu.vector_load %arg8[%swap3A] {strides = array<i32>} : memref<20480xf32, #tpu.memory_space<vmem>>, vector<16xf32>,
      tpu.vector_store %arg8[%swap3A], %add3A_470 {strides = array<i32>} : memref<20480xf32, #tpu.memory_space<vmem>>, vector<16xf32>,
      %scan3A_472 = arith.constant 0 : i32
      scf.yield %scan3A_472 : i32
    }
    %scan3A_216 = arith.constant 256 : i32
    %mul3A_217 = arith.constant 5 : i32
    %mul3A_218 = arith.muli %arg0, %mul3A_217 : i32
    %add3A_219 = arith.constant 2 : i32
    %add3A_220 = arith.addi %mul3A_218, %add3A_219 : i32
    %mul3A_221 = arith.constant 64 : i32
    %mul3A_222 = arith.muli %add3A_220, %mul3A_221 : i32
    %mul3A_223 = arith.constant 4 : i32
    %mul3A_224 = arith.muli %arg1, %mul3A_223 : i32
    %add3A_225 = arith.addi %mul3A_222, %mul3A_224 : i32
    %add3A_226 = arith.constant 2 : i32
    %add3A_227 = arith.addi %add3A_225, %add3A_226 : i32
    %mul3A_228 = arith.constant 4096 : i32
    %mul3A_229 = arith.muli %add3A_227, %mul3A_228 : i32
    "tpu.region"() ({
      %run_scoped3A = tpu.sem_alloc : memref<!tpu.dma_semaphore, #tpu.memory_space<semaphore_mem>>
      %dma_start3A = tpu.memref_slice %arg3[%mul3A_229] : memref<2621440xi32, #tpu.memory_space<hbm>> -> memref<4096xi32, #tpu.memory_space<hbm>>
      %dma_start3A_459 = tpu.memref_slice %arg3[%mul3A_229] : memref<2621440xi32, #tpu.memory_space<hbm>> -> memref<4096xi32, #tpu.memory_space<hbm>>
      tpu.enqueue_dma source(%dma_start3A_459 : memref<4096xi32, #tpu.memory_space<hbm>>) target(%arg7 : memref<4096xi32, #tpu.memory_space<vmem>>) target_semaphore(%run_scoped3A : memref<!tpu.dma_semaphore, #tpu.memory_space<semaphore_mem>>)
      %dma_wait3A = tpu.memref_slice %arg3[%mul3A_229] : memref<2621440xi32, #tpu.memory_space<hbm>> -> memref<4096xi32, #tpu.memory_space<hbm>>
      %dma_wait3A_460 = tpu.memref_slice %arg3[%mul3A_229] : memref<2621440xi32, #tpu.memory_space<hbm>> -> memref<4096xi32, #tpu.memory_space<hbm>>
      tpu.wait_dma2 semaphore(%run_scoped3A : memref<!tpu.dma_semaphore, #tpu.memory_space<semaphore_mem>>) src(%dma_wait3A_460 : memref<4096xi32, #tpu.memory_space<hbm>>) dst(%arg7 : memref<4096xi32, #tpu.memory_space<vmem>>)
      tpu.yield
    }) : () -> ()
    %mul3A_230 = arith.constant 65536 : i32
    %mul3A_231 = arith.muli %add3A_227, %mul3A_230 : i32
    "tpu.region"() ({
      %run_scoped3A = tpu.sem_alloc : memref<!tpu.dma_semaphore, #tpu.memory_space<semaphore_mem>>
      %dma_start3A = tpu.memref_slice %arg2[%mul3A_231] : memref<41943040xf32, #tpu.memory_space<hbm>> -> memref<65536xf32, #tpu.memory_space<hbm>>
      %dma_start3A_459 = tpu.memref_slice %arg2[%mul3A_231] : memref<41943040xf32, #tpu.memory_space<hbm>> -> memref<65536xf32, #tpu.memory_space<hbm>>
      tpu.enqueue_dma source(%dma_start3A_459 : memref<65536xf32, #tpu.memory_space<hbm>>) target(%arg6 : memref<65536xf32, #tpu.memory_space<vmem>>) target_semaphore(%run_scoped3A : memref<!tpu.dma_semaphore, #tpu.memory_space<semaphore_mem>>)
      %dma_wait3A = tpu.memref_slice %arg2[%mul3A_231] : memref<41943040xf32, #tpu.memory_space<hbm>> -> memref<65536xf32, #tpu.memory_space<hbm>>
      %dma_wait3A_460 = tpu.memref_slice %arg2[%mul3A_231] : memref<41943040xf32, #tpu.memory_space<hbm>> -> memref<65536xf32, #tpu.memory_space<hbm>>
      tpu.wait_dma2 semaphore(%run_scoped3A : memref<!tpu.dma_semaphore, #tpu.memory_space<semaphore_mem>>) src(%dma_wait3A_460 : memref<65536xf32, #tpu.memory_space<hbm>>) dst(%arg6 : memref<65536xf32, #tpu.memory_space<vmem>>)
      tpu.yield
    }) : () -> ()
    %scan3A_232 = arith.constant 0 : i32
    %scan3A_233 = arith.constant 0 : i32
    %scan3A_234 = arith.constant 256 : i32
    %scan3A_235 = arith.addi %scan3A_233, %scan3A_234 : i32
    %scan3A_236 = arith.constant 1 : i32
    %scan3A_237 = scf.for %scan3A_459 = %scan3A_233 to %scan3A_235 step %scan3A_236 iter_args(%scan3A_460 = %scan3A_232) -> (i32)  : i32 {
      %mul3A_461 = arith.constant 16 : i32
      %mul3A_462 = arith.muli %scan3A_459, %mul3A_461 : i32
      %get3A = arith.index_cast %mul3A_462 : i32 to index
      %get3A_463 = tpu.vector_load %arg7[%get3A] {strides = array<i32>} : memref<4096xi32, #tpu.memory_space<vmem>>, vector<16xi32>,
      %gather3A = tpu.vector_load_idx %arg6[%get3A_463] : memref<65536xf32, #tpu.memory_space<vmem>>[vector<16xi32>], vector<16xf32>,
      %mul3A_464 = arith.constant 16 : i32
      %mul3A_465 = arith.muli %scan3A_459, %mul3A_464 : i32
      %add3A_466 = arith.constant 8192 : i32
      %add3A_467 = arith.addi %add3A_466, %mul3A_465 : i32
      %get3A_468 = arith.index_cast %add3A_467 : i32 to index
      %get3A_469 = tpu.vector_load %arg8[%get3A_468] {strides = array<i32>} : memref<20480xf32, #tpu.memory_space<vmem>>, vector<16xf32>,
      %add3A_470 = arith.addf %get3A_469, %gather3A : vector<16xf32>
      %swap3A = arith.index_cast %add3A_467 : i32 to index
      %swap3A_471 = tpu.vector_load %arg8[%swap3A] {strides = array<i32>} : memref<20480xf32, #tpu.memory_space<vmem>>, vector<16xf32>,
      tpu.vector_store %arg8[%swap3A], %add3A_470 {strides = array<i32>} : memref<20480xf32, #tpu.memory_space<vmem>>, vector<16xf32>,
      %scan3A_472 = arith.constant 0 : i32
      scf.yield %scan3A_472 : i32
    }
    %scan3A_238 = arith.constant 256 : i32
    %mul3A_239 = arith.constant 5 : i32
    %mul3A_240 = arith.muli %arg0, %mul3A_239 : i32
    %add3A_241 = arith.constant 2 : i32
    %add3A_242 = arith.addi %mul3A_240, %add3A_241 : i32
    %mul3A_243 = arith.constant 64 : i32
    %mul3A_244 = arith.muli %add3A_242, %mul3A_243 : i32
    %mul3A_245 = arith.constant 4 : i32
    %mul3A_246 = arith.muli %arg1, %mul3A_245 : i32
    %add3A_247 = arith.addi %mul3A_244, %mul3A_246 : i32
    %add3A_248 = arith.constant 3 : i32
    %add3A_249 = arith.addi %add3A_247, %add3A_248 : i32
    %mul3A_250 = arith.constant 4096 : i32
    %mul3A_251 = arith.muli %add3A_249, %mul3A_250 : i32
    "tpu.region"() ({
      %run_scoped3A = tpu.sem_alloc : memref<!tpu.dma_semaphore, #tpu.memory_space<semaphore_mem>>
      %dma_start3A = tpu.memref_slice %arg3[%mul3A_251] : memref<2621440xi32, #tpu.memory_space<hbm>> -> memref<4096xi32, #tpu.memory_space<hbm>>
      %dma_start3A_459 = tpu.memref_slice %arg3[%mul3A_251] : memref<2621440xi32, #tpu.memory_space<hbm>> -> memref<4096xi32, #tpu.memory_space<hbm>>
      tpu.enqueue_dma source(%dma_start3A_459 : memref<4096xi32, #tpu.memory_space<hbm>>) target(%arg7 : memref<4096xi32, #tpu.memory_space<vmem>>) target_semaphore(%run_scoped3A : memref<!tpu.dma_semaphore, #tpu.memory_space<semaphore_mem>>)
      %dma_wait3A = tpu.memref_slice %arg3[%mul3A_251] : memref<2621440xi32, #tpu.memory_space<hbm>> -> memref<4096xi32, #tpu.memory_space<hbm>>
      %dma_wait3A_460 = tpu.memref_slice %arg3[%mul3A_251] : memref<2621440xi32, #tpu.memory_space<hbm>> -> memref<4096xi32, #tpu.memory_space<hbm>>
      tpu.wait_dma2 semaphore(%run_scoped3A : memref<!tpu.dma_semaphore, #tpu.memory_space<semaphore_mem>>) src(%dma_wait3A_460 : memref<4096xi32, #tpu.memory_space<hbm>>) dst(%arg7 : memref<4096xi32, #tpu.memory_space<vmem>>)
      tpu.yield
    }) : () -> ()
    %mul3A_252 = arith.constant 65536 : i32
    %mul3A_253 = arith.muli %add3A_249, %mul3A_252 : i32
    "tpu.region"() ({
      %run_scoped3A = tpu.sem_alloc : memref<!tpu.dma_semaphore, #tpu.memory_space<semaphore_mem>>
      %dma_start3A = tpu.memref_slice %arg2[%mul3A_253] : memref<41943040xf32, #tpu.memory_space<hbm>> -> memref<65536xf32, #tpu.memory_space<hbm>>
      %dma_start3A_459 = tpu.memref_slice %arg2[%mul3A_253] : memref<41943040xf32, #tpu.memory_space<hbm>> -> memref<65536xf32, #tpu.memory_space<hbm>>
      tpu.enqueue_dma source(%dma_start3A_459 : memref<65536xf32, #tpu.memory_space<hbm>>) target(%arg6 : memref<65536xf32, #tpu.memory_space<vmem>>) target_semaphore(%run_scoped3A : memref<!tpu.dma_semaphore, #tpu.memory_space<semaphore_mem>>)
      %dma_wait3A = tpu.memref_slice %arg2[%mul3A_253] : memref<41943040xf32, #tpu.memory_space<hbm>> -> memref<65536xf32, #tpu.memory_space<hbm>>
      %dma_wait3A_460 = tpu.memref_slice %arg2[%mul3A_253] : memref<41943040xf32, #tpu.memory_space<hbm>> -> memref<65536xf32, #tpu.memory_space<hbm>>
      tpu.wait_dma2 semaphore(%run_scoped3A : memref<!tpu.dma_semaphore, #tpu.memory_space<semaphore_mem>>) src(%dma_wait3A_460 : memref<65536xf32, #tpu.memory_space<hbm>>) dst(%arg6 : memref<65536xf32, #tpu.memory_space<vmem>>)
      tpu.yield
    }) : () -> ()
    %scan3A_254 = arith.constant 0 : i32
    %scan3A_255 = arith.constant 0 : i32
    %scan3A_256 = arith.constant 256 : i32
    %scan3A_257 = arith.addi %scan3A_255, %scan3A_256 : i32
    %scan3A_258 = arith.constant 1 : i32
    %scan3A_259 = scf.for %scan3A_459 = %scan3A_255 to %scan3A_257 step %scan3A_258 iter_args(%scan3A_460 = %scan3A_254) -> (i32)  : i32 {
      %mul3A_461 = arith.constant 16 : i32
      %mul3A_462 = arith.muli %scan3A_459, %mul3A_461 : i32
      %get3A = arith.index_cast %mul3A_462 : i32 to index
      %get3A_463 = tpu.vector_load %arg7[%get3A] {strides = array<i32>} : memref<4096xi32, #tpu.memory_space<vmem>>, vector<16xi32>,
      %gather3A = tpu.vector_load_idx %arg6[%get3A_463] : memref<65536xf32, #tpu.memory_space<vmem>>[vector<16xi32>], vector<16xf32>,
      %mul3A_464 = arith.constant 16 : i32
      %mul3A_465 = arith.muli %scan3A_459, %mul3A_464 : i32
      %add3A_466 = arith.constant 8192 : i32
      %add3A_467 = arith.addi %add3A_466, %mul3A_465 : i32
      %get3A_468 = arith.index_cast %add3A_467 : i32 to index
      %get3A_469 = tpu.vector_load %arg8[%get3A_468] {strides = array<i32>} : memref<20480xf32, #tpu.memory_space<vmem>>, vector<16xf32>,
      %add3A_470 = arith.addf %get3A_469, %gather3A : vector<16xf32>
      %swap3A = arith.index_cast %add3A_467 : i32 to index
      %swap3A_471 = tpu.vector_load %arg8[%swap3A] {strides = array<i32>} : memref<20480xf32, #tpu.memory_space<vmem>>, vector<16xf32>,
      tpu.vector_store %arg8[%swap3A], %add3A_470 {strides = array<i32>} : memref<20480xf32, #tpu.memory_space<vmem>>, vector<16xf32>,
      %scan3A_472 = arith.constant 0 : i32
      scf.yield %scan3A_472 : i32
    }
    %scan3A_260 = arith.constant 256 : i32
    %mul3A_261 = arith.constant 5 : i32
    %mul3A_262 = arith.muli %arg0, %mul3A_261 : i32
    %add3A_263 = arith.constant 3 : i32
    %add3A_264 = arith.addi %mul3A_262, %add3A_263 : i32
    %mul3A_265 = arith.constant 64 : i32
    %mul3A_266 = arith.muli %add3A_264, %mul3A_265 : i32
    %mul3A_267 = arith.constant 4 : i32
    %mul3A_268 = arith.muli %arg1, %mul3A_267 : i32
    %add3A_269 = arith.addi %mul3A_266, %mul3A_268 : i32
    %add3A_270 = arith.constant 0 : i32
    %add3A_271 = arith.addi %add3A_269, %add3A_270 : i32
    %mul3A_272 = arith.constant 4096 : i32
    %mul3A_273 = arith.muli %add3A_271, %mul3A_272 : i32
    "tpu.region"() ({
      %run_scoped3A = tpu.sem_alloc : memref<!tpu.dma_semaphore, #tpu.memory_space<semaphore_mem>>
      %dma_start3A = tpu.memref_slice %arg3[%mul3A_273] : memref<2621440xi32, #tpu.memory_space<hbm>> -> memref<4096xi32, #tpu.memory_space<hbm>>
      %dma_start3A_459 = tpu.memref_slice %arg3[%mul3A_273] : memref<2621440xi32, #tpu.memory_space<hbm>> -> memref<4096xi32, #tpu.memory_space<hbm>>
      tpu.enqueue_dma source(%dma_start3A_459 : memref<4096xi32, #tpu.memory_space<hbm>>) target(%arg7 : memref<4096xi32, #tpu.memory_space<vmem>>) target_semaphore(%run_scoped3A : memref<!tpu.dma_semaphore, #tpu.memory_space<semaphore_mem>>)
      %dma_wait3A = tpu.memref_slice %arg3[%mul3A_273] : memref<2621440xi32, #tpu.memory_space<hbm>> -> memref<4096xi32, #tpu.memory_space<hbm>>
      %dma_wait3A_460 = tpu.memref_slice %arg3[%mul3A_273] : memref<2621440xi32, #tpu.memory_space<hbm>> -> memref<4096xi32, #tpu.memory_space<hbm>>
      tpu.wait_dma2 semaphore(%run_scoped3A : memref<!tpu.dma_semaphore, #tpu.memory_space<semaphore_mem>>) src(%dma_wait3A_460 : memref<4096xi32, #tpu.memory_space<hbm>>) dst(%arg7 : memref<4096xi32, #tpu.memory_space<vmem>>)
      tpu.yield
    }) : () -> ()
    %mul3A_274 = arith.constant 65536 : i32
    %mul3A_275 = arith.muli %add3A_271, %mul3A_274 : i32
    "tpu.region"() ({
      %run_scoped3A = tpu.sem_alloc : memref<!tpu.dma_semaphore, #tpu.memory_space<semaphore_mem>>
      %dma_start3A = tpu.memref_slice %arg2[%mul3A_275] : memref<41943040xf32, #tpu.memory_space<hbm>> -> memref<65536xf32, #tpu.memory_space<hbm>>
      %dma_start3A_459 = tpu.memref_slice %arg2[%mul3A_275] : memref<41943040xf32, #tpu.memory_space<hbm>> -> memref<65536xf32, #tpu.memory_space<hbm>>
      tpu.enqueue_dma source(%dma_start3A_459 : memref<65536xf32, #tpu.memory_space<hbm>>) target(%arg6 : memref<65536xf32, #tpu.memory_space<vmem>>) target_semaphore(%run_scoped3A : memref<!tpu.dma_semaphore, #tpu.memory_space<semaphore_mem>>)
      %dma_wait3A = tpu.memref_slice %arg2[%mul3A_275] : memref<41943040xf32, #tpu.memory_space<hbm>> -> memref<65536xf32, #tpu.memory_space<hbm>>
      %dma_wait3A_460 = tpu.memref_slice %arg2[%mul3A_275] : memref<41943040xf32, #tpu.memory_space<hbm>> -> memref<65536xf32, #tpu.memory_space<hbm>>
      tpu.wait_dma2 semaphore(%run_scoped3A : memref<!tpu.dma_semaphore, #tpu.memory_space<semaphore_mem>>) src(%dma_wait3A_460 : memref<65536xf32, #tpu.memory_space<hbm>>) dst(%arg6 : memref<65536xf32, #tpu.memory_space<vmem>>)
      tpu.yield
    }) : () -> ()
    %scan3A_276 = arith.constant 0 : i32
    %scan3A_277 = arith.constant 0 : i32
    %scan3A_278 = arith.constant 256 : i32
    %scan3A_279 = arith.addi %scan3A_277, %scan3A_278 : i32
    %scan3A_280 = arith.constant 1 : i32
    %scan3A_281 = scf.for %scan3A_459 = %scan3A_277 to %scan3A_279 step %scan3A_280 iter_args(%scan3A_460 = %scan3A_276) -> (i32)  : i32 {
      %mul3A_461 = arith.constant 16 : i32
      %mul3A_462 = arith.muli %scan3A_459, %mul3A_461 : i32
      %get3A = arith.index_cast %mul3A_462 : i32 to index
      %get3A_463 = tpu.vector_load %arg7[%get3A] {strides = array<i32>} : memref<4096xi32, #tpu.memory_space<vmem>>, vector<16xi32>,
      %gather3A = tpu.vector_load_idx %arg6[%get3A_463] : memref<65536xf32, #tpu.memory_space<vmem>>[vector<16xi32>], vector<16xf32>,
      %mul3A_464 = arith.constant 16 : i32
      %mul3A_465 = arith.muli %scan3A_459, %mul3A_464 : i32
      %add3A_466 = arith.constant 12288 : i32
      %add3A_467 = arith.addi %add3A_466, %mul3A_465 : i32
      %get3A_468 = arith.index_cast %add3A_467 : i32 to index
      %get3A_469 = tpu.vector_load %arg8[%get3A_468] {strides = array<i32>} : memref<20480xf32, #tpu.memory_space<vmem>>, vector<16xf32>,
      %add3A_470 = arith.addf %get3A_469, %gather3A : vector<16xf32>
      %swap3A = arith.index_cast %add3A_467 : i32 to index
      %swap3A_471 = tpu.vector_load %arg8[%swap3A] {strides = array<i32>} : memref<20480xf32, #tpu.memory_space<vmem>>, vector<16xf32>,
      tpu.vector_store %arg8[%swap3A], %add3A_470 {strides = array<i32>} : memref<20480xf32, #tpu.memory_space<vmem>>, vector<16xf32>,
      %scan3A_472 = arith.constant 0 : i32
      scf.yield %scan3A_472 : i32
    }
    %scan3A_282 = arith.constant 256 : i32
    %mul3A_283 = arith.constant 5 : i32
    %mul3A_284 = arith.muli %arg0, %mul3A_283 : i32
    %add3A_285 = arith.constant 3 : i32
    %add3A_286 = arith.addi %mul3A_284, %add3A_285 : i32
    %mul3A_287 = arith.constant 64 : i32
    %mul3A_288 = arith.muli %add3A_286, %mul3A_287 : i32
    %mul3A_289 = arith.constant 4 : i32
    %mul3A_290 = arith.muli %arg1, %mul3A_289 : i32
    %add3A_291 = arith.addi %mul3A_288, %mul3A_290 : i32
    %add3A_292 = arith.constant 1 : i32
    %add3A_293 = arith.addi %add3A_291, %add3A_292 : i32
    %mul3A_294 = arith.constant 4096 : i32
    %mul3A_295 = arith.muli %add3A_293, %mul3A_294 : i32
    "tpu.region"() ({
      %run_scoped3A = tpu.sem_alloc : memref<!tpu.dma_semaphore, #tpu.memory_space<semaphore_mem>>
      %dma_start3A = tpu.memref_slice %arg3[%mul3A_295] : memref<2621440xi32, #tpu.memory_space<hbm>> -> memref<4096xi32, #tpu.memory_space<hbm>>
      %dma_start3A_459 = tpu.memref_slice %arg3[%mul3A_295] : memref<2621440xi32, #tpu.memory_space<hbm>> -> memref<4096xi32, #tpu.memory_space<hbm>>
      tpu.enqueue_dma source(%dma_start3A_459 : memref<4096xi32, #tpu.memory_space<hbm>>) target(%arg7 : memref<4096xi32, #tpu.memory_space<vmem>>) target_semaphore(%run_scoped3A : memref<!tpu.dma_semaphore, #tpu.memory_space<semaphore_mem>>)
      %dma_wait3A = tpu.memref_slice %arg3[%mul3A_295] : memref<2621440xi32, #tpu.memory_space<hbm>> -> memref<4096xi32, #tpu.memory_space<hbm>>
      %dma_wait3A_460 = tpu.memref_slice %arg3[%mul3A_295] : memref<2621440xi32, #tpu.memory_space<hbm>> -> memref<4096xi32, #tpu.memory_space<hbm>>
      tpu.wait_dma2 semaphore(%run_scoped3A : memref<!tpu.dma_semaphore, #tpu.memory_space<semaphore_mem>>) src(%dma_wait3A_460 : memref<4096xi32, #tpu.memory_space<hbm>>) dst(%arg7 : memref<4096xi32, #tpu.memory_space<vmem>>)
      tpu.yield
    }) : () -> ()
    %mul3A_296 = arith.constant 65536 : i32
    %mul3A_297 = arith.muli %add3A_293, %mul3A_296 : i32
    "tpu.region"() ({
      %run_scoped3A = tpu.sem_alloc : memref<!tpu.dma_semaphore, #tpu.memory_space<semaphore_mem>>
      %dma_start3A = tpu.memref_slice %arg2[%mul3A_297] : memref<41943040xf32, #tpu.memory_space<hbm>> -> memref<65536xf32, #tpu.memory_space<hbm>>
      %dma_start3A_459 = tpu.memref_slice %arg2[%mul3A_297] : memref<41943040xf32, #tpu.memory_space<hbm>> -> memref<65536xf32, #tpu.memory_space<hbm>>
      tpu.enqueue_dma source(%dma_start3A_459 : memref<65536xf32, #tpu.memory_space<hbm>>) target(%arg6 : memref<65536xf32, #tpu.memory_space<vmem>>) target_semaphore(%run_scoped3A : memref<!tpu.dma_semaphore, #tpu.memory_space<semaphore_mem>>)
      %dma_wait3A = tpu.memref_slice %arg2[%mul3A_297] : memref<41943040xf32, #tpu.memory_space<hbm>> -> memref<65536xf32, #tpu.memory_space<hbm>>
      %dma_wait3A_460 = tpu.memref_slice %arg2[%mul3A_297] : memref<41943040xf32, #tpu.memory_space<hbm>> -> memref<65536xf32, #tpu.memory_space<hbm>>
      tpu.wait_dma2 semaphore(%run_scoped3A : memref<!tpu.dma_semaphore, #tpu.memory_space<semaphore_mem>>) src(%dma_wait3A_460 : memref<65536xf32, #tpu.memory_space<hbm>>) dst(%arg6 : memref<65536xf32, #tpu.memory_space<vmem>>)
      tpu.yield
    }) : () -> ()
    %scan3A_298 = arith.constant 0 : i32
    %scan3A_299 = arith.constant 0 : i32
    %scan3A_300 = arith.constant 256 : i32
    %scan3A_301 = arith.addi %scan3A_299, %scan3A_300 : i32
    %scan3A_302 = arith.constant 1 : i32
    %scan3A_303 = scf.for %scan3A_459 = %scan3A_299 to %scan3A_301 step %scan3A_302 iter_args(%scan3A_460 = %scan3A_298) -> (i32)  : i32 {
      %mul3A_461 = arith.constant 16 : i32
      %mul3A_462 = arith.muli %scan3A_459, %mul3A_461 : i32
      %get3A = arith.index_cast %mul3A_462 : i32 to index
      %get3A_463 = tpu.vector_load %arg7[%get3A] {strides = array<i32>} : memref<4096xi32, #tpu.memory_space<vmem>>, vector<16xi32>,
      %gather3A = tpu.vector_load_idx %arg6[%get3A_463] : memref<65536xf32, #tpu.memory_space<vmem>>[vector<16xi32>], vector<16xf32>,
      %mul3A_464 = arith.constant 16 : i32
      %mul3A_465 = arith.muli %scan3A_459, %mul3A_464 : i32
      %add3A_466 = arith.constant 12288 : i32
      %add3A_467 = arith.addi %add3A_466, %mul3A_465 : i32
      %get3A_468 = arith.index_cast %add3A_467 : i32 to index
      %get3A_469 = tpu.vector_load %arg8[%get3A_468] {strides = array<i32>} : memref<20480xf32, #tpu.memory_space<vmem>>, vector<16xf32>,
      %add3A_470 = arith.addf %get3A_469, %gather3A : vector<16xf32>
      %swap3A = arith.index_cast %add3A_467 : i32 to index
      %swap3A_471 = tpu.vector_load %arg8[%swap3A] {strides = array<i32>} : memref<20480xf32, #tpu.memory_space<vmem>>, vector<16xf32>,
      tpu.vector_store %arg8[%swap3A], %add3A_470 {strides = array<i32>} : memref<20480xf32, #tpu.memory_space<vmem>>, vector<16xf32>,
      %scan3A_472 = arith.constant 0 : i32
      scf.yield %scan3A_472 : i32
    }
    %scan3A_304 = arith.constant 256 : i32
    %mul3A_305 = arith.constant 5 : i32
    %mul3A_306 = arith.muli %arg0, %mul3A_305 : i32
    %add3A_307 = arith.constant 3 : i32
    %add3A_308 = arith.addi %mul3A_306, %add3A_307 : i32
    %mul3A_309 = arith.constant 64 : i32
    %mul3A_310 = arith.muli %add3A_308, %mul3A_309 : i32
    %mul3A_311 = arith.constant 4 : i32
    %mul3A_312 = arith.muli %arg1, %mul3A_311 : i32
    %add3A_313 = arith.addi %mul3A_310, %mul3A_312 : i32
    %add3A_314 = arith.constant 2 : i32
    %add3A_315 = arith.addi %add3A_313, %add3A_314 : i32
    %mul3A_316 = arith.constant 4096 : i32
    %mul3A_317 = arith.muli %add3A_315, %mul3A_316 : i32
    "tpu.region"() ({
      %run_scoped3A = tpu.sem_alloc : memref<!tpu.dma_semaphore, #tpu.memory_space<semaphore_mem>>
      %dma_start3A = tpu.memref_slice %arg3[%mul3A_317] : memref<2621440xi32, #tpu.memory_space<hbm>> -> memref<4096xi32, #tpu.memory_space<hbm>>
      %dma_start3A_459 = tpu.memref_slice %arg3[%mul3A_317] : memref<2621440xi32, #tpu.memory_space<hbm>> -> memref<4096xi32, #tpu.memory_space<hbm>>
      tpu.enqueue_dma source(%dma_start3A_459 : memref<4096xi32, #tpu.memory_space<hbm>>) target(%arg7 : memref<4096xi32, #tpu.memory_space<vmem>>) target_semaphore(%run_scoped3A : memref<!tpu.dma_semaphore, #tpu.memory_space<semaphore_mem>>)
      %dma_wait3A = tpu.memref_slice %arg3[%mul3A_317] : memref<2621440xi32, #tpu.memory_space<hbm>> -> memref<4096xi32, #tpu.memory_space<hbm>>
      %dma_wait3A_460 = tpu.memref_slice %arg3[%mul3A_317] : memref<2621440xi32, #tpu.memory_space<hbm>> -> memref<4096xi32, #tpu.memory_space<hbm>>
      tpu.wait_dma2 semaphore(%run_scoped3A : memref<!tpu.dma_semaphore, #tpu.memory_space<semaphore_mem>>) src(%dma_wait3A_460 : memref<4096xi32, #tpu.memory_space<hbm>>) dst(%arg7 : memref<4096xi32, #tpu.memory_space<vmem>>)
      tpu.yield
    }) : () -> ()
    %mul3A_318 = arith.constant 65536 : i32
    %mul3A_319 = arith.muli %add3A_315, %mul3A_318 : i32
    "tpu.region"() ({
      %run_scoped3A = tpu.sem_alloc : memref<!tpu.dma_semaphore, #tpu.memory_space<semaphore_mem>>
      %dma_start3A = tpu.memref_slice %arg2[%mul3A_319] : memref<41943040xf32, #tpu.memory_space<hbm>> -> memref<65536xf32, #tpu.memory_space<hbm>>
      %dma_start3A_459 = tpu.memref_slice %arg2[%mul3A_319] : memref<41943040xf32, #tpu.memory_space<hbm>> -> memref<65536xf32, #tpu.memory_space<hbm>>
      tpu.enqueue_dma source(%dma_start3A_459 : memref<65536xf32, #tpu.memory_space<hbm>>) target(%arg6 : memref<65536xf32, #tpu.memory_space<vmem>>) target_semaphore(%run_scoped3A : memref<!tpu.dma_semaphore, #tpu.memory_space<semaphore_mem>>)
      %dma_wait3A = tpu.memref_slice %arg2[%mul3A_319] : memref<41943040xf32, #tpu.memory_space<hbm>> -> memref<65536xf32, #tpu.memory_space<hbm>>
      %dma_wait3A_460 = tpu.memref_slice %arg2[%mul3A_319] : memref<41943040xf32, #tpu.memory_space<hbm>> -> memref<65536xf32, #tpu.memory_space<hbm>>
      tpu.wait_dma2 semaphore(%run_scoped3A : memref<!tpu.dma_semaphore, #tpu.memory_space<semaphore_mem>>) src(%dma_wait3A_460 : memref<65536xf32, #tpu.memory_space<hbm>>) dst(%arg6 : memref<65536xf32, #tpu.memory_space<vmem>>)
      tpu.yield
    }) : () -> ()
    %scan3A_320 = arith.constant 0 : i32
    %scan3A_321 = arith.constant 0 : i32
    %scan3A_322 = arith.constant 256 : i32
    %scan3A_323 = arith.addi %scan3A_321, %scan3A_322 : i32
    %scan3A_324 = arith.constant 1 : i32
    %scan3A_325 = scf.for %scan3A_459 = %scan3A_321 to %scan3A_323 step %scan3A_324 iter_args(%scan3A_460 = %scan3A_320) -> (i32)  : i32 {
      %mul3A_461 = arith.constant 16 : i32
      %mul3A_462 = arith.muli %scan3A_459, %mul3A_461 : i32
      %get3A = arith.index_cast %mul3A_462 : i32 to index
      %get3A_463 = tpu.vector_load %arg7[%get3A] {strides = array<i32>} : memref<4096xi32, #tpu.memory_space<vmem>>, vector<16xi32>,
      %gather3A = tpu.vector_load_idx %arg6[%get3A_463] : memref<65536xf32, #tpu.memory_space<vmem>>[vector<16xi32>], vector<16xf32>,
      %mul3A_464 = arith.constant 16 : i32
      %mul3A_465 = arith.muli %scan3A_459, %mul3A_464 : i32
      %add3A_466 = arith.constant 12288 : i32
      %add3A_467 = arith.addi %add3A_466, %mul3A_465 : i32
      %get3A_468 = arith.index_cast %add3A_467 : i32 to index
      %get3A_469 = tpu.vector_load %arg8[%get3A_468] {strides = array<i32>} : memref<20480xf32, #tpu.memory_space<vmem>>, vector<16xf32>,
      %add3A_470 = arith.addf %get3A_469, %gather3A : vector<16xf32>
      %swap3A = arith.index_cast %add3A_467 : i32 to index
      %swap3A_471 = tpu.vector_load %arg8[%swap3A] {strides = array<i32>} : memref<20480xf32, #tpu.memory_space<vmem>>, vector<16xf32>,
      tpu.vector_store %arg8[%swap3A], %add3A_470 {strides = array<i32>} : memref<20480xf32, #tpu.memory_space<vmem>>, vector<16xf32>,
      %scan3A_472 = arith.constant 0 : i32
      scf.yield %scan3A_472 : i32
    }
    %scan3A_326 = arith.constant 256 : i32
    %mul3A_327 = arith.constant 5 : i32
    %mul3A_328 = arith.muli %arg0, %mul3A_327 : i32
    %add3A_329 = arith.constant 3 : i32
    %add3A_330 = arith.addi %mul3A_328, %add3A_329 : i32
    %mul3A_331 = arith.constant 64 : i32
    %mul3A_332 = arith.muli %add3A_330, %mul3A_331 : i32
    %mul3A_333 = arith.constant 4 : i32
    %mul3A_334 = arith.muli %arg1, %mul3A_333 : i32
    %add3A_335 = arith.addi %mul3A_332, %mul3A_334 : i32
    %add3A_336 = arith.constant 3 : i32
    %add3A_337 = arith.addi %add3A_335, %add3A_336 : i32
    %mul3A_338 = arith.constant 4096 : i32
    %mul3A_339 = arith.muli %add3A_337, %mul3A_338 : i32
    "tpu.region"() ({
      %run_scoped3A = tpu.sem_alloc : memref<!tpu.dma_semaphore, #tpu.memory_space<semaphore_mem>>
      %dma_start3A = tpu.memref_slice %arg3[%mul3A_339] : memref<2621440xi32, #tpu.memory_space<hbm>> -> memref<4096xi32, #tpu.memory_space<hbm>>
      %dma_start3A_459 = tpu.memref_slice %arg3[%mul3A_339] : memref<2621440xi32, #tpu.memory_space<hbm>> -> memref<4096xi32, #tpu.memory_space<hbm>>
      tpu.enqueue_dma source(%dma_start3A_459 : memref<4096xi32, #tpu.memory_space<hbm>>) target(%arg7 : memref<4096xi32, #tpu.memory_space<vmem>>) target_semaphore(%run_scoped3A : memref<!tpu.dma_semaphore, #tpu.memory_space<semaphore_mem>>)
      %dma_wait3A = tpu.memref_slice %arg3[%mul3A_339] : memref<2621440xi32, #tpu.memory_space<hbm>> -> memref<4096xi32, #tpu.memory_space<hbm>>
      %dma_wait3A_460 = tpu.memref_slice %arg3[%mul3A_339] : memref<2621440xi32, #tpu.memory_space<hbm>> -> memref<4096xi32, #tpu.memory_space<hbm>>
      tpu.wait_dma2 semaphore(%run_scoped3A : memref<!tpu.dma_semaphore, #tpu.memory_space<semaphore_mem>>) src(%dma_wait3A_460 : memref<4096xi32, #tpu.memory_space<hbm>>) dst(%arg7 : memref<4096xi32, #tpu.memory_space<vmem>>)
      tpu.yield
    }) : () -> ()
    %mul3A_340 = arith.constant 65536 : i32
    %mul3A_341 = arith.muli %add3A_337, %mul3A_340 : i32
    "tpu.region"() ({
      %run_scoped3A = tpu.sem_alloc : memref<!tpu.dma_semaphore, #tpu.memory_space<semaphore_mem>>
      %dma_start3A = tpu.memref_slice %arg2[%mul3A_341] : memref<41943040xf32, #tpu.memory_space<hbm>> -> memref<65536xf32, #tpu.memory_space<hbm>>
      %dma_start3A_459 = tpu.memref_slice %arg2[%mul3A_341] : memref<41943040xf32, #tpu.memory_space<hbm>> -> memref<65536xf32, #tpu.memory_space<hbm>>
      tpu.enqueue_dma source(%dma_start3A_459 : memref<65536xf32, #tpu.memory_space<hbm>>) target(%arg6 : memref<65536xf32, #tpu.memory_space<vmem>>) target_semaphore(%run_scoped3A : memref<!tpu.dma_semaphore, #tpu.memory_space<semaphore_mem>>)
      %dma_wait3A = tpu.memref_slice %arg2[%mul3A_341] : memref<41943040xf32, #tpu.memory_space<hbm>> -> memref<65536xf32, #tpu.memory_space<hbm>>
      %dma_wait3A_460 = tpu.memref_slice %arg2[%mul3A_341] : memref<41943040xf32, #tpu.memory_space<hbm>> -> memref<65536xf32, #tpu.memory_space<hbm>>
      tpu.wait_dma2 semaphore(%run_scoped3A : memref<!tpu.dma_semaphore, #tpu.memory_space<semaphore_mem>>) src(%dma_wait3A_460 : memref<65536xf32, #tpu.memory_space<hbm>>) dst(%arg6 : memref<65536xf32, #tpu.memory_space<vmem>>)
      tpu.yield
    }) : () -> ()
    %scan3A_342 = arith.constant 0 : i32
    %scan3A_343 = arith.constant 0 : i32
    %scan3A_344 = arith.constant 256 : i32
    %scan3A_345 = arith.addi %scan3A_343, %scan3A_344 : i32
    %scan3A_346 = arith.constant 1 : i32
    %scan3A_347 = scf.for %scan3A_459 = %scan3A_343 to %scan3A_345 step %scan3A_346 iter_args(%scan3A_460 = %scan3A_342) -> (i32)  : i32 {
      %mul3A_461 = arith.constant 16 : i32
      %mul3A_462 = arith.muli %scan3A_459, %mul3A_461 : i32
      %get3A = arith.index_cast %mul3A_462 : i32 to index
      %get3A_463 = tpu.vector_load %arg7[%get3A] {strides = array<i32>} : memref<4096xi32, #tpu.memory_space<vmem>>, vector<16xi32>,
      %gather3A = tpu.vector_load_idx %arg6[%get3A_463] : memref<65536xf32, #tpu.memory_space<vmem>>[vector<16xi32>], vector<16xf32>,
      %mul3A_464 = arith.constant 16 : i32
      %mul3A_465 = arith.muli %scan3A_459, %mul3A_464 : i32
      %add3A_466 = arith.constant 12288 : i32
      %add3A_467 = arith.addi %add3A_466, %mul3A_465 : i32
      %get3A_468 = arith.index_cast %add3A_467 : i32 to index
      %get3A_469 = tpu.vector_load %arg8[%get3A_468] {strides = array<i32>} : memref<20480xf32, #tpu.memory_space<vmem>>, vector<16xf32>,
      %add3A_470 = arith.addf %get3A_469, %gather3A : vector<16xf32>
      %swap3A = arith.index_cast %add3A_467 : i32 to index
      %swap3A_471 = tpu.vector_load %arg8[%swap3A] {strides = array<i32>} : memref<20480xf32, #tpu.memory_space<vmem>>, vector<16xf32>,
      tpu.vector_store %arg8[%swap3A], %add3A_470 {strides = array<i32>} : memref<20480xf32, #tpu.memory_space<vmem>>, vector<16xf32>,
      %scan3A_472 = arith.constant 0 : i32
      scf.yield %scan3A_472 : i32
    }
    %scan3A_348 = arith.constant 256 : i32
    %mul3A_349 = arith.constant 5 : i32
    %mul3A_350 = arith.muli %arg0, %mul3A_349 : i32
    %add3A_351 = arith.constant 4 : i32
    %add3A_352 = arith.addi %mul3A_350, %add3A_351 : i32
    %mul3A_353 = arith.constant 64 : i32
    %mul3A_354 = arith.muli %add3A_352, %mul3A_353 : i32
    %mul3A_355 = arith.constant 4 : i32
    %mul3A_356 = arith.muli %arg1, %mul3A_355 : i32
    %add3A_357 = arith.addi %mul3A_354, %mul3A_356 : i32
    %add3A_358 = arith.constant 0 : i32
    %add3A_359 = arith.addi %add3A_357, %add3A_358 : i32
    %mul3A_360 = arith.constant 4096 : i32
    %mul3A_361 = arith.muli %add3A_359, %mul3A_360 : i32
    "tpu.region"() ({
      %run_scoped3A = tpu.sem_alloc : memref<!tpu.dma_semaphore, #tpu.memory_space<semaphore_mem>>
      %dma_start3A = tpu.memref_slice %arg3[%mul3A_361] : memref<2621440xi32, #tpu.memory_space<hbm>> -> memref<4096xi32, #tpu.memory_space<hbm>>
      %dma_start3A_459 = tpu.memref_slice %arg3[%mul3A_361] : memref<2621440xi32, #tpu.memory_space<hbm>> -> memref<4096xi32, #tpu.memory_space<hbm>>
      tpu.enqueue_dma source(%dma_start3A_459 : memref<4096xi32, #tpu.memory_space<hbm>>) target(%arg7 : memref<4096xi32, #tpu.memory_space<vmem>>) target_semaphore(%run_scoped3A : memref<!tpu.dma_semaphore, #tpu.memory_space<semaphore_mem>>)
      %dma_wait3A = tpu.memref_slice %arg3[%mul3A_361] : memref<2621440xi32, #tpu.memory_space<hbm>> -> memref<4096xi32, #tpu.memory_space<hbm>>
      %dma_wait3A_460 = tpu.memref_slice %arg3[%mul3A_361] : memref<2621440xi32, #tpu.memory_space<hbm>> -> memref<4096xi32, #tpu.memory_space<hbm>>
      tpu.wait_dma2 semaphore(%run_scoped3A : memref<!tpu.dma_semaphore, #tpu.memory_space<semaphore_mem>>) src(%dma_wait3A_460 : memref<4096xi32, #tpu.memory_space<hbm>>) dst(%arg7 : memref<4096xi32, #tpu.memory_space<vmem>>)
      tpu.yield
    }) : () -> ()
    %mul3A_362 = arith.constant 65536 : i32
    %mul3A_363 = arith.muli %add3A_359, %mul3A_362 : i32
    "tpu.region"() ({
      %run_scoped3A = tpu.sem_alloc : memref<!tpu.dma_semaphore, #tpu.memory_space<semaphore_mem>>
      %dma_start3A = tpu.memref_slice %arg2[%mul3A_363] : memref<41943040xf32, #tpu.memory_space<hbm>> -> memref<65536xf32, #tpu.memory_space<hbm>>
      %dma_start3A_459 = tpu.memref_slice %arg2[%mul3A_363] : memref<41943040xf32, #tpu.memory_space<hbm>> -> memref<65536xf32, #tpu.memory_space<hbm>>
      tpu.enqueue_dma source(%dma_start3A_459 : memref<65536xf32, #tpu.memory_space<hbm>>) target(%arg6 : memref<65536xf32, #tpu.memory_space<vmem>>) target_semaphore(%run_scoped3A : memref<!tpu.dma_semaphore, #tpu.memory_space<semaphore_mem>>)
      %dma_wait3A = tpu.memref_slice %arg2[%mul3A_363] : memref<41943040xf32, #tpu.memory_space<hbm>> -> memref<65536xf32, #tpu.memory_space<hbm>>
      %dma_wait3A_460 = tpu.memref_slice %arg2[%mul3A_363] : memref<41943040xf32, #tpu.memory_space<hbm>> -> memref<65536xf32, #tpu.memory_space<hbm>>
      tpu.wait_dma2 semaphore(%run_scoped3A : memref<!tpu.dma_semaphore, #tpu.memory_space<semaphore_mem>>) src(%dma_wait3A_460 : memref<65536xf32, #tpu.memory_space<hbm>>) dst(%arg6 : memref<65536xf32, #tpu.memory_space<vmem>>)
      tpu.yield
    }) : () -> ()
    %scan3A_364 = arith.constant 0 : i32
    %scan3A_365 = arith.constant 0 : i32
    %scan3A_366 = arith.constant 256 : i32
    %scan3A_367 = arith.addi %scan3A_365, %scan3A_366 : i32
    %scan3A_368 = arith.constant 1 : i32
    %scan3A_369 = scf.for %scan3A_459 = %scan3A_365 to %scan3A_367 step %scan3A_368 iter_args(%scan3A_460 = %scan3A_364) -> (i32)  : i32 {
      %mul3A_461 = arith.constant 16 : i32
      %mul3A_462 = arith.muli %scan3A_459, %mul3A_461 : i32
      %get3A = arith.index_cast %mul3A_462 : i32 to index
      %get3A_463 = tpu.vector_load %arg7[%get3A] {strides = array<i32>} : memref<4096xi32, #tpu.memory_space<vmem>>, vector<16xi32>,
      %gather3A = tpu.vector_load_idx %arg6[%get3A_463] : memref<65536xf32, #tpu.memory_space<vmem>>[vector<16xi32>], vector<16xf32>,
      %mul3A_464 = arith.constant 16 : i32
      %mul3A_465 = arith.muli %scan3A_459, %mul3A_464 : i32
      %add3A_466 = arith.constant 16384 : i32
      %add3A_467 = arith.addi %add3A_466, %mul3A_465 : i32
      %get3A_468 = arith.index_cast %add3A_467 : i32 to index
      %get3A_469 = tpu.vector_load %arg8[%get3A_468] {strides = array<i32>} : memref<20480xf32, #tpu.memory_space<vmem>>, vector<16xf32>,
      %add3A_470 = arith.addf %get3A_469, %gather3A : vector<16xf32>
      %swap3A = arith.index_cast %add3A_467 : i32 to index
      %swap3A_471 = tpu.vector_load %arg8[%swap3A] {strides = array<i32>} : memref<20480xf32, #tpu.memory_space<vmem>>, vector<16xf32>,
      tpu.vector_store %arg8[%swap3A], %add3A_470 {strides = array<i32>} : memref<20480xf32, #tpu.memory_space<vmem>>, vector<16xf32>,
      %scan3A_472 = arith.constant 0 : i32
      scf.yield %scan3A_472 : i32
    }
    %scan3A_370 = arith.constant 256 : i32
    %mul3A_371 = arith.constant 5 : i32
    %mul3A_372 = arith.muli %arg0, %mul3A_371 : i32
    %add3A_373 = arith.constant 4 : i32
    %add3A_374 = arith.addi %mul3A_372, %add3A_373 : i32
    %mul3A_375 = arith.constant 64 : i32
    %mul3A_376 = arith.muli %add3A_374, %mul3A_375 : i32
    %mul3A_377 = arith.constant 4 : i32
    %mul3A_378 = arith.muli %arg1, %mul3A_377 : i32
    %add3A_379 = arith.addi %mul3A_376, %mul3A_378 : i32
    %add3A_380 = arith.constant 1 : i32
    %add3A_381 = arith.addi %add3A_379, %add3A_380 : i32
    %mul3A_382 = arith.constant 4096 : i32
    %mul3A_383 = arith.muli %add3A_381, %mul3A_382 : i32
    "tpu.region"() ({
      %run_scoped3A = tpu.sem_alloc : memref<!tpu.dma_semaphore, #tpu.memory_space<semaphore_mem>>
      %dma_start3A = tpu.memref_slice %arg3[%mul3A_383] : memref<2621440xi32, #tpu.memory_space<hbm>> -> memref<4096xi32, #tpu.memory_space<hbm>>
      %dma_start3A_459 = tpu.memref_slice %arg3[%mul3A_383] : memref<2621440xi32, #tpu.memory_space<hbm>> -> memref<4096xi32, #tpu.memory_space<hbm>>
      tpu.enqueue_dma source(%dma_start3A_459 : memref<4096xi32, #tpu.memory_space<hbm>>) target(%arg7 : memref<4096xi32, #tpu.memory_space<vmem>>) target_semaphore(%run_scoped3A : memref<!tpu.dma_semaphore, #tpu.memory_space<semaphore_mem>>)
      %dma_wait3A = tpu.memref_slice %arg3[%mul3A_383] : memref<2621440xi32, #tpu.memory_space<hbm>> -> memref<4096xi32, #tpu.memory_space<hbm>>
      %dma_wait3A_460 = tpu.memref_slice %arg3[%mul3A_383] : memref<2621440xi32, #tpu.memory_space<hbm>> -> memref<4096xi32, #tpu.memory_space<hbm>>
      tpu.wait_dma2 semaphore(%run_scoped3A : memref<!tpu.dma_semaphore, #tpu.memory_space<semaphore_mem>>) src(%dma_wait3A_460 : memref<4096xi32, #tpu.memory_space<hbm>>) dst(%arg7 : memref<4096xi32, #tpu.memory_space<vmem>>)
      tpu.yield
    }) : () -> ()
    %mul3A_384 = arith.constant 65536 : i32
    %mul3A_385 = arith.muli %add3A_381, %mul3A_384 : i32
    "tpu.region"() ({
      %run_scoped3A = tpu.sem_alloc : memref<!tpu.dma_semaphore, #tpu.memory_space<semaphore_mem>>
      %dma_start3A = tpu.memref_slice %arg2[%mul3A_385] : memref<41943040xf32, #tpu.memory_space<hbm>> -> memref<65536xf32, #tpu.memory_space<hbm>>
      %dma_start3A_459 = tpu.memref_slice %arg2[%mul3A_385] : memref<41943040xf32, #tpu.memory_space<hbm>> -> memref<65536xf32, #tpu.memory_space<hbm>>
      tpu.enqueue_dma source(%dma_start3A_459 : memref<65536xf32, #tpu.memory_space<hbm>>) target(%arg6 : memref<65536xf32, #tpu.memory_space<vmem>>) target_semaphore(%run_scoped3A : memref<!tpu.dma_semaphore, #tpu.memory_space<semaphore_mem>>)
      %dma_wait3A = tpu.memref_slice %arg2[%mul3A_385] : memref<41943040xf32, #tpu.memory_space<hbm>> -> memref<65536xf32, #tpu.memory_space<hbm>>
      %dma_wait3A_460 = tpu.memref_slice %arg2[%mul3A_385] : memref<41943040xf32, #tpu.memory_space<hbm>> -> memref<65536xf32, #tpu.memory_space<hbm>>
      tpu.wait_dma2 semaphore(%run_scoped3A : memref<!tpu.dma_semaphore, #tpu.memory_space<semaphore_mem>>) src(%dma_wait3A_460 : memref<65536xf32, #tpu.memory_space<hbm>>) dst(%arg6 : memref<65536xf32, #tpu.memory_space<vmem>>)
      tpu.yield
    }) : () -> ()
    %scan3A_386 = arith.constant 0 : i32
    %scan3A_387 = arith.constant 0 : i32
    %scan3A_388 = arith.constant 256 : i32
    %scan3A_389 = arith.addi %scan3A_387, %scan3A_388 : i32
    %scan3A_390 = arith.constant 1 : i32
    %scan3A_391 = scf.for %scan3A_459 = %scan3A_387 to %scan3A_389 step %scan3A_390 iter_args(%scan3A_460 = %scan3A_386) -> (i32)  : i32 {
      %mul3A_461 = arith.constant 16 : i32
      %mul3A_462 = arith.muli %scan3A_459, %mul3A_461 : i32
      %get3A = arith.index_cast %mul3A_462 : i32 to index
      %get3A_463 = tpu.vector_load %arg7[%get3A] {strides = array<i32>} : memref<4096xi32, #tpu.memory_space<vmem>>, vector<16xi32>,
      %gather3A = tpu.vector_load_idx %arg6[%get3A_463] : memref<65536xf32, #tpu.memory_space<vmem>>[vector<16xi32>], vector<16xf32>,
      %mul3A_464 = arith.constant 16 : i32
      %mul3A_465 = arith.muli %scan3A_459, %mul3A_464 : i32
      %add3A_466 = arith.constant 16384 : i32
      %add3A_467 = arith.addi %add3A_466, %mul3A_465 : i32
      %get3A_468 = arith.index_cast %add3A_467 : i32 to index
      %get3A_469 = tpu.vector_load %arg8[%get3A_468] {strides = array<i32>} : memref<20480xf32, #tpu.memory_space<vmem>>, vector<16xf32>,
      %add3A_470 = arith.addf %get3A_469, %gather3A : vector<16xf32>
      %swap3A = arith.index_cast %add3A_467 : i32 to index
      %swap3A_471 = tpu.vector_load %arg8[%swap3A] {strides = array<i32>} : memref<20480xf32, #tpu.memory_space<vmem>>, vector<16xf32>,
      tpu.vector_store %arg8[%swap3A], %add3A_470 {strides = array<i32>} : memref<20480xf32, #tpu.memory_space<vmem>>, vector<16xf32>,
      %scan3A_472 = arith.constant 0 : i32
      scf.yield %scan3A_472 : i32
    }
    %scan3A_392 = arith.constant 256 : i32
    %mul3A_393 = arith.constant 5 : i32
    %mul3A_394 = arith.muli %arg0, %mul3A_393 : i32
    %add3A_395 = arith.constant 4 : i32
    %add3A_396 = arith.addi %mul3A_394, %add3A_395 : i32
    %mul3A_397 = arith.constant 64 : i32
    %mul3A_398 = arith.muli %add3A_396, %mul3A_397 : i32
    %mul3A_399 = arith.constant 4 : i32
    %mul3A_400 = arith.muli %arg1, %mul3A_399 : i32
    %add3A_401 = arith.addi %mul3A_398, %mul3A_400 : i32
    %add3A_402 = arith.constant 2 : i32
    %add3A_403 = arith.addi %add3A_401, %add3A_402 : i32
    %mul3A_404 = arith.constant 4096 : i32
    %mul3A_405 = arith.muli %add3A_403, %mul3A_404 : i32
    "tpu.region"() ({
      %run_scoped3A = tpu.sem_alloc : memref<!tpu.dma_semaphore, #tpu.memory_space<semaphore_mem>>
      %dma_start3A = tpu.memref_slice %arg3[%mul3A_405] : memref<2621440xi32, #tpu.memory_space<hbm>> -> memref<4096xi32, #tpu.memory_space<hbm>>
      %dma_start3A_459 = tpu.memref_slice %arg3[%mul3A_405] : memref<2621440xi32, #tpu.memory_space<hbm>> -> memref<4096xi32, #tpu.memory_space<hbm>>
      tpu.enqueue_dma source(%dma_start3A_459 : memref<4096xi32, #tpu.memory_space<hbm>>) target(%arg7 : memref<4096xi32, #tpu.memory_space<vmem>>) target_semaphore(%run_scoped3A : memref<!tpu.dma_semaphore, #tpu.memory_space<semaphore_mem>>)
      %dma_wait3A = tpu.memref_slice %arg3[%mul3A_405] : memref<2621440xi32, #tpu.memory_space<hbm>> -> memref<4096xi32, #tpu.memory_space<hbm>>
      %dma_wait3A_460 = tpu.memref_slice %arg3[%mul3A_405] : memref<2621440xi32, #tpu.memory_space<hbm>> -> memref<4096xi32, #tpu.memory_space<hbm>>
      tpu.wait_dma2 semaphore(%run_scoped3A : memref<!tpu.dma_semaphore, #tpu.memory_space<semaphore_mem>>) src(%dma_wait3A_460 : memref<4096xi32, #tpu.memory_space<hbm>>) dst(%arg7 : memref<4096xi32, #tpu.memory_space<vmem>>)
      tpu.yield
    }) : () -> ()
    %mul3A_406 = arith.constant 65536 : i32
    %mul3A_407 = arith.muli %add3A_403, %mul3A_406 : i32
    "tpu.region"() ({
      %run_scoped3A = tpu.sem_alloc : memref<!tpu.dma_semaphore, #tpu.memory_space<semaphore_mem>>
      %dma_start3A = tpu.memref_slice %arg2[%mul3A_407] : memref<41943040xf32, #tpu.memory_space<hbm>> -> memref<65536xf32, #tpu.memory_space<hbm>>
      %dma_start3A_459 = tpu.memref_slice %arg2[%mul3A_407] : memref<41943040xf32, #tpu.memory_space<hbm>> -> memref<65536xf32, #tpu.memory_space<hbm>>
      tpu.enqueue_dma source(%dma_start3A_459 : memref<65536xf32, #tpu.memory_space<hbm>>) target(%arg6 : memref<65536xf32, #tpu.memory_space<vmem>>) target_semaphore(%run_scoped3A : memref<!tpu.dma_semaphore, #tpu.memory_space<semaphore_mem>>)
      %dma_wait3A = tpu.memref_slice %arg2[%mul3A_407] : memref<41943040xf32, #tpu.memory_space<hbm>> -> memref<65536xf32, #tpu.memory_space<hbm>>
      %dma_wait3A_460 = tpu.memref_slice %arg2[%mul3A_407] : memref<41943040xf32, #tpu.memory_space<hbm>> -> memref<65536xf32, #tpu.memory_space<hbm>>
      tpu.wait_dma2 semaphore(%run_scoped3A : memref<!tpu.dma_semaphore, #tpu.memory_space<semaphore_mem>>) src(%dma_wait3A_460 : memref<65536xf32, #tpu.memory_space<hbm>>) dst(%arg6 : memref<65536xf32, #tpu.memory_space<vmem>>)
      tpu.yield
    }) : () -> ()
    %scan3A_408 = arith.constant 0 : i32
    %scan3A_409 = arith.constant 0 : i32
    %scan3A_410 = arith.constant 256 : i32
    %scan3A_411 = arith.addi %scan3A_409, %scan3A_410 : i32
    %scan3A_412 = arith.constant 1 : i32
    %scan3A_413 = scf.for %scan3A_459 = %scan3A_409 to %scan3A_411 step %scan3A_412 iter_args(%scan3A_460 = %scan3A_408) -> (i32)  : i32 {
      %mul3A_461 = arith.constant 16 : i32
      %mul3A_462 = arith.muli %scan3A_459, %mul3A_461 : i32
      %get3A = arith.index_cast %mul3A_462 : i32 to index
      %get3A_463 = tpu.vector_load %arg7[%get3A] {strides = array<i32>} : memref<4096xi32, #tpu.memory_space<vmem>>, vector<16xi32>,
      %gather3A = tpu.vector_load_idx %arg6[%get3A_463] : memref<65536xf32, #tpu.memory_space<vmem>>[vector<16xi32>], vector<16xf32>,
      %mul3A_464 = arith.constant 16 : i32
      %mul3A_465 = arith.muli %scan3A_459, %mul3A_464 : i32
      %add3A_466 = arith.constant 16384 : i32
      %add3A_467 = arith.addi %add3A_466, %mul3A_465 : i32
      %get3A_468 = arith.index_cast %add3A_467 : i32 to index
      %get3A_469 = tpu.vector_load %arg8[%get3A_468] {strides = array<i32>} : memref<20480xf32, #tpu.memory_space<vmem>>, vector<16xf32>,
      %add3A_470 = arith.addf %get3A_469, %gather3A : vector<16xf32>
      %swap3A = arith.index_cast %add3A_467 : i32 to index
      %swap3A_471 = tpu.vector_load %arg8[%swap3A] {strides = array<i32>} : memref<20480xf32, #tpu.memory_space<vmem>>, vector<16xf32>,
      tpu.vector_store %arg8[%swap3A], %add3A_470 {strides = array<i32>} : memref<20480xf32, #tpu.memory_space<vmem>>, vector<16xf32>,
      %scan3A_472 = arith.constant 0 : i32
      scf.yield %scan3A_472 : i32
    }
    %scan3A_414 = arith.constant 256 : i32
    %mul3A_415 = arith.constant 5 : i32
    %mul3A_416 = arith.muli %arg0, %mul3A_415 : i32
    %add3A_417 = arith.constant 4 : i32
    %add3A_418 = arith.addi %mul3A_416, %add3A_417 : i32
    %mul3A_419 = arith.constant 64 : i32
    %mul3A_420 = arith.muli %add3A_418, %mul3A_419 : i32
    %mul3A_421 = arith.constant 4 : i32
    %mul3A_422 = arith.muli %arg1, %mul3A_421 : i32
    %add3A_423 = arith.addi %mul3A_420, %mul3A_422 : i32
    %add3A_424 = arith.constant 3 : i32
    %add3A_425 = arith.addi %add3A_423, %add3A_424 : i32
    %mul3A_426 = arith.constant 4096 : i32
    %mul3A_427 = arith.muli %add3A_425, %mul3A_426 : i32
    "tpu.region"() ({
      %run_scoped3A = tpu.sem_alloc : memref<!tpu.dma_semaphore, #tpu.memory_space<semaphore_mem>>
      %dma_start3A = tpu.memref_slice %arg3[%mul3A_427] : memref<2621440xi32, #tpu.memory_space<hbm>> -> memref<4096xi32, #tpu.memory_space<hbm>>
      %dma_start3A_459 = tpu.memref_slice %arg3[%mul3A_427] : memref<2621440xi32, #tpu.memory_space<hbm>> -> memref<4096xi32, #tpu.memory_space<hbm>>
      tpu.enqueue_dma source(%dma_start3A_459 : memref<4096xi32, #tpu.memory_space<hbm>>) target(%arg7 : memref<4096xi32, #tpu.memory_space<vmem>>) target_semaphore(%run_scoped3A : memref<!tpu.dma_semaphore, #tpu.memory_space<semaphore_mem>>)
      %dma_wait3A = tpu.memref_slice %arg3[%mul3A_427] : memref<2621440xi32, #tpu.memory_space<hbm>> -> memref<4096xi32, #tpu.memory_space<hbm>>
      %dma_wait3A_460 = tpu.memref_slice %arg3[%mul3A_427] : memref<2621440xi32, #tpu.memory_space<hbm>> -> memref<4096xi32, #tpu.memory_space<hbm>>
      tpu.wait_dma2 semaphore(%run_scoped3A : memref<!tpu.dma_semaphore, #tpu.memory_space<semaphore_mem>>) src(%dma_wait3A_460 : memref<4096xi32, #tpu.memory_space<hbm>>) dst(%arg7 : memref<4096xi32, #tpu.memory_space<vmem>>)
      tpu.yield
    }) : () -> ()
    %mul3A_428 = arith.constant 65536 : i32
    %mul3A_429 = arith.muli %add3A_425, %mul3A_428 : i32
    "tpu.region"() ({
      %run_scoped3A = tpu.sem_alloc : memref<!tpu.dma_semaphore, #tpu.memory_space<semaphore_mem>>
      %dma_start3A = tpu.memref_slice %arg2[%mul3A_429] : memref<41943040xf32, #tpu.memory_space<hbm>> -> memref<65536xf32, #tpu.memory_space<hbm>>
      %dma_start3A_459 = tpu.memref_slice %arg2[%mul3A_429] : memref<41943040xf32, #tpu.memory_space<hbm>> -> memref<65536xf32, #tpu.memory_space<hbm>>
      tpu.enqueue_dma source(%dma_start3A_459 : memref<65536xf32, #tpu.memory_space<hbm>>) target(%arg6 : memref<65536xf32, #tpu.memory_space<vmem>>) target_semaphore(%run_scoped3A : memref<!tpu.dma_semaphore, #tpu.memory_space<semaphore_mem>>)
      %dma_wait3A = tpu.memref_slice %arg2[%mul3A_429] : memref<41943040xf32, #tpu.memory_space<hbm>> -> memref<65536xf32, #tpu.memory_space<hbm>>
      %dma_wait3A_460 = tpu.memref_slice %arg2[%mul3A_429] : memref<41943040xf32, #tpu.memory_space<hbm>> -> memref<65536xf32, #tpu.memory_space<hbm>>
      tpu.wait_dma2 semaphore(%run_scoped3A : memref<!tpu.dma_semaphore, #tpu.memory_space<semaphore_mem>>) src(%dma_wait3A_460 : memref<65536xf32, #tpu.memory_space<hbm>>) dst(%arg6 : memref<65536xf32, #tpu.memory_space<vmem>>)
      tpu.yield
    }) : () -> ()
    %scan3A_430 = arith.constant 0 : i32
    %scan3A_431 = arith.constant 0 : i32
    %scan3A_432 = arith.constant 256 : i32
    %scan3A_433 = arith.addi %scan3A_431, %scan3A_432 : i32
    %scan3A_434 = arith.constant 1 : i32
    %scan3A_435 = scf.for %scan3A_459 = %scan3A_431 to %scan3A_433 step %scan3A_434 iter_args(%scan3A_460 = %scan3A_430) -> (i32)  : i32 {
      %mul3A_461 = arith.constant 16 : i32
      %mul3A_462 = arith.muli %scan3A_459, %mul3A_461 : i32
      %get3A = arith.index_cast %mul3A_462 : i32 to index
      %get3A_463 = tpu.vector_load %arg7[%get3A] {strides = array<i32>} : memref<4096xi32, #tpu.memory_space<vmem>>, vector<16xi32>,
      %gather3A = tpu.vector_load_idx %arg6[%get3A_463] : memref<65536xf32, #tpu.memory_space<vmem>>[vector<16xi32>], vector<16xf32>,
      %mul3A_464 = arith.constant 16 : i32
      %mul3A_465 = arith.muli %scan3A_459, %mul3A_464 : i32
      %add3A_466 = arith.constant 16384 : i32
      %add3A_467 = arith.addi %add3A_466, %mul3A_465 : i32
      %get3A_468 = arith.index_cast %add3A_467 : i32 to index
      %get3A_469 = tpu.vector_load %arg8[%get3A_468] {strides = array<i32>} : memref<20480xf32, #tpu.memory_space<vmem>>, vector<16xf32>,
      %add3A_470 = arith.addf %get3A_469, %gather3A : vector<16xf32>
      %swap3A = arith.index_cast %add3A_467 : i32 to index
      %swap3A_471 = tpu.vector_load %arg8[%swap3A] {strides = array<i32>} : memref<20480xf32, #tpu.memory_space<vmem>>, vector<16xf32>,
      tpu.vector_store %arg8[%swap3A], %add3A_470 {strides = array<i32>} : memref<20480xf32, #tpu.memory_space<vmem>>, vector<16xf32>,
      %scan3A_472 = arith.constant 0 : i32
      scf.yield %scan3A_472 : i32
    }
    %scan3A_436 = arith.constant 256 : i32
    %add3A_437 = arith.constant 0 : i32
    %add3A_438 = arith.addi %add3A_437, %arg1 : i32
    %mul3A_439 = arith.constant 4096 : i32
    %mul3A_440 = arith.muli %add3A_438, %mul3A_439 : i32
    "tpu.region"() ({
      %run_scoped3A = tpu.sem_alloc : memref<!tpu.dma_semaphore, #tpu.memory_space<semaphore_mem>>
      %dma_start3A = arith.constant 0 : i32
      %dma_start3A_459 = tpu.memref_slice %arg8[%dma_start3A] : memref<20480xf32, #tpu.memory_space<vmem>> -> memref<4096xf32, #tpu.memory_space<vmem>>
      %dma_start3A_460 = tpu.memref_slice %arg9[%mul3A_440] : memref<327680xf32, #tpu.memory_space<vmem_shared>> -> memref<4096xf32, #tpu.memory_space<vmem_shared>>
      %dma_start3A_461 = tpu.memref_slice %arg9[%mul3A_440] : memref<327680xf32, #tpu.memory_space<vmem_shared>> -> memref<4096xf32, #tpu.memory_space<vmem_shared>>
      %dma_start3A_462 = arith.constant 0 : i32
      %dma_start3A_463 = tpu.memref_slice %arg8[%dma_start3A_462] : memref<20480xf32, #tpu.memory_space<vmem>> -> memref<4096xf32, #tpu.memory_space<vmem>>
      tpu.enqueue_dma source(%dma_start3A_463 : memref<4096xf32, #tpu.memory_space<vmem>>) target(%dma_start3A_461 : memref<4096xf32, #tpu.memory_space<vmem_shared>>) target_semaphore(%run_scoped3A : memref<!tpu.dma_semaphore, #tpu.memory_space<semaphore_mem>>)
      %dma_wait3A = arith.constant 0 : i32
      %dma_wait3A_464 = tpu.memref_slice %arg8[%dma_wait3A] : memref<20480xf32, #tpu.memory_space<vmem>> -> memref<4096xf32, #tpu.memory_space<vmem>>
      %dma_wait3A_465 = tpu.memref_slice %arg9[%mul3A_440] : memref<327680xf32, #tpu.memory_space<vmem_shared>> -> memref<4096xf32, #tpu.memory_space<vmem_shared>>
      %dma_wait3A_466 = tpu.memref_slice %arg9[%mul3A_440] : memref<327680xf32, #tpu.memory_space<vmem_shared>> -> memref<4096xf32, #tpu.memory_space<vmem_shared>>
      %dma_wait3A_467 = arith.constant 0 : i32
      %dma_wait3A_468 = tpu.memref_slice %arg8[%dma_wait3A_467] : memref<20480xf32, #tpu.memory_space<vmem>> -> memref<4096xf32, #tpu.memory_space<vmem>>
      tpu.wait_dma2 semaphore(%run_scoped3A : memref<!tpu.dma_semaphore, #tpu.memory_space<semaphore_mem>>) src(%dma_wait3A_468 : memref<4096xf32, #tpu.memory_space<vmem>>) dst(%dma_wait3A_466 : memref<4096xf32, #tpu.memory_space<vmem_shared>>)
      tpu.yield
    }) : () -> ()
    %add3A_441 = arith.constant 16 : i32
    %add3A_442 = arith.addi %add3A_441, %arg1 : i32
    %mul3A_443 = arith.constant 4096 : i32
    %mul3A_444 = arith.muli %add3A_442, %mul3A_443 : i32
    "tpu.region"() ({
      %run_scoped3A = tpu.sem_alloc : memref<!tpu.dma_semaphore, #tpu.memory_space<semaphore_mem>>
      %dma_start3A = arith.constant 4096 : i32
      %dma_start3A_459 = tpu.memref_slice %arg8[%dma_start3A] : memref<20480xf32, #tpu.memory_space<vmem>> -> memref<4096xf32, #tpu.memory_space<vmem>>
      %dma_start3A_460 = tpu.memref_slice %arg9[%mul3A_444] : memref<327680xf32, #tpu.memory_space<vmem_shared>> -> memref<4096xf32, #tpu.memory_space<vmem_shared>>
      %dma_start3A_461 = tpu.memref_slice %arg9[%mul3A_444] : memref<327680xf32, #tpu.memory_space<vmem_shared>> -> memref<4096xf32, #tpu.memory_space<vmem_shared>>
      %dma_start3A_462 = arith.constant 4096 : i32
      %dma_start3A_463 = tpu.memref_slice %arg8[%dma_start3A_462] : memref<20480xf32, #tpu.memory_space<vmem>> -> memref<4096xf32, #tpu.memory_space<vmem>>
      tpu.enqueue_dma source(%dma_start3A_463 : memref<4096xf32, #tpu.memory_space<vmem>>) target(%dma_start3A_461 : memref<4096xf32, #tpu.memory_space<vmem_shared>>) target_semaphore(%run_scoped3A : memref<!tpu.dma_semaphore, #tpu.memory_space<semaphore_mem>>)
      %dma_wait3A = arith.constant 4096 : i32
      %dma_wait3A_464 = tpu.memref_slice %arg8[%dma_wait3A] : memref<20480xf32, #tpu.memory_space<vmem>> -> memref<4096xf32, #tpu.memory_space<vmem>>
      %dma_wait3A_465 = tpu.memref_slice %arg9[%mul3A_444] : memref<327680xf32, #tpu.memory_space<vmem_shared>> -> memref<4096xf32, #tpu.memory_space<vmem_shared>>
      %dma_wait3A_466 = tpu.memref_slice %arg9[%mul3A_444] : memref<327680xf32, #tpu.memory_space<vmem_shared>> -> memref<4096xf32, #tpu.memory_space<vmem_shared>>
      %dma_wait3A_467 = arith.constant 4096 : i32
      %dma_wait3A_468 = tpu.memref_slice %arg8[%dma_wait3A_467] : memref<20480xf32, #tpu.memory_space<vmem>> -> memref<4096xf32, #tpu.memory_space<vmem>>
      tpu.wait_dma2 semaphore(%run_scoped3A : memref<!tpu.dma_semaphore, #tpu.memory_space<semaphore_mem>>) src(%dma_wait3A_468 : memref<4096xf32, #tpu.memory_space<vmem>>) dst(%dma_wait3A_466 : memref<4096xf32, #tpu.memory_space<vmem_shared>>)
      tpu.yield
    }) : () -> ()
    %add3A_445 = arith.constant 32 : i32
    %add3A_446 = arith.addi %add3A_445, %arg1 : i32
    %mul3A_447 = arith.constant 4096 : i32
    %mul3A_448 = arith.muli %add3A_446, %mul3A_447 : i32
    "tpu.region"() ({
      %run_scoped3A = tpu.sem_alloc : memref<!tpu.dma_semaphore, #tpu.memory_space<semaphore_mem>>
      %dma_start3A = arith.constant 8192 : i32
      %dma_start3A_459 = tpu.memref_slice %arg8[%dma_start3A] : memref<20480xf32, #tpu.memory_space<vmem>> -> memref<4096xf32, #tpu.memory_space<vmem>>
      %dma_start3A_460 = tpu.memref_slice %arg9[%mul3A_448] : memref<327680xf32, #tpu.memory_space<vmem_shared>> -> memref<4096xf32, #tpu.memory_space<vmem_shared>>
      %dma_start3A_461 = tpu.memref_slice %arg9[%mul3A_448] : memref<327680xf32, #tpu.memory_space<vmem_shared>> -> memref<4096xf32, #tpu.memory_space<vmem_shared>>
      %dma_start3A_462 = arith.constant 8192 : i32
      %dma_start3A_463 = tpu.memref_slice %arg8[%dma_start3A_462] : memref<20480xf32, #tpu.memory_space<vmem>> -> memref<4096xf32, #tpu.memory_space<vmem>>
      tpu.enqueue_dma source(%dma_start3A_463 : memref<4096xf32, #tpu.memory_space<vmem>>) target(%dma_start3A_461 : memref<4096xf32, #tpu.memory_space<vmem_shared>>) target_semaphore(%run_scoped3A : memref<!tpu.dma_semaphore, #tpu.memory_space<semaphore_mem>>)
      %dma_wait3A = arith.constant 8192 : i32
      %dma_wait3A_464 = tpu.memref_slice %arg8[%dma_wait3A] : memref<20480xf32, #tpu.memory_space<vmem>> -> memref<4096xf32, #tpu.memory_space<vmem>>
      %dma_wait3A_465 = tpu.memref_slice %arg9[%mul3A_448] : memref<327680xf32, #tpu.memory_space<vmem_shared>> -> memref<4096xf32, #tpu.memory_space<vmem_shared>>
      %dma_wait3A_466 = tpu.memref_slice %arg9[%mul3A_448] : memref<327680xf32, #tpu.memory_space<vmem_shared>> -> memref<4096xf32, #tpu.memory_space<vmem_shared>>
      %dma_wait3A_467 = arith.constant 8192 : i32
      %dma_wait3A_468 = tpu.memref_slice %arg8[%dma_wait3A_467] : memref<20480xf32, #tpu.memory_space<vmem>> -> memref<4096xf32, #tpu.memory_space<vmem>>
      tpu.wait_dma2 semaphore(%run_scoped3A : memref<!tpu.dma_semaphore, #tpu.memory_space<semaphore_mem>>) src(%dma_wait3A_468 : memref<4096xf32, #tpu.memory_space<vmem>>) dst(%dma_wait3A_466 : memref<4096xf32, #tpu.memory_space<vmem_shared>>)
      tpu.yield
    }) : () -> ()
    %add3A_449 = arith.constant 48 : i32
    %add3A_450 = arith.addi %add3A_449, %arg1 : i32
    %mul3A_451 = arith.constant 4096 : i32
    %mul3A_452 = arith.muli %add3A_450, %mul3A_451 : i32
    "tpu.region"() ({
      %run_scoped3A = tpu.sem_alloc : memref<!tpu.dma_semaphore, #tpu.memory_space<semaphore_mem>>
      %dma_start3A = arith.constant 12288 : i32
      %dma_start3A_459 = tpu.memref_slice %arg8[%dma_start3A] : memref<20480xf32, #tpu.memory_space<vmem>> -> memref<4096xf32, #tpu.memory_space<vmem>>
      %dma_start3A_460 = tpu.memref_slice %arg9[%mul3A_452] : memref<327680xf32, #tpu.memory_space<vmem_shared>> -> memref<4096xf32, #tpu.memory_space<vmem_shared>>
      %dma_start3A_461 = tpu.memref_slice %arg9[%mul3A_452] : memref<327680xf32, #tpu.memory_space<vmem_shared>> -> memref<4096xf32, #tpu.memory_space<vmem_shared>>
      %dma_start3A_462 = arith.constant 12288 : i32
      %dma_start3A_463 = tpu.memref_slice %arg8[%dma_start3A_462] : memref<20480xf32, #tpu.memory_space<vmem>> -> memref<4096xf32, #tpu.memory_space<vmem>>
      tpu.enqueue_dma source(%dma_start3A_463 : memref<4096xf32, #tpu.memory_space<vmem>>) target(%dma_start3A_461 : memref<4096xf32, #tpu.memory_space<vmem_shared>>) target_semaphore(%run_scoped3A : memref<!tpu.dma_semaphore, #tpu.memory_space<semaphore_mem>>)
      %dma_wait3A = arith.constant 12288 : i32
      %dma_wait3A_464 = tpu.memref_slice %arg8[%dma_wait3A] : memref<20480xf32, #tpu.memory_space<vmem>> -> memref<4096xf32, #tpu.memory_space<vmem>>
      %dma_wait3A_465 = tpu.memref_slice %arg9[%mul3A_452] : memref<327680xf32, #tpu.memory_space<vmem_shared>> -> memref<4096xf32, #tpu.memory_space<vmem_shared>>
      %dma_wait3A_466 = tpu.memref_slice %arg9[%mul3A_452] : memref<327680xf32, #tpu.memory_space<vmem_shared>> -> memref<4096xf32, #tpu.memory_space<vmem_shared>>
      %dma_wait3A_467 = arith.constant 12288 : i32
      %dma_wait3A_468 = tpu.memref_slice %arg8[%dma_wait3A_467] : memref<20480xf32, #tpu.memory_space<vmem>> -> memref<4096xf32, #tpu.memory_space<vmem>>
      tpu.wait_dma2 semaphore(%run_scoped3A : memref<!tpu.dma_semaphore, #tpu.memory_space<semaphore_mem>>) src(%dma_wait3A_468 : memref<4096xf32, #tpu.memory_space<vmem>>) dst(%dma_wait3A_466 : memref<4096xf32, #tpu.memory_space<vmem_shared>>)
      tpu.yield
    }) : () -> ()
    %add3A_453 = arith.constant 64 : i32
    %add3A_454 = arith.addi %add3A_453, %arg1 : i32
    %mul3A_455 = arith.constant 4096 : i32
    %mul3A_456 = arith.muli %add3A_454, %mul3A_455 : i32
    "tpu.region"() ({
      %run_scoped3A = tpu.sem_alloc : memref<!tpu.dma_semaphore, #tpu.memory_space<semaphore_mem>>
      %dma_start3A = arith.constant 16384 : i32
      %dma_start3A_459 = tpu.memref_slice %arg8[%dma_start3A] : memref<20480xf32, #tpu.memory_space<vmem>> -> memref<4096xf32, #tpu.memory_space<vmem>>
      %dma_start3A_460 = tpu.memref_slice %arg9[%mul3A_456] : memref<327680xf32, #tpu.memory_space<vmem_shared>> -> memref<4096xf32, #tpu.memory_space<vmem_shared>>
      %dma_start3A_461 = tpu.memref_slice %arg9[%mul3A_456] : memref<327680xf32, #tpu.memory_space<vmem_shared>> -> memref<4096xf32, #tpu.memory_space<vmem_shared>>
      %dma_start3A_462 = arith.constant 16384 : i32
      %dma_start3A_463 = tpu.memref_slice %arg8[%dma_start3A_462] : memref<20480xf32, #tpu.memory_space<vmem>> -> memref<4096xf32, #tpu.memory_space<vmem>>
      tpu.enqueue_dma source(%dma_start3A_463 : memref<4096xf32, #tpu.memory_space<vmem>>) target(%dma_start3A_461 : memref<4096xf32, #tpu.memory_space<vmem_shared>>) target_semaphore(%run_scoped3A : memref<!tpu.dma_semaphore, #tpu.memory_space<semaphore_mem>>)
      %dma_wait3A = arith.constant 16384 : i32
      %dma_wait3A_464 = tpu.memref_slice %arg8[%dma_wait3A] : memref<20480xf32, #tpu.memory_space<vmem>> -> memref<4096xf32, #tpu.memory_space<vmem>>
      %dma_wait3A_465 = tpu.memref_slice %arg9[%mul3A_456] : memref<327680xf32, #tpu.memory_space<vmem_shared>> -> memref<4096xf32, #tpu.memory_space<vmem_shared>>
      %dma_wait3A_466 = tpu.memref_slice %arg9[%mul3A_456] : memref<327680xf32, #tpu.memory_space<vmem_shared>> -> memref<4096xf32, #tpu.memory_space<vmem_shared>>
      %dma_wait3A_467 = arith.constant 16384 : i32
      %dma_wait3A_468 = tpu.memref_slice %arg8[%dma_wait3A_467] : memref<20480xf32, #tpu.memory_space<vmem>> -> memref<4096xf32, #tpu.memory_space<vmem>>
      tpu.wait_dma2 semaphore(%run_scoped3A : memref<!tpu.dma_semaphore, #tpu.memory_space<semaphore_mem>>) src(%dma_wait3A_468 : memref<4096xf32, #tpu.memory_space<vmem>>) dst(%dma_wait3A_466 : memref<4096xf32, #tpu.memory_space<vmem_shared>>)
      tpu.yield
    }) : () -> ()
    %barrier3A = arith.constant 0 : index
    tpu.barrier barrier_id(%barrier3A)
    %lt3A = arith.constant 5 : i32
    %lt3A_457 = arith.cmpi slt, %arg1, %lt3A : i32
    %convert_element_type3A = arith.extui %lt3A_457 : i1 to i32
    %cond3A = arith.constant 0 : i32
    %cond3A_458 = arith.cmpi ne, %convert_element_type3A, %cond3A : i32
    scf.if %cond3A_458 {
      %mul3A_459 = arith.constant 65536 : i32
      %mul3A_460 = arith.muli %arg1, %mul3A_459 : i32
      "tpu.region"() ({
        %run_scoped3A = tpu.sem_alloc : memref<!tpu.dma_semaphore, #tpu.memory_space<semaphore_mem>>
        %dma_start3A = tpu.memref_slice %arg9[%mul3A_460] : memref<327680xf32, #tpu.memory_space<vmem_shared>> -> memref<65536xf32, #tpu.memory_space<vmem_shared>>
        %dma_start3A_473 = tpu.memref_slice %arg9[%mul3A_460] : memref<327680xf32, #tpu.memory_space<vmem_shared>> -> memref<65536xf32, #tpu.memory_space<vmem_shared>>
        tpu.enqueue_dma source(%dma_start3A_473 : memref<65536xf32, #tpu.memory_space<vmem_shared>>) target(%arg6 : memref<65536xf32, #tpu.memory_space<vmem>>) target_semaphore(%run_scoped3A : memref<!tpu.dma_semaphore, #tpu.memory_space<semaphore_mem>>)
        %dma_wait3A = tpu.memref_slice %arg9[%mul3A_460] : memref<327680xf32, #tpu.memory_space<vmem_shared>> -> memref<65536xf32, #tpu.memory_space<vmem_shared>>
        %dma_wait3A_474 = tpu.memref_slice %arg9[%mul3A_460] : memref<327680xf32, #tpu.memory_space<vmem_shared>> -> memref<65536xf32, #tpu.memory_space<vmem_shared>>
        tpu.wait_dma2 semaphore(%run_scoped3A : memref<!tpu.dma_semaphore, #tpu.memory_space<semaphore_mem>>) src(%dma_wait3A_474 : memref<65536xf32, #tpu.memory_space<vmem_shared>>) dst(%arg6 : memref<65536xf32, #tpu.memory_space<vmem>>)
        tpu.yield
      }) : () -> ()
      %scan3A_461 = arith.constant 0 : i32
      %scan3A_462 = arith.constant 0 : i32
      %scan3A_463 = arith.constant 256 : i32
      %scan3A_464 = arith.addi %scan3A_462, %scan3A_463 : i32
      %scan3A_465 = arith.constant 1 : i32
      %scan3A_466 = scf.for %scan3A_473 = %scan3A_462 to %scan3A_464 step %scan3A_465 iter_args(%scan3A_474 = %scan3A_461) -> (i32)  : i32 {
        %mul3A_475 = arith.constant 16 : i32
        %mul3A_476 = arith.muli %scan3A_473, %mul3A_475 : i32
        %get3A = arith.index_cast %mul3A_476 : i32 to index
        %get3A_477 = tpu.vector_load %arg6[%get3A] {strides = array<i32>} : memref<65536xf32, #tpu.memory_space<vmem>>, vector<16xf32>,
        %mul3A_478 = arith.constant 16 : i32
        %mul3A_479 = arith.muli %scan3A_473, %mul3A_478 : i32
        %add3A_480 = arith.constant 4096 : i32
        %add3A_481 = arith.addi %add3A_480, %mul3A_479 : i32
        %get3A_482 = arith.index_cast %add3A_481 : i32 to index
        %get3A_483 = tpu.vector_load %arg6[%get3A_482] {strides = array<i32>} : memref<65536xf32, #tpu.memory_space<vmem>>, vector<16xf32>,
        %add3A_484 = arith.addf %get3A_477, %get3A_483 : vector<16xf32>
        %mul3A_485 = arith.constant 16 : i32
        %mul3A_486 = arith.muli %scan3A_473, %mul3A_485 : i32
        %add3A_487 = arith.constant 8192 : i32
        %add3A_488 = arith.addi %add3A_487, %mul3A_486 : i32
        %get3A_489 = arith.index_cast %add3A_488 : i32 to index
        %get3A_490 = tpu.vector_load %arg6[%get3A_489] {strides = array<i32>} : memref<65536xf32, #tpu.memory_space<vmem>>, vector<16xf32>,
        %add3A_491 = arith.addf %add3A_484, %get3A_490 : vector<16xf32>
        %mul3A_492 = arith.constant 16 : i32
        %mul3A_493 = arith.muli %scan3A_473, %mul3A_492 : i32
        %add3A_494 = arith.constant 12288 : i32
        %add3A_495 = arith.addi %add3A_494, %mul3A_493 : i32
        %get3A_496 = arith.index_cast %add3A_495 : i32 to index
        %get3A_497 = tpu.vector_load %arg6[%get3A_496] {strides = array<i32>} : memref<65536xf32, #tpu.memory_space<vmem>>, vector<16xf32>,
        %add3A_498 = arith.addf %add3A_491, %get3A_497 : vector<16xf32>
        %mul3A_499 = arith.constant 16 : i32
        %mul3A_500 = arith.muli %scan3A_473, %mul3A_499 : i32
        %add3A_501 = arith.constant 16384 : i32
        %add3A_502 = arith.addi %add3A_501, %mul3A_500 : i32
        %get3A_503 = arith.index_cast %add3A_502 : i32 to index
        %get3A_504 = tpu.vector_load %arg6[%get3A_503] {strides = array<i32>} : memref<65536xf32, #tpu.memory_space<vmem>>, vector<16xf32>,
        %add3A_505 = arith.addf %add3A_498, %get3A_504 : vector<16xf32>
        %mul3A_506 = arith.constant 16 : i32
        %mul3A_507 = arith.muli %scan3A_473, %mul3A_506 : i32
        %add3A_508 = arith.constant 20480 : i32
        %add3A_509 = arith.addi %add3A_508, %mul3A_507 : i32
        %get3A_510 = arith.index_cast %add3A_509 : i32 to index
        %get3A_511 = tpu.vector_load %arg6[%get3A_510] {strides = array<i32>} : memref<65536xf32, #tpu.memory_space<vmem>>, vector<16xf32>,
        %add3A_512 = arith.addf %add3A_505, %get3A_511 : vector<16xf32>
        %mul3A_513 = arith.constant 16 : i32
        %mul3A_514 = arith.muli %scan3A_473, %mul3A_513 : i32
        %add3A_515 = arith.constant 24576 : i32
        %add3A_516 = arith.addi %add3A_515, %mul3A_514 : i32
        %get3A_517 = arith.index_cast %add3A_516 : i32 to index
        %get3A_518 = tpu.vector_load %arg6[%get3A_517] {strides = array<i32>} : memref<65536xf32, #tpu.memory_space<vmem>>, vector<16xf32>,
        %add3A_519 = arith.addf %add3A_512, %get3A_518 : vector<16xf32>
        %mul3A_520 = arith.constant 16 : i32
        %mul3A_521 = arith.muli %scan3A_473, %mul3A_520 : i32
        %add3A_522 = arith.constant 28672 : i32
        %add3A_523 = arith.addi %add3A_522, %mul3A_521 : i32
        %get3A_524 = arith.index_cast %add3A_523 : i32 to index
        %get3A_525 = tpu.vector_load %arg6[%get3A_524] {strides = array<i32>} : memref<65536xf32, #tpu.memory_space<vmem>>, vector<16xf32>,
        %add3A_526 = arith.addf %add3A_519, %get3A_525 : vector<16xf32>
        %mul3A_527 = arith.constant 16 : i32
        %mul3A_528 = arith.muli %scan3A_473, %mul3A_527 : i32
        %add3A_529 = arith.constant 32768 : i32
        %add3A_530 = arith.addi %add3A_529, %mul3A_528 : i32
        %get3A_531 = arith.index_cast %add3A_530 : i32 to index
        %get3A_532 = tpu.vector_load %arg6[%get3A_531] {strides = array<i32>} : memref<65536xf32, #tpu.memory_space<vmem>>, vector<16xf32>,
        %add3A_533 = arith.addf %add3A_526, %get3A_532 : vector<16xf32>
        %mul3A_534 = arith.constant 16 : i32
        %mul3A_535 = arith.muli %scan3A_473, %mul3A_534 : i32
        %add3A_536 = arith.constant 36864 : i32
        %add3A_537 = arith.addi %add3A_536, %mul3A_535 : i32
        %get3A_538 = arith.index_cast %add3A_537 : i32 to index
        %get3A_539 = tpu.vector_load %arg6[%get3A_538] {strides = array<i32>} : memref<65536xf32, #tpu.memory_space<vmem>>, vector<16xf32>,
        %add3A_540 = arith.addf %add3A_533, %get3A_539 : vector<16xf32>
        %mul3A_541 = arith.constant 16 : i32
        %mul3A_542 = arith.muli %scan3A_473, %mul3A_541 : i32
        %add3A_543 = arith.constant 40960 : i32
        %add3A_544 = arith.addi %add3A_543, %mul3A_542 : i32
        %get3A_545 = arith.index_cast %add3A_544 : i32 to index
        %get3A_546 = tpu.vector_load %arg6[%get3A_545] {strides = array<i32>} : memref<65536xf32, #tpu.memory_space<vmem>>, vector<16xf32>,
        %add3A_547 = arith.addf %add3A_540, %get3A_546 : vector<16xf32>
        %mul3A_548 = arith.constant 16 : i32
        %mul3A_549 = arith.muli %scan3A_473, %mul3A_548 : i32
        %add3A_550 = arith.constant 45056 : i32
        %add3A_551 = arith.addi %add3A_550, %mul3A_549 : i32
        %get3A_552 = arith.index_cast %add3A_551 : i32 to index
        %get3A_553 = tpu.vector_load %arg6[%get3A_552] {strides = array<i32>} : memref<65536xf32, #tpu.memory_space<vmem>>, vector<16xf32>,
        %add3A_554 = arith.addf %add3A_547, %get3A_553 : vector<16xf32>
        %mul3A_555 = arith.constant 16 : i32
        %mul3A_556 = arith.muli %scan3A_473, %mul3A_555 : i32
        %add3A_557 = arith.constant 49152 : i32
        %add3A_558 = arith.addi %add3A_557, %mul3A_556 : i32
        %get3A_559 = arith.index_cast %add3A_558 : i32 to index
        %get3A_560 = tpu.vector_load %arg6[%get3A_559] {strides = array<i32>} : memref<65536xf32, #tpu.memory_space<vmem>>, vector<16xf32>,
        %add3A_561 = arith.addf %add3A_554, %get3A_560 : vector<16xf32>
        %mul3A_562 = arith.constant 16 : i32
        %mul3A_563 = arith.muli %scan3A_473, %mul3A_562 : i32
        %add3A_564 = arith.constant 53248 : i32
        %add3A_565 = arith.addi %add3A_564, %mul3A_563 : i32
        %get3A_566 = arith.index_cast %add3A_565 : i32 to index
        %get3A_567 = tpu.vector_load %arg6[%get3A_566] {strides = array<i32>} : memref<65536xf32, #tpu.memory_space<vmem>>, vector<16xf32>,
        %add3A_568 = arith.addf %add3A_561, %get3A_567 : vector<16xf32>
        %mul3A_569 = arith.constant 16 : i32
        %mul3A_570 = arith.muli %scan3A_473, %mul3A_569 : i32
        %add3A_571 = arith.constant 57344 : i32
        %add3A_572 = arith.addi %add3A_571, %mul3A_570 : i32
        %get3A_573 = arith.index_cast %add3A_572 : i32 to index
        %get3A_574 = tpu.vector_load %arg6[%get3A_573] {strides = array<i32>} : memref<65536xf32, #tpu.memory_space<vmem>>, vector<16xf32>,
        %add3A_575 = arith.addf %add3A_568, %get3A_574 : vector<16xf32>
        %mul3A_576 = arith.constant 16 : i32
        %mul3A_577 = arith.muli %scan3A_473, %mul3A_576 : i32
        %add3A_578 = arith.constant 61440 : i32
        %add3A_579 = arith.addi %add3A_578, %mul3A_577 : i32
        %get3A_580 = arith.index_cast %add3A_579 : i32 to index
        %get3A_581 = tpu.vector_load %arg6[%get3A_580] {strides = array<i32>} : memref<65536xf32, #tpu.memory_space<vmem>>, vector<16xf32>,
        %add3A_582 = arith.addf %add3A_575, %get3A_581 : vector<16xf32>
        %mul3A_583 = arith.constant 16 : i32
        %mul3A_584 = arith.muli %scan3A_473, %mul3A_583 : i32
        %swap3A = arith.index_cast %mul3A_584 : i32 to index
        %swap3A_585 = tpu.vector_load %arg8[%swap3A] {strides = array<i32>} : memref<20480xf32, #tpu.memory_space<vmem>>, vector<16xf32>,
        tpu.vector_store %arg8[%swap3A], %add3A_582 {strides = array<i32>} : memref<20480xf32, #tpu.memory_space<vmem>>, vector<16xf32>,
        %scan3A_586 = arith.constant 0 : i32
        scf.yield %scan3A_586 : i32
      }
      %scan3A_467 = arith.constant 256 : i32
      %mul3A_468 = arith.constant 5 : i32
      %mul3A_469 = arith.muli %arg0, %mul3A_468 : i32
      %add3A_470 = arith.addi %mul3A_469, %arg1 : i32
      %mul3A_471 = arith.constant 4096 : i32
      %mul3A_472 = arith.muli %add3A_470, %mul3A_471 : i32
      "tpu.region"() ({
        %run_scoped3A = tpu.sem_alloc : memref<!tpu.dma_semaphore, #tpu.memory_space<semaphore_mem>>
        %dma_start3A = arith.constant 0 : i32
        %dma_start3A_473 = tpu.memref_slice %arg8[%dma_start3A] : memref<20480xf32, #tpu.memory_space<vmem>> -> memref<4096xf32, #tpu.memory_space<vmem>>
        %dma_start3A_474 = tpu.memref_slice %arg5[%mul3A_472] : memref<40960xf32, #tpu.memory_space<hbm>> -> memref<4096xf32, #tpu.memory_space<hbm>>
        %dma_start3A_475 = tpu.memref_slice %arg5[%mul3A_472] : memref<40960xf32, #tpu.memory_space<hbm>> -> memref<4096xf32, #tpu.memory_space<hbm>>
        %dma_start3A_476 = arith.constant 0 : i32
        %dma_start3A_477 = tpu.memref_slice %arg8[%dma_start3A_476] : memref<20480xf32, #tpu.memory_space<vmem>> -> memref<4096xf32, #tpu.memory_space<vmem>>
        tpu.enqueue_dma source(%dma_start3A_477 : memref<4096xf32, #tpu.memory_space<vmem>>) target(%dma_start3A_475 : memref<4096xf32, #tpu.memory_space<hbm>>) target_semaphore(%run_scoped3A : memref<!tpu.dma_semaphore, #tpu.memory_space<semaphore_mem>>)
        %dma_wait3A = arith.constant 0 : i32
        %dma_wait3A_478 = tpu.memref_slice %arg8[%dma_wait3A] : memref<20480xf32, #tpu.memory_space<vmem>> -> memref<4096xf32, #tpu.memory_space<vmem>>
        %dma_wait3A_479 = tpu.memref_slice %arg5[%mul3A_472] : memref<40960xf32, #tpu.memory_space<hbm>> -> memref<4096xf32, #tpu.memory_space<hbm>>
        %dma_wait3A_480 = tpu.memref_slice %arg5[%mul3A_472] : memref<40960xf32, #tpu.memory_space<hbm>> -> memref<4096xf32, #tpu.memory_space<hbm>>
        %dma_wait3A_481 = arith.constant 0 : i32
        %dma_wait3A_482 = tpu.memref_slice %arg8[%dma_wait3A_481] : memref<20480xf32, #tpu.memory_space<vmem>> -> memref<4096xf32, #tpu.memory_space<vmem>>
        tpu.wait_dma2 semaphore(%run_scoped3A : memref<!tpu.dma_semaphore, #tpu.memory_space<semaphore_mem>>) src(%dma_wait3A_482 : memref<4096xf32, #tpu.memory_space<vmem>>) dst(%dma_wait3A_480 : memref<4096xf32, #tpu.memory_space<hbm>>)
        tpu.yield
      }) : () -> ()
    } else {
    }
    return
  }
}

module attributes {stable_mosaic.version = 14 : i64} {
  func.func @_addr_body(%arg0: i32, %arg1: memref<640x16xi32, #tpu.memory_space<vmem>>, %arg2: memref<1024x512xbf16, #tpu.memory_space<vmem>>, %arg3: memref<640x512xi32, #tpu.memory_space<vmem>>, %arg4: memref<640x1024xbf16, #tpu.memory_space<vmem>>) attributes {dimension_semantics = [#tpu.dimension_semantics<arbitrary>], iteration_bounds = array<i64: 8>, scalar_prefetch = 0 : i64, scratch_operands = 1 : i64, tpu.core_type = #tpu.core_type<tc>, window_params = [{pipeline_mode = #tpu.pipeline_mode<synchronous>, transform_indices = @transform_0, window_bounds = array<i64: 640, 16>}, {transform_indices = @transform_1, window_bounds = array<i64: 1024, 512>}, {transform_indices = @transform_2, window_bounds = array<i64: 640, 512>}]} {
    %eq3A = arith.constant 0 : i32
    %eq3A_0 = arith.cmpi eq, %arg0, %eq3A : i32
    %convert_element_type3A = arith.extui %eq3A_0 : i1 to i32
    %cond3A = arith.constant 0 : i32
    %cond3A_1 = arith.cmpi ne, %convert_element_type3A, %cond3A : i32
    scf.if %cond3A_1 {
      %iota3A = tpu.iota {dimensions = array<i32: 1>} : vector<640x1024xi32>
      %broadcast_in_dim3A = arith.constant 0.000000e+00 : f32
      %broadcast_in_dim3A_11 = vector.broadcast %broadcast_in_dim3A : f32 to vector<640x1024xf32>
      %get3A_12 = arith.constant 0 : index
      %get3A_13 = arith.constant 0 : index
      %get3A_14 = vector.load %arg1[%get3A_12, %get3A_13] : memref<640x16xi32, #tpu.memory_space<vmem>>, vector<640x1xi32>
      %eq3A_15 = vector.broadcast %get3A_14 : vector<640x1xi32> to vector<640x1024xi32>
      %eq3A_16 = arith.cmpi eq, %eq3A_15, %iota3A : vector<640x1024xi32>
      %jit3A = arith.constant 3.276800e+04 : f32
      %jit3A_17 = arith.constant 0.000000e+00 : f32
      %broadcast_in_dim3A_18 = vector.broadcast %jit3A : f32 to vector<640x1024xf32>
      %broadcast_in_dim3A_19 = vector.broadcast %jit3A_17 : f32 to vector<640x1024xf32>
      %select_n3A = arith.select %eq3A_16, %broadcast_in_dim3A_18, %broadcast_in_dim3A_19 : vector<640x1024xi1>, vector<640x1024xf32>
      %add3A = arith.addf %broadcast_in_dim3A_11, %select_n3A : vector<640x1024xf32>
      %get3A_20 = arith.constant 0 : index
      %get3A_21 = arith.constant 1 : index
      %get3A_22 = vector.load %arg1[%get3A_20, %get3A_21] : memref<640x16xi32, #tpu.memory_space<vmem>>, vector<640x1xi32>
      %eq3A_23 = vector.broadcast %get3A_22 : vector<640x1xi32> to vector<640x1024xi32>
      %eq3A_24 = arith.cmpi eq, %eq3A_23, %iota3A : vector<640x1024xi32>
      %jit3A_25 = arith.constant 1.638400e+04 : f32
      %jit3A_26 = arith.constant 0.000000e+00 : f32
      %broadcast_in_dim3A_27 = vector.broadcast %jit3A_25 : f32 to vector<640x1024xf32>
      %broadcast_in_dim3A_28 = vector.broadcast %jit3A_26 : f32 to vector<640x1024xf32>
      %select_n3A_29 = arith.select %eq3A_24, %broadcast_in_dim3A_27, %broadcast_in_dim3A_28 : vector<640x1024xi1>, vector<640x1024xf32>
      %add3A_30 = arith.addf %add3A, %select_n3A_29 : vector<640x1024xf32>
      %get3A_31 = arith.constant 0 : index
      %get3A_32 = arith.constant 2 : index
      %get3A_33 = vector.load %arg1[%get3A_31, %get3A_32] : memref<640x16xi32, #tpu.memory_space<vmem>>, vector<640x1xi32>
      %eq3A_34 = vector.broadcast %get3A_33 : vector<640x1xi32> to vector<640x1024xi32>
      %eq3A_35 = arith.cmpi eq, %eq3A_34, %iota3A : vector<640x1024xi32>
      %jit3A_36 = arith.constant 8.192000e+03 : f32
      %jit3A_37 = arith.constant 0.000000e+00 : f32
      %broadcast_in_dim3A_38 = vector.broadcast %jit3A_36 : f32 to vector<640x1024xf32>
      %broadcast_in_dim3A_39 = vector.broadcast %jit3A_37 : f32 to vector<640x1024xf32>
      %select_n3A_40 = arith.select %eq3A_35, %broadcast_in_dim3A_38, %broadcast_in_dim3A_39 : vector<640x1024xi1>, vector<640x1024xf32>
      %add3A_41 = arith.addf %add3A_30, %select_n3A_40 : vector<640x1024xf32>
      %get3A_42 = arith.constant 0 : index
      %get3A_43 = arith.constant 3 : index
      %get3A_44 = vector.load %arg1[%get3A_42, %get3A_43] : memref<640x16xi32, #tpu.memory_space<vmem>>, vector<640x1xi32>
      %eq3A_45 = vector.broadcast %get3A_44 : vector<640x1xi32> to vector<640x1024xi32>
      %eq3A_46 = arith.cmpi eq, %eq3A_45, %iota3A : vector<640x1024xi32>
      %jit3A_47 = arith.constant 4.096000e+03 : f32
      %jit3A_48 = arith.constant 0.000000e+00 : f32
      %broadcast_in_dim3A_49 = vector.broadcast %jit3A_47 : f32 to vector<640x1024xf32>
      %broadcast_in_dim3A_50 = vector.broadcast %jit3A_48 : f32 to vector<640x1024xf32>
      %select_n3A_51 = arith.select %eq3A_46, %broadcast_in_dim3A_49, %broadcast_in_dim3A_50 : vector<640x1024xi1>, vector<640x1024xf32>
      %add3A_52 = arith.addf %add3A_41, %select_n3A_51 : vector<640x1024xf32>
      %get3A_53 = arith.constant 0 : index
      %get3A_54 = arith.constant 4 : index
      %get3A_55 = vector.load %arg1[%get3A_53, %get3A_54] : memref<640x16xi32, #tpu.memory_space<vmem>>, vector<640x1xi32>
      %eq3A_56 = vector.broadcast %get3A_55 : vector<640x1xi32> to vector<640x1024xi32>
      %eq3A_57 = arith.cmpi eq, %eq3A_56, %iota3A : vector<640x1024xi32>
      %jit3A_58 = arith.constant 2.048000e+03 : f32
      %jit3A_59 = arith.constant 0.000000e+00 : f32
      %broadcast_in_dim3A_60 = vector.broadcast %jit3A_58 : f32 to vector<640x1024xf32>
      %broadcast_in_dim3A_61 = vector.broadcast %jit3A_59 : f32 to vector<640x1024xf32>
      %select_n3A_62 = arith.select %eq3A_57, %broadcast_in_dim3A_60, %broadcast_in_dim3A_61 : vector<640x1024xi1>, vector<640x1024xf32>
      %add3A_63 = arith.addf %add3A_52, %select_n3A_62 : vector<640x1024xf32>
      %get3A_64 = arith.constant 0 : index
      %get3A_65 = arith.constant 5 : index
      %get3A_66 = vector.load %arg1[%get3A_64, %get3A_65] : memref<640x16xi32, #tpu.memory_space<vmem>>, vector<640x1xi32>
      %eq3A_67 = vector.broadcast %get3A_66 : vector<640x1xi32> to vector<640x1024xi32>
      %eq3A_68 = arith.cmpi eq, %eq3A_67, %iota3A : vector<640x1024xi32>
      %jit3A_69 = arith.constant 1.024000e+03 : f32
      %jit3A_70 = arith.constant 0.000000e+00 : f32
      %broadcast_in_dim3A_71 = vector.broadcast %jit3A_69 : f32 to vector<640x1024xf32>
      %broadcast_in_dim3A_72 = vector.broadcast %jit3A_70 : f32 to vector<640x1024xf32>
      %select_n3A_73 = arith.select %eq3A_68, %broadcast_in_dim3A_71, %broadcast_in_dim3A_72 : vector<640x1024xi1>, vector<640x1024xf32>
      %add3A_74 = arith.addf %add3A_63, %select_n3A_73 : vector<640x1024xf32>
      %get3A_75 = arith.constant 0 : index
      %get3A_76 = arith.constant 6 : index
      %get3A_77 = vector.load %arg1[%get3A_75, %get3A_76] : memref<640x16xi32, #tpu.memory_space<vmem>>, vector<640x1xi32>
      %eq3A_78 = vector.broadcast %get3A_77 : vector<640x1xi32> to vector<640x1024xi32>
      %eq3A_79 = arith.cmpi eq, %eq3A_78, %iota3A : vector<640x1024xi32>
      %jit3A_80 = arith.constant 5.120000e+02 : f32
      %jit3A_81 = arith.constant 0.000000e+00 : f32
      %broadcast_in_dim3A_82 = vector.broadcast %jit3A_80 : f32 to vector<640x1024xf32>
      %broadcast_in_dim3A_83 = vector.broadcast %jit3A_81 : f32 to vector<640x1024xf32>
      %select_n3A_84 = arith.select %eq3A_79, %broadcast_in_dim3A_82, %broadcast_in_dim3A_83 : vector<640x1024xi1>, vector<640x1024xf32>
      %add3A_85 = arith.addf %add3A_74, %select_n3A_84 : vector<640x1024xf32>
      %get3A_86 = arith.constant 0 : index
      %get3A_87 = arith.constant 7 : index
      %get3A_88 = vector.load %arg1[%get3A_86, %get3A_87] : memref<640x16xi32, #tpu.memory_space<vmem>>, vector<640x1xi32>
      %eq3A_89 = vector.broadcast %get3A_88 : vector<640x1xi32> to vector<640x1024xi32>
      %eq3A_90 = arith.cmpi eq, %eq3A_89, %iota3A : vector<640x1024xi32>
      %jit3A_91 = arith.constant 2.560000e+02 : f32
      %jit3A_92 = arith.constant 0.000000e+00 : f32
      %broadcast_in_dim3A_93 = vector.broadcast %jit3A_91 : f32 to vector<640x1024xf32>
      %broadcast_in_dim3A_94 = vector.broadcast %jit3A_92 : f32 to vector<640x1024xf32>
      %select_n3A_95 = arith.select %eq3A_90, %broadcast_in_dim3A_93, %broadcast_in_dim3A_94 : vector<640x1024xi1>, vector<640x1024xf32>
      %add3A_96 = arith.addf %add3A_85, %select_n3A_95 : vector<640x1024xf32>
      %get3A_97 = arith.constant 0 : index
      %get3A_98 = arith.constant 8 : index
      %get3A_99 = vector.load %arg1[%get3A_97, %get3A_98] : memref<640x16xi32, #tpu.memory_space<vmem>>, vector<640x1xi32>
      %eq3A_100 = vector.broadcast %get3A_99 : vector<640x1xi32> to vector<640x1024xi32>
      %eq3A_101 = arith.cmpi eq, %eq3A_100, %iota3A : vector<640x1024xi32>
      %jit3A_102 = arith.constant 1.280000e+02 : f32
      %jit3A_103 = arith.constant 0.000000e+00 : f32
      %broadcast_in_dim3A_104 = vector.broadcast %jit3A_102 : f32 to vector<640x1024xf32>
      %broadcast_in_dim3A_105 = vector.broadcast %jit3A_103 : f32 to vector<640x1024xf32>
      %select_n3A_106 = arith.select %eq3A_101, %broadcast_in_dim3A_104, %broadcast_in_dim3A_105 : vector<640x1024xi1>, vector<640x1024xf32>
      %add3A_107 = arith.addf %add3A_96, %select_n3A_106 : vector<640x1024xf32>
      %get3A_108 = arith.constant 0 : index
      %get3A_109 = arith.constant 9 : index
      %get3A_110 = vector.load %arg1[%get3A_108, %get3A_109] : memref<640x16xi32, #tpu.memory_space<vmem>>, vector<640x1xi32>
      %eq3A_111 = vector.broadcast %get3A_110 : vector<640x1xi32> to vector<640x1024xi32>
      %eq3A_112 = arith.cmpi eq, %eq3A_111, %iota3A : vector<640x1024xi32>
      %jit3A_113 = arith.constant 6.400000e+01 : f32
      %jit3A_114 = arith.constant 0.000000e+00 : f32
      %broadcast_in_dim3A_115 = vector.broadcast %jit3A_113 : f32 to vector<640x1024xf32>
      %broadcast_in_dim3A_116 = vector.broadcast %jit3A_114 : f32 to vector<640x1024xf32>
      %select_n3A_117 = arith.select %eq3A_112, %broadcast_in_dim3A_115, %broadcast_in_dim3A_116 : vector<640x1024xi1>, vector<640x1024xf32>
      %add3A_118 = arith.addf %add3A_107, %select_n3A_117 : vector<640x1024xf32>
      %get3A_119 = arith.constant 0 : index
      %get3A_120 = arith.constant 10 : index
      %get3A_121 = vector.load %arg1[%get3A_119, %get3A_120] : memref<640x16xi32, #tpu.memory_space<vmem>>, vector<640x1xi32>
      %eq3A_122 = vector.broadcast %get3A_121 : vector<640x1xi32> to vector<640x1024xi32>
      %eq3A_123 = arith.cmpi eq, %eq3A_122, %iota3A : vector<640x1024xi32>
      %jit3A_124 = arith.constant 3.200000e+01 : f32
      %jit3A_125 = arith.constant 0.000000e+00 : f32
      %broadcast_in_dim3A_126 = vector.broadcast %jit3A_124 : f32 to vector<640x1024xf32>
      %broadcast_in_dim3A_127 = vector.broadcast %jit3A_125 : f32 to vector<640x1024xf32>
      %select_n3A_128 = arith.select %eq3A_123, %broadcast_in_dim3A_126, %broadcast_in_dim3A_127 : vector<640x1024xi1>, vector<640x1024xf32>
      %add3A_129 = arith.addf %add3A_118, %select_n3A_128 : vector<640x1024xf32>
      %get3A_130 = arith.constant 0 : index
      %get3A_131 = arith.constant 11 : index
      %get3A_132 = vector.load %arg1[%get3A_130, %get3A_131] : memref<640x16xi32, #tpu.memory_space<vmem>>, vector<640x1xi32>
      %eq3A_133 = vector.broadcast %get3A_132 : vector<640x1xi32> to vector<640x1024xi32>
      %eq3A_134 = arith.cmpi eq, %eq3A_133, %iota3A : vector<640x1024xi32>
      %jit3A_135 = arith.constant 1.600000e+01 : f32
      %jit3A_136 = arith.constant 0.000000e+00 : f32
      %broadcast_in_dim3A_137 = vector.broadcast %jit3A_135 : f32 to vector<640x1024xf32>
      %broadcast_in_dim3A_138 = vector.broadcast %jit3A_136 : f32 to vector<640x1024xf32>
      %select_n3A_139 = arith.select %eq3A_134, %broadcast_in_dim3A_137, %broadcast_in_dim3A_138 : vector<640x1024xi1>, vector<640x1024xf32>
      %add3A_140 = arith.addf %add3A_129, %select_n3A_139 : vector<640x1024xf32>
      %get3A_141 = arith.constant 0 : index
      %get3A_142 = arith.constant 12 : index
      %get3A_143 = vector.load %arg1[%get3A_141, %get3A_142] : memref<640x16xi32, #tpu.memory_space<vmem>>, vector<640x1xi32>
      %eq3A_144 = vector.broadcast %get3A_143 : vector<640x1xi32> to vector<640x1024xi32>
      %eq3A_145 = arith.cmpi eq, %eq3A_144, %iota3A : vector<640x1024xi32>
      %jit3A_146 = arith.constant 8.000000e+00 : f32
      %jit3A_147 = arith.constant 0.000000e+00 : f32
      %broadcast_in_dim3A_148 = vector.broadcast %jit3A_146 : f32 to vector<640x1024xf32>
      %broadcast_in_dim3A_149 = vector.broadcast %jit3A_147 : f32 to vector<640x1024xf32>
      %select_n3A_150 = arith.select %eq3A_145, %broadcast_in_dim3A_148, %broadcast_in_dim3A_149 : vector<640x1024xi1>, vector<640x1024xf32>
      %add3A_151 = arith.addf %add3A_140, %select_n3A_150 : vector<640x1024xf32>
      %get3A_152 = arith.constant 0 : index
      %get3A_153 = arith.constant 13 : index
      %get3A_154 = vector.load %arg1[%get3A_152, %get3A_153] : memref<640x16xi32, #tpu.memory_space<vmem>>, vector<640x1xi32>
      %eq3A_155 = vector.broadcast %get3A_154 : vector<640x1xi32> to vector<640x1024xi32>
      %eq3A_156 = arith.cmpi eq, %eq3A_155, %iota3A : vector<640x1024xi32>
      %jit3A_157 = arith.constant 4.000000e+00 : f32
      %jit3A_158 = arith.constant 0.000000e+00 : f32
      %broadcast_in_dim3A_159 = vector.broadcast %jit3A_157 : f32 to vector<640x1024xf32>
      %broadcast_in_dim3A_160 = vector.broadcast %jit3A_158 : f32 to vector<640x1024xf32>
      %select_n3A_161 = arith.select %eq3A_156, %broadcast_in_dim3A_159, %broadcast_in_dim3A_160 : vector<640x1024xi1>, vector<640x1024xf32>
      %add3A_162 = arith.addf %add3A_151, %select_n3A_161 : vector<640x1024xf32>
      %get3A_163 = arith.constant 0 : index
      %get3A_164 = arith.constant 14 : index
      %get3A_165 = vector.load %arg1[%get3A_163, %get3A_164] : memref<640x16xi32, #tpu.memory_space<vmem>>, vector<640x1xi32>
      %eq3A_166 = vector.broadcast %get3A_165 : vector<640x1xi32> to vector<640x1024xi32>
      %eq3A_167 = arith.cmpi eq, %eq3A_166, %iota3A : vector<640x1024xi32>
      %jit3A_168 = arith.constant 2.000000e+00 : f32
      %jit3A_169 = arith.constant 0.000000e+00 : f32
      %broadcast_in_dim3A_170 = vector.broadcast %jit3A_168 : f32 to vector<640x1024xf32>
      %broadcast_in_dim3A_171 = vector.broadcast %jit3A_169 : f32 to vector<640x1024xf32>
      %select_n3A_172 = arith.select %eq3A_167, %broadcast_in_dim3A_170, %broadcast_in_dim3A_171 : vector<640x1024xi1>, vector<640x1024xf32>
      %add3A_173 = arith.addf %add3A_162, %select_n3A_172 : vector<640x1024xf32>
      %get3A_174 = arith.constant 0 : index
      %get3A_175 = arith.constant 15 : index
      %get3A_176 = vector.load %arg1[%get3A_174, %get3A_175] : memref<640x16xi32, #tpu.memory_space<vmem>>, vector<640x1xi32>
      %eq3A_177 = vector.broadcast %get3A_176 : vector<640x1xi32> to vector<640x1024xi32>
      %eq3A_178 = arith.cmpi eq, %eq3A_177, %iota3A : vector<640x1024xi32>
      %jit3A_179 = arith.constant 1.000000e+00 : f32
      %jit3A_180 = arith.constant 0.000000e+00 : f32
      %broadcast_in_dim3A_181 = vector.broadcast %jit3A_179 : f32 to vector<640x1024xf32>
      %broadcast_in_dim3A_182 = vector.broadcast %jit3A_180 : f32 to vector<640x1024xf32>
      %select_n3A_183 = arith.select %eq3A_178, %broadcast_in_dim3A_181, %broadcast_in_dim3A_182 : vector<640x1024xi1>, vector<640x1024xf32>
      %add3A_184 = arith.addf %add3A_173, %select_n3A_183 : vector<640x1024xf32>
      %convert_element_type3A_185 = arith.truncf %add3A_184 : vector<640x1024xf32> to vector<640x1024xbf16>
      %swap3A_186 = arith.constant 0 : index
      %swap3A_187 = arith.constant 0 : index
      %swap3A_188 = vector.load %arg4[%swap3A_186, %swap3A_187] : memref<640x1024xbf16, #tpu.memory_space<vmem>>, vector<640x1024xbf16>
      tpu.vector_store %arg4[%swap3A_186, %swap3A_187], %convert_element_type3A_185 {strides = array<i32>} : memref<640x1024xbf16, #tpu.memory_space<vmem>>, vector<640x1024xbf16>,
    } else {
    }
    %get3A = arith.constant 0 : index
    %get3A_2 = arith.constant 0 : index
    %get3A_3 = vector.load %arg4[%get3A, %get3A_2] : memref<640x1024xbf16, #tpu.memory_space<vmem>>, vector<640x1024xbf16>
    %get3A_4 = arith.constant 0 : index
    %get3A_5 = arith.constant 0 : index
    %get3A_6 = vector.load %arg2[%get3A_4, %get3A_5] : memref<1024x512xbf16, #tpu.memory_space<vmem>>, vector<1024x512xbf16>
    %dot_general3A = arith.constant dense<0.000000e+00> : vector<640x512xf32>
    %dot_general3A_7 = tpu.matmul %get3A_3, %get3A_6, %dot_general3A {dimension_numbers = #tpu.dot_dimension_numbers<[1], [0], [0], [1], [0, 0, 1, 1], [], []>, transpose_lhs_hint = false} : vector<640x1024xbf16>, vector<1024x512xbf16>, vector<640x512xf32> -> vector<640x512xf32>
    %convert_element_type3A_8 = arith.fptosi %dot_general3A_7 : vector<640x512xf32> to vector<640x512xi32>
    %swap3A = arith.constant 0 : index
    %swap3A_9 = arith.constant 0 : index
    %swap3A_10 = vector.load %arg3[%swap3A, %swap3A_9] : memref<640x512xi32, #tpu.memory_space<vmem>>, vector<640x512xi32>
    tpu.vector_store %arg3[%swap3A, %swap3A_9], %convert_element_type3A_8 {strides = array<i32>} : memref<640x512xi32, #tpu.memory_space<vmem>>, vector<640x512xi32>,
    return
  }
  func.func @transform_0(%arg0: i32) -> (i32, i32) {
    %c0_i32 = arith.constant 0 : i32
    %c0_i32_0 = arith.constant 0 : i32
    %c0_i32_1 = arith.constant 0 : i32
    return %c0_i32, %c0_i32_0 : i32, i32
  }
  func.func @transform_1(%arg0: i32) -> (i32, i32) {
    %c0_i32 = arith.constant 0 : i32
    %c0_i32_0 = arith.constant 0 : i32
    return %c0_i32, %arg0 : i32, i32
  }
  func.func @transform_2(%arg0: i32) -> (i32, i32) {
    %c0_i32 = arith.constant 0 : i32
    %c0_i32_0 = arith.constant 0 : i32
    return %c0_i32, %arg0 : i32, i32
  }
}

</mosaic_0001>

<sc_bundles>
// kernel: kernel.4.cloned.1.call-start
scs
__scs_entry_jumppad:
0x0: {  	(pc) =	sbr.rel $0x88, $3  }
0x1: {  	(tag) =	ssettag $0x0;
	lr =	simm.s32 $0x1  }
0x2: {  	[smem:$0x3F9E] =	sst lr;
	_ =	strace $0xD0000000  }
0x3: {  	_ = 	snop  }
0x4: {  	_ = 	snop  }
0x5: {  	_ = 	snop  }
0x6: {  	_ = 	snop  }
0x7: {  	_ = 	snop  }
__scs_overlays_trampoline_lowered:
0x8: {  	[smem:$0x3FAD] =	sst s0  }
0x9: {  	[smem:$0x3FAE] =	sst s1  }
0xa: {  	[smem:$0x3FAF] =	sst s2  }
0xb: {  	[smem:$0x3FB0] =	sst s3  }
0xc: {  	[smem:$0x3FB1] =	sst s4  }
0xd: {  	[smem:$0x3FB2] =	sst s5  }
0xe: {  	[smem:$0x3FB3] =	sst s6  }
0xf: {  	[smem:$0x3FB4] =	sst s7  }
0x10: {  	[smem:$0x3FB5] =	sst s8  }
0x11: {  	[smem:$0x3FB6] =	sst s9;
	s0 =	simm.s32 @!p0 $0x0  }
0x12: {  	s1 =	sld [smem:$0x3F9C];
	s0 =	simm.s32 @p0 $0x1  }
0x13: {  	[smem:$0x3FB7] =	sst s0;
	s0 =	simm.s32 @!p1 $0x0  }
0x14: {  	s2 =	sld [smem:$0x3F9B];
	s0 =	simm.s32 @p1 $0x1  }
0x15: {  	[smem:$0x3FB8] =	sst s0;
	s0 =	simm.s32 @!p2 $0x0  }
0x16: {  	s3 =	sld [smem:$0x3FDB];
	s0 =	simm.s32 @p2 $0x1  }
0x17: {  	s4 =	simm.s32 $0x1BF5;
	[smem:$0x3FBA] =	sst s0  }
0x18: {  	s0 =	sld [smem:$0x3F9D];
	_ =	swait.ge [sflag:s4], $0x0  }
0x19: {  	s7 =	sld [smem:$0x3F9E]  }
0x1a: {  	s8 =	sadd.s32 $0xFFFFE003, lr  }
0x1b: {  	s9 =	sadd.s32 $0xFFFFFEF7, lr;
	s5 =	simm.s32 $0xFFFFFFFF;
	p2 =	slt.u32 s8, $0xFFFFF086  }
0x1c: {  	p1 =	slt.u32 s9, $0xF7A;
	s5 =	simm.s32 @!p2 $0x0  }
0x1d: {  	s5 =	simm.s32 @p1 $0x1;
	p0 =	seq.s32 s7, s2  }
0x1e: {  	s7 =	smul.u32 @!p0 $0xF7A, s2;
	p2 =	seq.s32 @!p0 s5, $0x0  }
0x1f: {  	s9 =	smul.u32 $0xF7A, s1;
	s8 =	simm.s32 @!p0 $0x1BF5;
	p2 =	por !p2, p0  }
0x20: {  	[sflag:s8] =	ssyncset.s32 @!p0 $0xFFFFF086;
	s6 =	sadd.s32 @!p0 s3, s7;
	s7 =	simm.s32 @!p0 $0x108  }
0x21: {  	s3 =	sadd.s32 s3, s9;
	s6 =	sadd.s32 @!p0 $0x88, s6;
	s7 =	simm.s32 @p2 $0x1082  }
0x22: {  	[simem:s7], [sflag:s8] =	dma.local @!p0 [hbm:s6], $0xF7A  }
0x23: {  	s9 =	sor.u32 $0xD0000000, s2;
	s6 =	simm.s32 $0x108;
	_ =	swait.ge @!p0 [sflag:s8], $0x0  }
0x24: {  	s3 =	sadd.s32 $0x88, s3;
	s6 =	simm.s32 @!p1 $0x1082;
	[sflag:s4] =	ssyncset.s32 $0xFFFFF086  }
0x25: {  	[simem:s6], [sflag:s4] =	dma.local [hbm:s3], $0xF7A  }
0x26: {  	[smem:$0x3F9E] =	sst s1;
	(tag) =	ssettag s2;
	_ =	strace s9  }
0x27: {  	s1 =	sld [smem:$0x3FAE]  }
0x28: {  	s2 =	sld [smem:$0x3FAF]  }
0x29: {  	s4 =	sld [smem:$0x3FB1]  }
0x2a: {  	p0 =	seq.s32 s5, $0x0;
	s5 =	sld [smem:$0x3FB2]  }
0x2b: {  	s6 =	sld [smem:$0x3FB3]  }
0x2c: {  	s7 =	sld [smem:$0x3FB4]  }
0x2d: {  	s3 =	simm.s32 $0x108;
	s8 =	sld [smem:$0x3FB5]  }
0x2e: {  	s3 =	simm.s32 @!p0 $0x1082;
	s9 =	sld [smem:$0x3FB6]  }
0x2f: {  	lr =	sadd.s32 s0, s3;
	s0 =	sld [smem:$0x3FAD]  }
0x30: {  	s3 =	sld [smem:$0x3FB0]  }
0x31: {  	[smem:$0x3FB9] =	sst s10  }
0x32: {  	s10 =	sld [smem:$0x3FB7];
	_ =	sdelay $0x3  }
0x33: {  	p0 =	seq.s32 s10, $0x1;
	s10 =	sld [smem:$0x3FB9];
	_ =	sdelay $0x3  }
0x34: {  	[smem:$0x3FB9] =	sst s10  }
0x35: {  	s10 =	sld [smem:$0x3FB8];
	_ =	sdelay $0x3  }
0x36: {  	p1 =	seq.s32 s10, $0x1;
	s10 =	sld [smem:$0x3FB9];
	_ =	sdelay $0x3  }
0x37: {  	[smem:$0x3FB9] =	sst s10  }
0x38: {  	s10 =	sld [smem:$0x3FBA]  }
0x39: {  	_ = 	snop;
	(pc) =	sbr.ind lr, $3  }
0x3a: {  	_ = 	snop  }
0x3b: {  	_ = 	snop  }
0x3c: {  	p2 =	seq.s32 s10, $0x1;
	s10 =	sld [smem:$0x3FB9]  }
0x3d: {  	_ =	shalt  }
0x3e: {  	_ =	shalt  }
0x3f: {  	_ =	shalt  }
0x40: {  	_ =	shalt  }
0x41: {  	_ =	shalt  }
0x42: {  	_ =	shalt  }
0x43: {  	_ =	shalt  }
0x44: {  	_ =	shalt  }
0x45: {  	_ =	shalt  }
0x46: {  	_ =	shalt  }
0x47: {  	_ =	shalt  }
0x48: {  	_ =	shalt  }
0x49: {  	_ =	shalt  }
0x4a: {  	_ =	shalt  }
0x4b: {  	_ =	shalt  }
0x4c: {  	_ =	shalt  }
0x4d: {  	_ =	shalt  }
0x4e: {  	_ =	shalt  }
0x4f: {  	_ =	shalt  }
0x50: {  	_ =	shalt  }
0x51: {  	_ =	shalt  }
0x52: {  	_ =	shalt  }
0x53: {  	_ =	shalt  }
0x54: {  	_ =	shalt  }
0x55: {  	_ =	shalt  }
0x56: {  	_ =	shalt  }
0x57: {  	_ =	shalt  }
0x58: {  	_ =	shalt  }
0x59: {  	_ =	shalt  }
0x5a: {  	_ =	shalt  }
0x5b: {  	_ =	shalt  }
0x5c: {  	_ =	shalt  }
0x5d: {  	_ =	shalt  }
0x5e: {  	_ =	shalt  }
0x5f: {  	_ =	shalt  }
0x60: {  	_ =	shalt  }
0x61: {  	_ =	shalt  }
0x62: {  	_ =	shalt  }
0x63: {  	_ =	shalt  }
0x64: {  	_ =	shalt  }
0x65: {  	_ =	shalt  }
0x66: {  	_ =	shalt  }
0x67: {  	_ =	shalt  }
0x68: {  	_ =	shalt  }
0x69: {  	_ =	shalt  }
0x6a: {  	_ =	shalt  }
0x6b: {  	_ =	shalt  }
0x6c: {  	_ =	shalt  }
0x6d: {  	_ =	shalt  }
0x6e: {  	_ =	shalt  }
0x6f: {  	_ =	shalt  }
0x70: {  	_ =	shalt  }
0x71: {  	_ =	shalt  }
0x72: {  	_ =	shalt  }
0x73: {  	_ =	shalt  }
0x74: {  	_ =	shalt  }
0x75: {  	_ =	shalt  }
0x76: {  	_ =	shalt  }
0x77: {  	_ =	shalt  }
0x78: {  	_ =	shalt  }
0x79: {  	_ =	shalt  }
0x7a: {  	_ =	shalt  }
0x7b: {  	_ =	shalt  }
0x7c: {  	_ =	shalt  }
0x7d: {  	_ =	shalt  }
0x7e: {  	_ =	shalt  }
0x7f: {  	_ =	shalt  }
0x80: {  	_ =	shalt  }
0x81: {  	_ =	shalt  }
0x82: {  	_ =	shalt  }
0x83: {  	_ =	shalt  }
0x84: {  	_ =	shalt  }
0x85: {  	_ =	shalt  }
0x86: {  	_ =	shalt  }
0x87: {  	_ =	shalt  }
.Lfunc_end0:
.L_simem_size_0:
called_computation.1_lowered:
.L_overlay_start_0:
0x88: {  	s2 =	sld [smem:$0x3FD9]  }
0x89: {  	s3 =	sld [smem:$0x3FFE];
	_ =	sdelay $0x1  }
0x8a: {  	s1 =	srdreg.scid  }
0x8b: {  	s0 =	sand.u32 $0x1, s1  }
0x8c: {  	s16 =	sshll.u32 s0, $0xA;
	s2 =	sadd.s32 s3, s2  }
0x8d: {  	s2 =	sadd.s32 s2, s16  }
0x8e: {  	[smem:$0x3FC5] =	sst s2  }
0x8f: {  	_ = 	snop  }
0x90: {  	(tm) =	ssettm $0x1  }
0x91: {  	s17 =	sld [smem:$0x3FFB];
	_ =	sdelay $0x3  }
0x92: {  	_ =	strace s17  }
0x93: {  	s2 =	sld [smem:$0x3FFC];
	_ =	sdelay $0x3  }
0x94: {  	_ =	strace s2  }
0x95: {  	s2 =	sld [smem:$0x3FFD];
	_ =	sdelay $0x3  }
0x96: {  	_ =	strace s2  }
0x97: {  	_ =	strace $0x8FFFFFFF  }
0x98: {  	s18 =	sld [smem:$0x3FDB];
	_ =	sdelay $0x1  }
0x99: {  	s19 =	simm.s32 $_scs_section_size  }
0x9a: {  	s4 =	simm.s32 $_size__tile_overlayer_lowered;
	s5 =	simm.s32 $_tile_overlayer_lowered  }
0x9b: {  	s22 =	simm.s32 $0x1BFF;
	s21 =	sshll.u32 s5, $0x1;
	s2 =	sadd.s32 s19, s18  }
0x9c: {  	s6 =	simm.s32 $0x0;
	s20 =	sshll.u32 s4, $0x1;
	s4 =	sadd.s32 s21, s2  }
0x9d: {  	[timem:s6], [sflag:s22] =	dma.local [hbm:s4], s20  }
0x9e: {  	_ =	swait.ge [sflag:s22], s20  }
0x9f: {  	s3 =	ssub.s32 $0x0, s20;
	[sflag:s22] =	ssyncset.done $0x0  }
0xa0: {  	[sflag:s22] =	ssyncadd.s32 s3;
	_ =	sdelay $0x1  }
0xa1: {  	s23 =	simm.s32 $0x1B8B  }
0xa2: {  	_ =	swait.ge [sflag:s23], $0x1  }
0xa3: {  	[sflag:s23] =	ssyncset.done $0x0  }
0xa4: {  	s25 =	simm.s32 $0x1B8E;
	s24 =	sld [smem:$0x3FFE];
	[sflag:s23] =	ssyncadd.s32 $0xFFFFFFFF  }
0xa5: {  	s26 =	simm.s32 $execute0_lowered;
	[smem:$0x3FD2] =	sst s25  }
0xa6: {  	s4 =	sshll.u32 s26, $0x1;
	_ =	strace $0x80000049;
	[dreg:$0x1] =	wrdreg $0xFFFFFFFF  }
0xa7: {  	s28 =	simm.s32 $_size_execute0_lowered;
	s2 =	sadd.s32 s2, s4;
	[dreg:$0x0] =	wrdreg $0x0  }
0xa8: {  	s4 =	sshll.u32 s28, $0x1;
	[dreg:$0x2] =	wrdreg s2  }
0xa9: {  	[dreg:$0x3] =	wrdreg s4  }
0xaa: {  	[dreg:$0x4] =	wrdreg $0xC0  }
0xab: {  	_ =	task [dreg:s6], $0x5FFFF  }
0xac: {  	[dreg:$0x1] =	wrdreg $0xFFFFFFFF  }
0xad: {  	[dreg:$0x0] =	wrdreg $0x60  }
0xae: {  	[dreg:$0x2] =	wrdreg s24  }
0xaf: {  	[dreg:$0x3] =	wrdreg $0x160000  }
0xb0: {  	[dreg:$0x4] =	wrdreg $0x9  }
0xb1: {  	_ =	task.clear_ibuf [dreg:s6], $0x5FFFF;
	_ =	strace $0x90000049  }
0xb2: {  	s29 =	simm.s32 $0x9;
	_ =	strace $0x8000004B  }
0xb3: {  	_ =	swait.ge [sflag:s29], $0x1  }
0xb4: {  	[sflag:s29] =	ssyncadd.s32 $0xFFFFFFFF  }
0xb5: {  	_ =	strace $0x9000004B  }
0xb6: {  	_ =	sfence  }
0xb7: {  	s30 =	sld [smem:$0x0];
	_ =	sdelay $0x2  }
0xb8: {  	s31 =	sshll.u32 s1, $0xD;
	s1 =	sshrl.u32 s1, $0x2  }
0xb9: {  	s3 =	sand.u32 $0x4000, s31;
	s1 =	sadd.s32 s1, s30  }
0xba: {  	s0 =	sor.u32 s3, s0;
	s1 =	sshll.u32 s1, $0x11  }
0xbb: {  	s0 =	sor.u32 s1, s0  }
0xbc: {  	s0 =	sadd.s32 $0x8F2B, s0  }
0xbd: {  	[sflag:s0] =	ssyncadd.remote.s32 $0x1  }
0xbe: {  	_ =	sfence.sel $0xFFFF  }
0xbf: {  	[dreg:$0x0] =	wrdreg $0xFFFFFFFF;
	(pc) =	sbr.abs _section_cstart, $3  }
0xc0: {  	[dreg:$0x1] =	wrdreg $0xFFFFFFFF  }
0xc1: {  	_ =	task.clear_ibuf [dreg:s6], $0x2FFFF;
	_ =	strace $0x9FFFFFFF  }
0xc2: {  	(tm) =	ssettm $0x7FFFFFFF  }
0xc3: {  	_ =	shalt  }
tec
execute0_lowered:
.L_overlay_start_1:
0x0: {  	(tag) =	ssettag $0x1  }
0x1: {  	s0 =	srdreg.scid  }
0x2: {  	s0 =	sand.u32 $0x1, s0  }
0x3: {  	s2 =	stileid.u32;
	s1 =	smul.u32 $0x140, s0  }
0x4: {  	s2 =	sshll.u32 s2, $0x2;
	s3 =	ssub.s32 $0x2, s0  }
0x5: {  	s12 =	rddreg [dreg:$0x0];
	s5 =	sshrl.u32 s3, $0x1;
	s2 =	sor.u32 s2, s1  }
0x6: {  	s4 =	sadd.s32 $0x500A00, s12;
	s13 =	ssub.s32 s3, s5;
	s1 =	sor.u32 $0x1, s2  }
0x7: {  	s14 =	sshll.u32 s2, $0x9;
	s5 =	sor.u32 $0x2, s2;
	s7 =	sor.u32 $0x3, s2  }
0x8: {  	s9 =	sadd.s32 $0x42, s2;
	s10 =	sadd.s32 $0x43, s2;
	s13 =	smax.u32 s13, $0x1  }
0x9: {  	s15 =	sshll.u32 s1, $0x9;
	s3 =	sadd.s32 s4, s14;
	s6 =	sshll.u32 s5, $0x9  }
0xa: {  	s17 =	sshll.u32 s7, $0x9;
	s20 =	sshll.u32 s9, $0x9;
	s11 =	sshll.u32 s10, $0x9  }
0xb: {  	s14 =	sadd.s32 $0x81, s2;
	[dreg:$0x3] =	wrdreg s3;
	s6 =	sadd.s32 s4, s6  }
0xc: {  	s5 =	sshll.u32 s5, $0xD;
	[dreg:$0x5] =	wrdreg s6;
	s6 =	sadd.s32 s4, s17  }
0xd: {  	s3 =	sadd.s32 $0x40, s2;
	[dreg:$0x6] =	wrdreg s6;
	s6 =	sadd.s32 $0x41, s2  }
0xe: {  	s7 =	sshll.u32 s7, $0xD;
	s8 =	sshll.u32 s3, $0x9;
	s19 =	sshll.u32 s6, $0x9  }
0xf: {  	s16 =	sadd.s32 s4, s15;
	s18 =	sadd.s32 s4, s8;
	s8 =	sadd.s32 s4, s19  }
0x10: {  	s21 =	sadd.s32 s4, s11;
	[dreg:$0x8] =	wrdreg s8;
	s8 =	sadd.s32 s4, s20  }
0x11: {  	s15 =	sadd.s32 $0x82, s2;
	[dreg:$0x9] =	wrdreg s8;
	s8 =	sadd.s32 $0x80, s2  }
0x12: {  	s23 =	sshll.u32 s14, $0x9;
	[dreg:$0x4] =	wrdreg s16;
	s22 =	sshll.u32 s8, $0x9  }
0x13: {  	[dreg:$0xa] =	wrdreg s21;
	s16 =	sshll.u32 s15, $0x9;
	s11 =	sadd.s32 s4, s22  }
0x14: {  	s17 =	sadd.s32 $0xC0, s2;
	[dreg:$0xb] =	wrdreg s11;
	s11 =	sadd.s32 s4, s23  }
0x15: {  	s24 =	sadd.s32 s4, s16;
	[dreg:$0xc] =	wrdreg s11;
	s11 =	sadd.s32 $0x83, s2  }
0x16: {  	s26 =	sshll.u32 s17, $0x9;
	[dreg:$0x7] =	wrdreg s18;
	s25 =	sshll.u32 s11, $0x9  }
0x17: {  	[dreg:$0xd] =	wrdreg s24;
	s18 =	sadd.s32 $0xC1, s2;
	s16 =	sadd.s32 s4, s25  }
0x18: {  	s19 =	sshll.u32 s18, $0x9;
	[dreg:$0xe] =	wrdreg s16;
	s16 =	sadd.s32 s4, s26  }
0x19: {  	s20 =	sadd.s32 s4, s19;
	[dreg:$0xf] =	wrdreg s16;
	s16 =	sadd.s32 $0xC2, s2  }
0x1a: {  	[dreg:$0x10] =	wrdreg s20;
	s20 =	sadd.s32 $0xC3, s2;
	s21 =	sshll.u32 s16, $0x9  }
0x1b: {  	s22 =	sadd.s32 $0x100, s2;
	s23 =	sshll.u32 s20, $0x9;
	s19 =	sadd.s32 s4, s21  }
0x1c: {  	s21 =	sshll.u32 s22, $0x9;
	[dreg:$0x11] =	wrdreg s19;
	s19 =	sadd.s32 s4, s23  }
0x1d: {  	s24 =	sadd.s32 s4, s21;
	[dreg:$0x12] =	wrdreg s19;
	s19 =	sadd.s32 $0x101, s2  }
0x1e: {  	s23 =	sadd.s32 $0x102, s2;
	[dreg:$0x13] =	wrdreg s24;
	s25 =	sshll.u32 s19, $0x9  }
0x1f: {  	s24 =	sadd.s32 $0x103, s2;
	s26 =	sshll.u32 s23, $0x9;
	s21 =	sadd.s32 s4, s25  }
0x20: {  	s25 =	sshll.u32 s24, $0x9;
	[dreg:$0x14] =	wrdreg s21;
	s21 =	sadd.s32 s4, s26  }
0x21: {  	s2 =	sshll.u32 s2, $0xD;
	s4 =	sadd.s32 s4, s25;
	[dreg:$0x15] =	wrdreg s21  }
0x22: {  	s25 =	sadd.s32 $0xA00, s12;
	s26 =	smul.u32 $0x5, s0;
	[dreg:$0x16] =	wrdreg s4  }
0x23: {  	s21 =	simm.s32 $0x0;
	s2 =	sadd.s32 s25, s2;
	s4 =	sshll.u32 s1, $0xD  }
0x24: {  	s1 =	sadd.s32 s25, s7;
	s7 =	sshll.u32 s14, $0xD;
	[smem:$0x7FF] =	sst s21  }
0x25: {  	s14 =	sshll.u32 s16, $0xD;
	s16 =	sshll.u32 s22, $0xD;
	[dreg:$0x17] =	wrdreg s2  }
0x26: {  	s22 =	stileid.u32;
	s0 =	sadd.s32 s25, s4;
	[dreg:$0x1a] =	wrdreg s1  }
0x27: {  	s2 =	sshll.u32 s3, $0xD;
	s3 =	sshll.u32 s6, $0xD;
	s4 =	sshll.u32 s9, $0xD  }
0x28: {  	s6 =	sshll.u32 s8, $0xD;
	s8 =	sshll.u32 s15, $0xD;
	s9 =	sshll.u32 s11, $0xD  }
0x29: {  	s11 =	sshll.u32 s18, $0xD;
	s15 =	sshll.u32 s20, $0xD;
	s20 =	rddreg [dreg:$0x1]  }
0x2a: {  	s18 =	sshll.u32 s23, $0xD;
	s23 =	sshll.u32 s22, $0xC;
	[dreg:$0x18] =	wrdreg s0  }
0x2b: {  	s0 =	sadd.s32 s25, s5;
	s28 =	sadd.s32 s25, s3;
	s29 =	sadd.s32 s25, s4  }
0x2c: {  	s5 =	sshll.u32 s10, $0xD;
	s31 =	sadd.s32 s25, s6;
	s1 =	sadd.s32 s25, s8  }
0x2d: {  	s10 =	sshll.u32 s17, $0xD;
	s4 =	sadd.s32 s25, s11;
	s6 =	sadd.s32 s25, s15  }
0x2e: {  	s17 =	sshll.u32 s19, $0xD;
	s19 =	sshll.u32 s24, $0xD;
	s24 =	sadd.s32 s22, s26  }
0x2f: {  	s11 =	sadd.s32 s23, s20;
	[dreg:$0x19] =	wrdreg s0;
	s0 =	sadd.s32 s25, s2  }
0x30: {  	s30 =	sadd.s32 s25, s5;
	s2 =	sadd.s32 s25, s9;
	s3 =	sadd.s32 s25, s10  }
0x31: {  	s5 =	sadd.s32 s25, s14;
	s8 =	sadd.s32 s25, s17;
	s9 =	sadd.s32 s25, s18  }
0x32: {  	s10 =	sadd.s32 s25, s19;
	s26 =	sshll.u32 s24, $0x9;
	s15 =	sadd.s32 $0x20000, s11  }
0x33: {  	s17 =	sadd.s32 $0x40000, s11;
	s18 =	simm.s32 $0x11000;
	s19 =	simm.s32 $0x1  }
0x34: {  	[dreg:$0x1b] =	wrdreg s0;
	s0 =	sadd.s32 s25, s7;
	s7 =	sadd.s32 s25, s16  }
.Ltmp0:
0x35: {  	s16 =	sshll.u32 s22, $0x10;
	s25 =	stileid.u32;
	(pc) =	sbr.rel .LBB2_1-.Ltmp0, $4  }
0x36: {  	s22 =	simm.s32 $0x0;
	s14 =	sadd.s32 s16, s20;
	s16 =	sadd.s32 $0x30000, s11  }
0x37: {  	s20 =	simm.s32 $0x10000;
	[dreg:$0x1c] =	wrdreg s14;
	s14 =	sadd.s32 s26, s12  }
0x38: {  	p0 =	sgt.u32 s25, $0x4;
	s12 =	sadd.s32 $0x550A00, s12;
	s14 =	sadd.s32 $0x551400, s14  }
0x39: {  	_ =	strace $0x8000004A;
	[dreg:$0x1d] =	wrdreg s14;
	s14 =	sadd.s32 $0x10000, s11  }
.LBB2_44:
0x3a: {  	v1 =	vld [tilespmem:s25+$0x0];
	_ =	sdelay $0x1  }
0x3b: {  	v2 =	vld [tilespmem:s24+$0x2000];
	_ =	sdelay $0x1  }
0x3c: {  	v3 =	vld [tilespmem:s24+$0x3000]  }
0x3d: {  	v0 =	vadd.f32 v0, v1  }
0x3e: {  	v52 =	vld [tilespmem:s24+$0x4000]  }
0x3f: {  	v0 =	vadd.f32 v2, v0  }
0x40: {  	v53 =	vld [tilespmem:s24+$0x5000]  }
0x41: {  	v0 =	vadd.f32 v3, v0  }
0x42: {  	v54 =	vld [tilespmem:s24+$0x6000]  }
0x43: {  	v0 =	vadd.f32 v52, v0  }
0x44: {  	v55 =	vld [tilespmem:s24+$0x7000]  }
0x45: {  	v0 =	vadd.f32 v53, v0  }
0x46: {  	v56 =	vld [tilespmem:s24+$0x8000]  }
0x47: {  	v0 =	vadd.f32 v54, v0  }
0x48: {  	v57 =	vld [tilespmem:s24+$0x9000]  }
0x49: {  	v0 =	vadd.f32 v55, v0  }
0x4a: {  	v58 =	vld [tilespmem:s24+$0xA000]  }
0x4b: {  	v0 =	vadd.f32 v56, v0  }
0x4c: {  	v59 =	vld [tilespmem:s24+$0xB000]  }
0x4d: {  	v0 =	vadd.f32 v57, v0  }
0x4e: {  	v60 =	vld [tilespmem:s24+$0xC000]  }
0x4f: {  	v0 =	vadd.f32 v58, v0  }
0x50: {  	v61 =	vld [tilespmem:s24+$0xD000]  }
0x51: {  	v0 =	vadd.f32 v59, v0  }
0x52: {  	v62 =	vld [tilespmem:s24+$0xE000]  }
0x53: {  	v0 =	vadd.f32 v60, v0  }
0x54: {  	v63 =	vld [tilespmem:s24+$0xF000]  }
0x55: {  	v0 =	vadd.f32 v61, v0;
	_ =	sdelay $0x1  }
0x56: {  	v0 =	vadd.f32 v62, v0;
	_ =	sdelay $0x1  }
0x57: {  	v0 =	vadd.f32 v63, v0  }
0x58: {  	s23 =	sadd.s32 $0x10, s23  }
0x59: {  	s26 =	rddreg [dreg:$0x1d];
	[tilespmem:s23+$0x0] =	vst v0  }
0x5a: {  	[hbm4b:s26+s21] =	stream.linear.scatter [tilespmem:s18], [sflag:$0x1], $0x1000, $0x38;
	[tilespmem:$0x1B000] =	vst v63  }
0x5b: {  	_ =	swait.ge [sflag:s19], $0x1000  }
0x5c: {  	[sflag:s19] =	ssyncset.done $0x0  }
0x5d: {  	[sflag:s19] =	ssyncadd.s32 $0xFFFFF000  }
.LBB2_45:
0x5e: {  	s22 =	sadd.s32 $0x1, s22  }
0x5f: {  	p1 =	sne.s32 s22, s13  }
.Ltmp1:
0x60: {  	_ = 	snop;
	(pc) =	sbr.rel @!p1 .LBB2_46-.Ltmp1, $1  }
0x61: {  	_ =	sdelay $0x3  }
.LBB2_1:
0x62: {  	[tilespmem:s18], [sflag:$0x1] =	stream.linear.gather [hbm4b:s12+s21], $0x5000, $0x38;
	[tilespmem:$0x1B000] =	vst v63  }
0x63: {  	_ =	swait.ge [sflag:s19], $0x5000  }
0x64: {  	[sflag:s19] =	ssyncset.done $0x0  }
0x65: {  	s23 =	rddreg [dreg:$0x3];
	[sflag:s19] =	ssyncadd.s32 $0xFFFFB000  }
0x66: {  	[tilespmem:s20], [sflag:$0x1] =	stream.linear.gather [hbm4b:s23+s21], $0x1000, $0x38;
	[tilespmem:$0x1B000] =	vst v63  }
0x67: {  	_ =	swait.ge [sflag:s19], $0x1000  }
0x68: {  	[sflag:s19] =	ssyncset.done $0x0  }
0x69: {  	s26 =	rddreg [dreg:$0x17];
	[sflag:s19] =	ssyncadd.s32 $0xFFFFF000  }
0x6a: {  	[tilespmem:s21], [sflag:$0x1] =	stream.linear.gather [hbm4b:s26+s21], $0x10000, $0x38;
	[tilespmem:$0x1B000] =	vst v63  }
0x6b: {  	_ =	swait.ge [sflag:s19], $0x10000  }
0x6c: {  	[sflag:s19] =	ssyncset.done $0x0  }
0x6d: {  	s24 =	simm.s32 $0x0;
	[sflag:s19] =	ssyncadd.s32 $0xFFFF0000  }
0x6e: {  	v1 =	vld [tilespmem:s24+$0x10000];
	_ =	sdelay $0x5  }
0x6f: {  	s23 =	simm.s32 $0x10  }
0x70: {  	v0 =	vld [tilespmem:s23+$0x10000]  }
0x71: {  	s25 =	simm.s32 $0x80;
	v1 =	vld.idx.msk [tilespmem:v1+s21+$0x0], $0xffff  }
.LBB2_2:
0x72: {  	p1 =	sne.s32 s25, $0x3FC0;
	v2 =	vld [tilespmem:s24+$0x11000];
	_ =	sdelay $0x2  }
0x73: {  	v3 =	vmov v0  }
.Ltmp2:
0x74: {  	(pc) =	sbr.rel @p1 .LBB2_2-.Ltmp2, $4  }
0x75: {  	v1 =	vadd.f32 v2, v1  }
0x76: {  	s26 =	sshra.s32 s25, $0x2  }
0x77: {  	v0 =	vld [tilespmem:s26+$0x10000];
	[tilespmem:s24+$0x11000] =	vst v1;
	s24 =	smov.u32 s23;
	s23 =	smov.u32 s26  }
0x78: {  	s25 =	sadd.s32 $0x40, s25;
	v1 =	vld.idx.msk [tilespmem:v3+s21+$0x0], $0xffff  }
0x79: {  	v2 =	vld [tilespmem:s24+$0x11000];
	_ =	sdelay $0x4  }
0x7a: {  	v1 =	vadd.f32 v2, v1;
	_ =	sdelay $0x1  }
0x7b: {  	[tilespmem:s24+$0x11000] =	vst v1  }
0x7c: {  	v0 =	vld.idx.msk [tilespmem:v0+s21+$0x0], $0xffff  }
0x7d: {  	v1 =	vld [tilespmem:s23+$0x11000];
	_ =	sdelay $0x4  }
0x7e: {  	v0 =	vadd.f32 v1, v0;
	_ =	sdelay $0x1  }
0x7f: {  	s25 =	rddreg [dreg:$0x4];
	[tilespmem:s23+$0x11000] =	vst v0;
	s23 =	simm.s32 $0x0  }
0x80: {  	[tilespmem:s20], [sflag:$0x1] =	stream.linear.gather [hbm4b:s25+s23], $0x1000, $0x38;
	[tilespmem:$0x1B000] =	vst v63  }
0x81: {  	_ =	swait.ge [sflag:s19], $0x1000  }
0x82: {  	[sflag:s19] =	ssyncset.done $0x0  }
0x83: {  	s26 =	rddreg [dreg:$0x18];
	[sflag:s19] =	ssyncadd.s32 $0xFFFFF000  }
0x84: {  	[tilespmem:s23], [sflag:$0x1] =	stream.linear.gather [hbm4b:s26+s23], $0x10000, $0x38;
	[tilespmem:$0x1B000] =	vst v63  }
0x85: {  	_ =	swait.ge [sflag:s19], $0x10000  }
0x86: {  	[sflag:s19] =	ssyncset.done $0x0  }
0x87: {  	s24 =	simm.s32 $0x0;
	[sflag:s19] =	ssyncadd.s32 $0xFFFF0000  }
0x88: {  	v1 =	vld [tilespmem:s24+$0x10000];
	_ =	sdelay $0x5  }
0x89: {  	s23 =	simm.s32 $0x10  }
0x8a: {  	v0 =	vld [tilespmem:s23+$0x10000]  }
0x8b: {  	s25 =	simm.s32 $0x80;
	v1 =	vld.idx.msk [tilespmem:v1+s21+$0x0], $0xffff  }
.LBB2_4:
0x8c: {  	p1 =	sne.s32 s25, $0x3FC0;
	v2 =	vld [tilespmem:s24+$0x11000];
	_ =	sdelay $0x2  }
0x8d: {  	v3 =	vmov v0  }
.Ltmp3:
0x8e: {  	(pc) =	sbr.rel @p1 .LBB2_4-.Ltmp3, $4  }
0x8f: {  	v1 =	vadd.f32 v2, v1  }
0x90: {  	s26 =	sshra.s32 s25, $0x2  }
0x91: {  	v0 =	vld [tilespmem:s26+$0x10000];
	[tilespmem:s24+$0x11000] =	vst v1;
	s24 =	smov.u32 s23;
	s23 =	smov.u32 s26  }
0x92: {  	s25 =	sadd.s32 $0x40, s25;
	v1 =	vld.idx.msk [tilespmem:v3+s21+$0x0], $0xffff  }
0x93: {  	v2 =	vld [tilespmem:s24+$0x11000];
	_ =	sdelay $0x4  }
0x94: {  	v1 =	vadd.f32 v2, v1;
	_ =	sdelay $0x1  }
0x95: {  	[tilespmem:s24+$0x11000] =	vst v1  }
0x96: {  	v0 =	vld.idx.msk [tilespmem:v0+s21+$0x0], $0xffff  }
0x97: {  	v1 =	vld [tilespmem:s23+$0x11000];
	_ =	sdelay $0x4  }
0x98: {  	v0 =	vadd.f32 v1, v0;
	_ =	sdelay $0x1  }
0x99: {  	s25 =	rddreg [dreg:$0x5];
	[tilespmem:s23+$0x11000] =	vst v0;
	s23 =	simm.s32 $0x0  }
0x9a: {  	[tilespmem:s20], [sflag:$0x1] =	stream.linear.gather [hbm4b:s25+s23], $0x1000, $0x38;
	[tilespmem:$0x1B000] =	vst v63  }
0x9b: {  	_ =	swait.ge [sflag:s19], $0x1000  }
0x9c: {  	[sflag:s19] =	ssyncset.done $0x0  }
0x9d: {  	s26 =	rddreg [dreg:$0x19];
	[sflag:s19] =	ssyncadd.s32 $0xFFFFF000  }
0x9e: {  	[tilespmem:s23], [sflag:$0x1] =	stream.linear.gather [hbm4b:s26+s23], $0x10000, $0x38;
	[tilespmem:$0x1B000] =	vst v63  }
0x9f: {  	_ =	swait.ge [sflag:s19], $0x10000  }
0xa0: {  	[sflag:s19] =	ssyncset.done $0x0  }
0xa1: {  	s24 =	simm.s32 $0x0;
	[sflag:s19] =	ssyncadd.s32 $0xFFFF0000  }
0xa2: {  	v1 =	vld [tilespmem:s24+$0x10000];
	_ =	sdelay $0x5  }
0xa3: {  	s23 =	simm.s32 $0x10  }
0xa4: {  	v0 =	vld [tilespmem:s23+$0x10000]  }
0xa5: {  	s25 =	simm.s32 $0x80;
	v1 =	vld.idx.msk [tilespmem:v1+s21+$0x0], $0xffff  }
.LBB2_6:
0xa6: {  	p1 =	sne.s32 s25, $0x3FC0;
	v2 =	vld [tilespmem:s24+$0x11000];
	_ =	sdelay $0x2  }
0xa7: {  	v3 =	vmov v0  }
.Ltmp4:
0xa8: {  	(pc) =	sbr.rel @p1 .LBB2_6-.Ltmp4, $4  }
0xa9: {  	v1 =	vadd.f32 v2, v1  }
0xaa: {  	s26 =	sshra.s32 s25, $0x2  }
0xab: {  	v0 =	vld [tilespmem:s26+$0x10000];
	[tilespmem:s24+$0x11000] =	vst v1;
	s24 =	smov.u32 s23;
	s23 =	smov.u32 s26  }
0xac: {  	s25 =	sadd.s32 $0x40, s25;
	v1 =	vld.idx.msk [tilespmem:v3+s21+$0x0], $0xffff  }
0xad: {  	v2 =	vld [tilespmem:s24+$0x11000];
	_ =	sdelay $0x4  }
0xae: {  	v1 =	vadd.f32 v2, v1;
	_ =	sdelay $0x1  }
0xaf: {  	[tilespmem:s24+$0x11000] =	vst v1  }
0xb0: {  	v0 =	vld.idx.msk [tilespmem:v0+s21+$0x0], $0xffff  }
0xb1: {  	v1 =	vld [tilespmem:s23+$0x11000];
	_ =	sdelay $0x4  }
0xb2: {  	v0 =	vadd.f32 v1, v0;
	_ =	sdelay $0x1  }
0xb3: {  	s25 =	rddreg [dreg:$0x6];
	[tilespmem:s23+$0x11000] =	vst v0;
	s23 =	simm.s32 $0x0  }
0xb4: {  	[tilespmem:s20], [sflag:$0x1] =	stream.linear.gather [hbm4b:s25+s23], $0x1000, $0x38;
	[tilespmem:$0x1B000] =	vst v63  }
0xb5: {  	_ =	swait.ge [sflag:s19], $0x1000  }
0xb6: {  	[sflag:s19] =	ssyncset.done $0x0  }
0xb7: {  	s26 =	rddreg [dreg:$0x1a];
	[sflag:s19] =	ssyncadd.s32 $0xFFFFF000  }
0xb8: {  	[tilespmem:s23], [sflag:$0x1] =	stream.linear.gather [hbm4b:s26+s23], $0x10000, $0x38;
	[tilespmem:$0x1B000] =	vst v63  }
0xb9: {  	_ =	swait.ge [sflag:s19], $0x10000  }
0xba: {  	[sflag:s19] =	ssyncset.done $0x0  }
0xbb: {  	s24 =	simm.s32 $0x0;
	[sflag:s19] =	ssyncadd.s32 $0xFFFF0000  }
0xbc: {  	v1 =	vld [tilespmem:s24+$0x10000];
	_ =	sdelay $0x5  }
0xbd: {  	s23 =	simm.s32 $0x10  }
0xbe: {  	v0 =	vld [tilespmem:s23+$0x10000]  }
0xbf: {  	s25 =	simm.s32 $0x80;
	v1 =	vld.idx.msk [tilespmem:v1+s21+$0x0], $0xffff  }
.LBB2_8:
0xc0: {  	p1 =	sne.s32 s25, $0x3FC0;
	v2 =	vld [tilespmem:s24+$0x11000];
	_ =	sdelay $0x2  }
0xc1: {  	v3 =	vmov v0  }
.Ltmp5:
0xc2: {  	(pc) =	sbr.rel @p1 .LBB2_8-.Ltmp5, $4  }
0xc3: {  	v1 =	vadd.f32 v2, v1  }
0xc4: {  	s26 =	sshra.s32 s25, $0x2  }
0xc5: {  	v0 =	vld [tilespmem:s26+$0x10000];
	[tilespmem:s24+$0x11000] =	vst v1;
	s24 =	smov.u32 s23;
	s23 =	smov.u32 s26  }
0xc6: {  	s25 =	sadd.s32 $0x40, s25;
	v1 =	vld.idx.msk [tilespmem:v3+s21+$0x0], $0xffff  }
0xc7: {  	v2 =	vld [tilespmem:s24+$0x11000];
	_ =	sdelay $0x4  }
0xc8: {  	v1 =	vadd.f32 v2, v1;
	_ =	sdelay $0x1  }
0xc9: {  	[tilespmem:s24+$0x11000] =	vst v1  }
0xca: {  	v0 =	vld.idx.msk [tilespmem:v0+s21+$0x0], $0xffff  }
0xcb: {  	v1 =	vld [tilespmem:s23+$0x11000];
	_ =	sdelay $0x4  }
0xcc: {  	v0 =	vadd.f32 v1, v0;
	_ =	sdelay $0x1  }
0xcd: {  	s25 =	rddreg [dreg:$0x7];
	s24 =	simm.s32 $0x10000;
	[tilespmem:s23+$0x11000] =	vst v0;
	s23 =	simm.s32 $0x0  }
0xce: {  	[tilespmem:s24], [sflag:$0x1] =	stream.linear.gather [hbm4b:s25+s23], $0x1000, $0x38;
	[tilespmem:$0x1B000] =	vst v63  }
0xcf: {  	_ =	swait.ge [sflag:s19], $0x1000  }
0xd0: {  	[sflag:s19] =	ssyncset.done $0x0  }
0xd1: {  	s26 =	rddreg [dreg:$0x1b];
	[sflag:s19] =	ssyncadd.s32 $0xFFFFF000  }
0xd2: {  	[tilespmem:s23], [sflag:$0x1] =	stream.linear.gather [hbm4b:s26+s23], $0x10000, $0x38;
	[tilespmem:$0x1B000] =	vst v63  }
0xd3: {  	_ =	swait.ge [sflag:s19], $0x10000  }
0xd4: {  	[sflag:s19] =	ssyncset.done $0x0  }
0xd5: {  	[sflag:s19] =	ssyncadd.s32 $0xFFFF0000  }
0xd6: {  	s25 =	simm.s32 $0x10;
	v0 =	vld [tilespmem:s24+$0x0]  }
.LBB2_10:
0xd7: {  	p1 =	sne.s32 s25, $0xFF0;
	_ =	sdelay $0x6  }
0xd8: {  	s26 =	sand.u32 $0xFF0, s23;
	s23 =	smov.u32 s25;
	v0 =	vld.idx.msk [tilespmem:v0+s21+$0x0], $0xffff  }
0xd9: {  	v1 =	vld [tilespmem:s26+$0x12000];
	_ =	sdelay $0x3  }
.Ltmp6:
0xda: {  	(pc) =	sbr.rel @p1 .LBB2_10-.Ltmp6, $3  }
0xdb: {  	v0 =	vadd.f32 v1, v0;
	_ =	sdelay $0x1  }
0xdc: {  	s24 =	sadd.s32 $0x10, s24;
	[tilespmem:s26+$0x12000] =	vst v0  }
0xdd: {  	s25 =	sadd.s32 $0x10, s25;
	v0 =	vld [tilespmem:s24+$0x0]  }
0xde: {  	_ =	sdelay $0x5  }
0xdf: {  	s23 =	sand.u32 $0xFF0, s23  }
0xe0: {  	v1 =	vld [tilespmem:s23+$0x12000]  }
0xe1: {  	v0 =	vld.idx.msk [tilespmem:v0+s21+$0x0], $0xffff;
	_ =	sdelay $0x4  }
0xe2: {  	v0 =	vadd.f32 v1, v0;
	_ =	sdelay $0x1  }
0xe3: {  	s24 =	simm.s32 $0x10000;
	s25 =	rddreg [dreg:$0x8];
	[tilespmem:s23+$0x12000] =	vst v0;
	s23 =	simm.s32 $0x0  }
0xe4: {  	[tilespmem:s24], [sflag:$0x1] =	stream.linear.gather [hbm4b:s25+s23], $0x1000, $0x38;
	[tilespmem:$0x1B000] =	vst v63  }
0xe5: {  	_ =	swait.ge [sflag:s19], $0x1000  }
0xe6: {  	[sflag:s19] =	ssyncset.done $0x0  }
0xe7: {  	[sflag:s19] =	ssyncadd.s32 $0xFFFFF000  }
0xe8: {  	[tilespmem:s23], [sflag:$0x1] =	stream.linear.gather [hbm4b:s28+s23], $0x10000, $0x38;
	[tilespmem:$0x1B000] =	vst v63  }
0xe9: {  	_ =	swait.ge [sflag:s19], $0x10000  }
0xea: {  	[sflag:s19] =	ssyncset.done $0x0  }
0xeb: {  	[sflag:s19] =	ssyncadd.s32 $0xFFFF0000  }
0xec: {  	s25 =	simm.s32 $0x10;
	v0 =	vld [tilespmem:s24+$0x0]  }
.LBB2_12:
0xed: {  	p1 =	sne.s32 s25, $0xFF0;
	_ =	sdelay $0x6  }
0xee: {  	s26 =	sand.u32 $0xFF0, s23;
	s23 =	smov.u32 s25;
	v0 =	vld.idx.msk [tilespmem:v0+s21+$0x0], $0xffff  }
0xef: {  	v1 =	vld [tilespmem:s26+$0x12000];
	_ =	sdelay $0x3  }
.Ltmp7:
0xf0: {  	(pc) =	sbr.rel @p1 .LBB2_12-.Ltmp7, $3  }
0xf1: {  	v0 =	vadd.f32 v1, v0;
	_ =	sdelay $0x1  }
0xf2: {  	s24 =	sadd.s32 $0x10, s24;
	[tilespmem:s26+$0x12000] =	vst v0  }
0xf3: {  	s25 =	sadd.s32 $0x10, s25;
	v0 =	vld [tilespmem:s24+$0x0]  }
0xf4: {  	_ =	sdelay $0x5  }
0xf5: {  	s23 =	sand.u32 $0xFF0, s23  }
0xf6: {  	v1 =	vld [tilespmem:s23+$0x12000]  }
0xf7: {  	v0 =	vld.idx.msk [tilespmem:v0+s21+$0x0], $0xffff;
	_ =	sdelay $0x4  }
0xf8: {  	v0 =	vadd.f32 v1, v0;
	_ =	sdelay $0x1  }
0xf9: {  	s24 =	simm.s32 $0x10000;
	s25 =	rddreg [dreg:$0x9];
	[tilespmem:s23+$0x12000] =	vst v0;
	s23 =	simm.s32 $0x0  }
0xfa: {  	[tilespmem:s24], [sflag:$0x1] =	stream.linear.gather [hbm4b:s25+s23], $0x1000, $0x38;
	[tilespmem:$0x1B000] =	vst v63  }
0xfb: {  	_ =	swait.ge [sflag:s19], $0x1000  }
0xfc: {  	[sflag:s19] =	ssyncset.done $0x0  }
0xfd: {  	[sflag:s19] =	ssyncadd.s32 $0xFFFFF000  }
0xfe: {  	[tilespmem:s23], [sflag:$0x1] =	stream.linear.gather [hbm4b:s29+s23], $0x10000, $0x38;
	[tilespmem:$0x1B000] =	vst v63  }
0xff: {  	_ =	swait.ge [sflag:s19], $0x10000  }
0x100: {  	[sflag:s19] =	ssyncset.done $0x0  }
0x101: {  	[sflag:s19] =	ssyncadd.s32 $0xFFFF0000  }
0x102: {  	s25 =	simm.s32 $0x10;
	v0 =	vld [tilespmem:s24+$0x0]  }
.LBB2_14:
0x103: {  	p1 =	sne.s32 s25, $0xFF0;
	_ =	sdelay $0x6  }
0x104: {  	s26 =	sand.u32 $0xFF0, s23;
	s23 =	smov.u32 s25;
	v0 =	vld.idx.msk [tilespmem:v0+s21+$0x0], $0xffff  }
0x105: {  	v1 =	vld [tilespmem:s26+$0x12000];
	_ =	sdelay $0x3  }
.Ltmp8:
0x106: {  	(pc) =	sbr.rel @p1 .LBB2_14-.Ltmp8, $3  }
0x107: {  	v0 =	vadd.f32 v1, v0;
	_ =	sdelay $0x1  }
0x108: {  	s24 =	sadd.s32 $0x10, s24;
	[tilespmem:s26+$0x12000] =	vst v0  }
0x109: {  	s25 =	sadd.s32 $0x10, s25;
	v0 =	vld [tilespmem:s24+$0x0]  }
0x10a: {  	_ =	sdelay $0x5  }
0x10b: {  	s23 =	sand.u32 $0xFF0, s23  }
0x10c: {  	v1 =	vld [tilespmem:s23+$0x12000]  }
0x10d: {  	v0 =	vld.idx.msk [tilespmem:v0+s21+$0x0], $0xffff;
	_ =	sdelay $0x4  }
0x10e: {  	v0 =	vadd.f32 v1, v0;
	_ =	sdelay $0x1  }
0x10f: {  	s24 =	simm.s32 $0x10000;
	s25 =	rddreg [dreg:$0xa];
	[tilespmem:s23+$0x12000] =	vst v0;
	s23 =	simm.s32 $0x0  }
0x110: {  	[tilespmem:s24], [sflag:$0x1] =	stream.linear.gather [hbm4b:s25+s23], $0x1000, $0x38;
	[tilespmem:$0x1B000] =	vst v63  }
0x111: {  	_ =	swait.ge [sflag:s19], $0x1000  }
0x112: {  	[sflag:s19] =	ssyncset.done $0x0  }
0x113: {  	[sflag:s19] =	ssyncadd.s32 $0xFFFFF000  }
0x114: {  	[tilespmem:s23], [sflag:$0x1] =	stream.linear.gather [hbm4b:s30+s23], $0x10000, $0x38;
	[tilespmem:$0x1B000] =	vst v63  }
0x115: {  	_ =	swait.ge [sflag:s19], $0x10000  }
0x116: {  	[sflag:s19] =	ssyncset.done $0x0  }
0x117: {  	[sflag:s19] =	ssyncadd.s32 $0xFFFF0000  }
0x118: {  	s25 =	simm.s32 $0x10;
	v0 =	vld [tilespmem:s24+$0x0]  }
.LBB2_16:
0x119: {  	p1 =	sne.s32 s25, $0xFF0;
	_ =	sdelay $0x6  }
0x11a: {  	s26 =	sand.u32 $0xFF0, s23;
	s23 =	smov.u32 s25;
	v0 =	vld.idx.msk [tilespmem:v0+s21+$0x0], $0xffff  }
0x11b: {  	v1 =	vld [tilespmem:s26+$0x12000];
	_ =	sdelay $0x3  }
.Ltmp9:
0x11c: {  	(pc) =	sbr.rel @p1 .LBB2_16-.Ltmp9, $3  }
0x11d: {  	v0 =	vadd.f32 v1, v0;
	_ =	sdelay $0x1  }
0x11e: {  	s24 =	sadd.s32 $0x10, s24;
	[tilespmem:s26+$0x12000] =	vst v0  }
0x11f: {  	s25 =	sadd.s32 $0x10, s25;
	v0 =	vld [tilespmem:s24+$0x0]  }
0x120: {  	_ =	sdelay $0x5  }
0x121: {  	s23 =	sand.u32 $0xFF0, s23  }
0x122: {  	v1 =	vld [tilespmem:s23+$0x12000]  }
0x123: {  	v0 =	vld.idx.msk [tilespmem:v0+s21+$0x0], $0xffff;
	_ =	sdelay $0x4  }
0x124: {  	v0 =	vadd.f32 v1, v0;
	_ =	sdelay $0x1  }
0x125: {  	s24 =	simm.s32 $0x10000;
	s25 =	rddreg [dreg:$0xb];
	[tilespmem:s23+$0x12000] =	vst v0;
	s23 =	simm.s32 $0x0  }
0x126: {  	[tilespmem:s24], [sflag:$0x1] =	stream.linear.gather [hbm4b:s25+s23], $0x1000, $0x38;
	[tilespmem:$0x1B000] =	vst v63  }
0x127: {  	_ =	swait.ge [sflag:s19], $0x1000  }
0x128: {  	[sflag:s19] =	ssyncset.done $0x0  }
0x129: {  	[sflag:s19] =	ssyncadd.s32 $0xFFFFF000  }
0x12a: {  	[tilespmem:s23], [sflag:$0x1] =	stream.linear.gather [hbm4b:s31+s23], $0x10000, $0x38;
	[tilespmem:$0x1B000] =	vst v63  }
0x12b: {  	_ =	swait.ge [sflag:s19], $0x10000  }
0x12c: {  	[sflag:s19] =	ssyncset.done $0x0  }
0x12d: {  	[sflag:s19] =	ssyncadd.s32 $0xFFFF0000  }
0x12e: {  	s25 =	simm.s32 $0x10;
	v0 =	vld [tilespmem:s24+$0x0]  }
.LBB2_18:
0x12f: {  	p1 =	sne.s32 s25, $0xFF0;
	_ =	sdelay $0x6  }
0x130: {  	s26 =	sand.u32 $0xFF0, s23;
	s23 =	smov.u32 s25;
	v0 =	vld.idx.msk [tilespmem:v0+s21+$0x0], $0xffff  }
0x131: {  	v1 =	vld [tilespmem:s26+$0x13000];
	_ =	sdelay $0x3  }
.Ltmp10:
0x132: {  	(pc) =	sbr.rel @p1 .LBB2_18-.Ltmp10, $3  }
0x133: {  	v0 =	vadd.f32 v1, v0;
	_ =	sdelay $0x1  }
0x134: {  	s24 =	sadd.s32 $0x10, s24;
	[tilespmem:s26+$0x13000] =	vst v0  }
0x135: {  	s25 =	sadd.s32 $0x10, s25;
	v0 =	vld [tilespmem:s24+$0x0]  }
0x136: {  	_ =	sdelay $0x5  }
0x137: {  	s23 =	sand.u32 $0xFF0, s23  }
0x138: {  	v1 =	vld [tilespmem:s23+$0x13000]  }
0x139: {  	v0 =	vld.idx.msk [tilespmem:v0+s21+$0x0], $0xffff;
	_ =	sdelay $0x4  }
0x13a: {  	v0 =	vadd.f32 v1, v0;
	_ =	sdelay $0x1  }
0x13b: {  	s24 =	simm.s32 $0x10000;
	s25 =	rddreg [dreg:$0xc];
	[tilespmem:s23+$0x13000] =	vst v0;
	s23 =	simm.s32 $0x0  }
0x13c: {  	[tilespmem:s24], [sflag:$0x1] =	stream.linear.gather [hbm4b:s25+s23], $0x1000, $0x38;
	[tilespmem:$0x1B000] =	vst v63  }
0x13d: {  	_ =	swait.ge [sflag:s19], $0x1000  }
0x13e: {  	[sflag:s19] =	ssyncset.done $0x0  }
0x13f: {  	[sflag:s19] =	ssyncadd.s32 $0xFFFFF000  }
0x140: {  	[tilespmem:s23], [sflag:$0x1] =	stream.linear.gather [hbm4b:s0+s23], $0x10000, $0x38;
	[tilespmem:$0x1B000] =	vst v63  }
0x141: {  	_ =	swait.ge [sflag:s19], $0x10000  }
0x142: {  	[sflag:s19] =	ssyncset.done $0x0  }
0x143: {  	[sflag:s19] =	ssyncadd.s32 $0xFFFF0000  }
0x144: {  	s25 =	simm.s32 $0x10;
	v0 =	vld [tilespmem:s24+$0x0]  }
.LBB2_20:
0x145: {  	p1 =	sne.s32 s25, $0xFF0;
	_ =	sdelay $0x6  }
0x146: {  	s26 =	sand.u32 $0xFF0, s23;
	s23 =	smov.u32 s25;
	v0 =	vld.idx.msk [tilespmem:v0+s21+$0x0], $0xffff  }
0x147: {  	v1 =	vld [tilespmem:s26+$0x13000];
	_ =	sdelay $0x3  }
.Ltmp11:
0x148: {  	(pc) =	sbr.rel @p1 .LBB2_20-.Ltmp11, $3  }
0x149: {  	v0 =	vadd.f32 v1, v0;
	_ =	sdelay $0x1  }
0x14a: {  	s24 =	sadd.s32 $0x10, s24;
	[tilespmem:s26+$0x13000] =	vst v0  }
0x14b: {  	s25 =	sadd.s32 $0x10, s25;
	v0 =	vld [tilespmem:s24+$0x0]  }
0x14c: {  	_ =	sdelay $0x5  }
0x14d: {  	s23 =	sand.u32 $0xFF0, s23  }
0x14e: {  	v1 =	vld [tilespmem:s23+$0x13000]  }
0x14f: {  	v0 =	vld.idx.msk [tilespmem:v0+s21+$0x0], $0xffff;
	_ =	sdelay $0x4  }
0x150: {  	v0 =	vadd.f32 v1, v0;
	_ =	sdelay $0x1  }
0x151: {  	s24 =	simm.s32 $0x10000;
	s25 =	rddreg [dreg:$0xd];
	[tilespmem:s23+$0x13000] =	vst v0;
	s23 =	simm.s32 $0x0  }
0x152: {  	[tilespmem:s24], [sflag:$0x1] =	stream.linear.gather [hbm4b:s25+s23], $0x1000, $0x38;
	[tilespmem:$0x1B000] =	vst v63  }
0x153: {  	_ =	swait.ge [sflag:s19], $0x1000  }
0x154: {  	[sflag:s19] =	ssyncset.done $0x0  }
0x155: {  	[sflag:s19] =	ssyncadd.s32 $0xFFFFF000  }
0x156: {  	[tilespmem:s23], [sflag:$0x1] =	stream.linear.gather [hbm4b:s1+s23], $0x10000, $0x38;
	[tilespmem:$0x1B000] =	vst v63  }
0x157: {  	_ =	swait.ge [sflag:s19], $0x10000  }
0x158: {  	[sflag:s19] =	ssyncset.done $0x0  }
0x159: {  	[sflag:s19] =	ssyncadd.s32 $0xFFFF0000  }
0x15a: {  	s25 =	simm.s32 $0x10;
	v0 =	vld [tilespmem:s24+$0x0]  }
.LBB2_22:
0x15b: {  	p1 =	sne.s32 s25, $0xFF0;
	_ =	sdelay $0x6  }
0x15c: {  	s26 =	sand.u32 $0xFF0, s23;
	s23 =	smov.u32 s25;
	v0 =	vld.idx.msk [tilespmem:v0+s21+$0x0], $0xffff  }
0x15d: {  	v1 =	vld [tilespmem:s26+$0x13000];
	_ =	sdelay $0x3  }
.Ltmp12:
0x15e: {  	(pc) =	sbr.rel @p1 .LBB2_22-.Ltmp12, $3  }
0x15f: {  	v0 =	vadd.f32 v1, v0;
	_ =	sdelay $0x1  }
0x160: {  	s24 =	sadd.s32 $0x10, s24;
	[tilespmem:s26+$0x13000] =	vst v0  }
0x161: {  	s25 =	sadd.s32 $0x10, s25;
	v0 =	vld [tilespmem:s24+$0x0]  }
0x162: {  	_ =	sdelay $0x5  }
0x163: {  	s23 =	sand.u32 $0xFF0, s23  }
0x164: {  	v1 =	vld [tilespmem:s23+$0x13000]  }
0x165: {  	v0 =	vld.idx.msk [tilespmem:v0+s21+$0x0], $0xffff;
	_ =	sdelay $0x4  }
0x166: {  	v0 =	vadd.f32 v1, v0;
	_ =	sdelay $0x1  }
0x167: {  	s24 =	simm.s32 $0x10000;
	s25 =	rddreg [dreg:$0xe];
	[tilespmem:s23+$0x13000] =	vst v0;
	s23 =	simm.s32 $0x0  }
0x168: {  	[tilespmem:s24], [sflag:$0x1] =	stream.linear.gather [hbm4b:s25+s23], $0x1000, $0x38;
	[tilespmem:$0x1B000] =	vst v63  }
0x169: {  	_ =	swait.ge [sflag:s19], $0x1000  }
0x16a: {  	[sflag:s19] =	ssyncset.done $0x0  }
0x16b: {  	[sflag:s19] =	ssyncadd.s32 $0xFFFFF000  }
0x16c: {  	[tilespmem:s23], [sflag:$0x1] =	stream.linear.gather [hbm4b:s2+s23], $0x10000, $0x38;
	[tilespmem:$0x1B000] =	vst v63  }
0x16d: {  	_ =	swait.ge [sflag:s19], $0x10000  }
0x16e: {  	[sflag:s19] =	ssyncset.done $0x0  }
0x16f: {  	[sflag:s19] =	ssyncadd.s32 $0xFFFF0000  }
0x170: {  	s25 =	simm.s32 $0x10;
	v0 =	vld [tilespmem:s24+$0x0]  }
.LBB2_24:
0x171: {  	p1 =	sne.s32 s25, $0xFF0;
	_ =	sdelay $0x6  }
0x172: {  	s26 =	sand.u32 $0xFF0, s23;
	s23 =	smov.u32 s25;
	v0 =	vld.idx.msk [tilespmem:v0+s21+$0x0], $0xffff  }
0x173: {  	v1 =	vld [tilespmem:s26+$0x13000];
	_ =	sdelay $0x3  }
.Ltmp13:
0x174: {  	(pc) =	sbr.rel @p1 .LBB2_24-.Ltmp13, $3  }
0x175: {  	v0 =	vadd.f32 v1, v0;
	_ =	sdelay $0x1  }
0x176: {  	s24 =	sadd.s32 $0x10, s24;
	[tilespmem:s26+$0x13000] =	vst v0  }
0x177: {  	s25 =	sadd.s32 $0x10, s25;
	v0 =	vld [tilespmem:s24+$0x0]  }
0x178: {  	_ =	sdelay $0x5  }
0x179: {  	s23 =	sand.u32 $0xFF0, s23  }
0x17a: {  	v1 =	vld [tilespmem:s23+$0x13000]  }
0x17b: {  	v0 =	vld.idx.msk [tilespmem:v0+s21+$0x0], $0xffff;
	_ =	sdelay $0x4  }
0x17c: {  	v0 =	vadd.f32 v1, v0;
	_ =	sdelay $0x1  }
0x17d: {  	s24 =	simm.s32 $0x10000;
	s25 =	rddreg [dreg:$0xf];
	[tilespmem:s23+$0x13000] =	vst v0;
	s23 =	simm.s32 $0x0  }
0x17e: {  	[tilespmem:s24], [sflag:$0x1] =	stream.linear.gather [hbm4b:s25+s23], $0x1000, $0x38;
	[tilespmem:$0x1B000] =	vst v63  }
0x17f: {  	_ =	swait.ge [sflag:s19], $0x1000  }
0x180: {  	[sflag:s19] =	ssyncset.done $0x0  }
0x181: {  	[sflag:s19] =	ssyncadd.s32 $0xFFFFF000  }
0x182: {  	[tilespmem:s23], [sflag:$0x1] =	stream.linear.gather [hbm4b:s3+s23], $0x10000, $0x38;
	[tilespmem:$0x1B000] =	vst v63  }
0x183: {  	_ =	swait.ge [sflag:s19], $0x10000  }
0x184: {  	[sflag:s19] =	ssyncset.done $0x0  }
0x185: {  	[sflag:s19] =	ssyncadd.s32 $0xFFFF0000  }
0x186: {  	s25 =	simm.s32 $0x10;
	v0 =	vld [tilespmem:s24+$0x0]  }
.LBB2_26:
0x187: {  	p1 =	sne.s32 s25, $0xFF0;
	_ =	sdelay $0x6  }
0x188: {  	s26 =	sand.u32 $0xFF0, s23;
	s23 =	smov.u32 s25;
	v0 =	vld.idx.msk [tilespmem:v0+s21+$0x0], $0xffff  }
0x189: {  	v1 =	vld [tilespmem:s26+$0x14000];
	_ =	sdelay $0x3  }
.Ltmp14:
0x18a: {  	(pc) =	sbr.rel @p1 .LBB2_26-.Ltmp14, $3  }
0x18b: {  	v0 =	vadd.f32 v1, v0;
	_ =	sdelay $0x1  }
0x18c: {  	s24 =	sadd.s32 $0x10, s24;
	[tilespmem:s26+$0x14000] =	vst v0  }
0x18d: {  	s25 =	sadd.s32 $0x10, s25;
	v0 =	vld [tilespmem:s24+$0x0]  }
0x18e: {  	_ =	sdelay $0x5  }
0x18f: {  	s23 =	sand.u32 $0xFF0, s23  }
0x190: {  	v1 =	vld [tilespmem:s23+$0x14000]  }
0x191: {  	v0 =	vld.idx.msk [tilespmem:v0+s21+$0x0], $0xffff;
	_ =	sdelay $0x4  }
0x192: {  	v0 =	vadd.f32 v1, v0;
	_ =	sdelay $0x1  }
0x193: {  	s24 =	simm.s32 $0x10000;
	s25 =	rddreg [dreg:$0x10];
	[tilespmem:s23+$0x14000] =	vst v0;
	s23 =	simm.s32 $0x0  }
0x194: {  	[tilespmem:s24], [sflag:$0x1] =	stream.linear.gather [hbm4b:s25+s23], $0x1000, $0x38;
	[tilespmem:$0x1B000] =	vst v63  }
0x195: {  	_ =	swait.ge [sflag:s19], $0x1000  }
0x196: {  	[sflag:s19] =	ssyncset.done $0x0  }
0x197: {  	[sflag:s19] =	ssyncadd.s32 $0xFFFFF000  }
0x198: {  	[tilespmem:s23], [sflag:$0x1] =	stream.linear.gather [hbm4b:s4+s23], $0x10000, $0x38;
	[tilespmem:$0x1B000] =	vst v63  }
0x199: {  	_ =	swait.ge [sflag:s19], $0x10000  }
0x19a: {  	[sflag:s19] =	ssyncset.done $0x0  }
0x19b: {  	[sflag:s19] =	ssyncadd.s32 $0xFFFF0000  }
0x19c: {  	s25 =	simm.s32 $0x10;
	v0 =	vld [tilespmem:s24+$0x0]  }
.LBB2_28:
0x19d: {  	p1 =	sne.s32 s25, $0xFF0;
	_ =	sdelay $0x6  }
0x19e: {  	s26 =	sand.u32 $0xFF0, s23;
	s23 =	smov.u32 s25;
	v0 =	vld.idx.msk [tilespmem:v0+s21+$0x0], $0xffff  }
0x19f: {  	v1 =	vld [tilespmem:s26+$0x14000];
	_ =	sdelay $0x3  }
.Ltmp15:
0x1a0: {  	(pc) =	sbr.rel @p1 .LBB2_28-.Ltmp15, $3  }
0x1a1: {  	v0 =	vadd.f32 v1, v0;
	_ =	sdelay $0x1  }
0x1a2: {  	s24 =	sadd.s32 $0x10, s24;
	[tilespmem:s26+$0x14000] =	vst v0  }
0x1a3: {  	s25 =	sadd.s32 $0x10, s25;
	v0 =	vld [tilespmem:s24+$0x0]  }
0x1a4: {  	_ =	sdelay $0x5  }
0x1a5: {  	s23 =	sand.u32 $0xFF0, s23  }
0x1a6: {  	v1 =	vld [tilespmem:s23+$0x14000]  }
0x1a7: {  	v0 =	vld.idx.msk [tilespmem:v0+s21+$0x0], $0xffff;
	_ =	sdelay $0x4  }
0x1a8: {  	v0 =	vadd.f32 v1, v0;
	_ =	sdelay $0x1  }
0x1a9: {  	s24 =	simm.s32 $0x10000;
	s25 =	rddreg [dreg:$0x11];
	[tilespmem:s23+$0x14000] =	vst v0;
	s23 =	simm.s32 $0x0  }
0x1aa: {  	[tilespmem:s24], [sflag:$0x1] =	stream.linear.gather [hbm4b:s25+s23], $0x1000, $0x38;
	[tilespmem:$0x1B000] =	vst v63  }
0x1ab: {  	_ =	swait.ge [sflag:s19], $0x1000  }
0x1ac: {  	[sflag:s19] =	ssyncset.done $0x0  }
0x1ad: {  	[sflag:s19] =	ssyncadd.s32 $0xFFFFF000  }
0x1ae: {  	[tilespmem:s23], [sflag:$0x1] =	stream.linear.gather [hbm4b:s5+s23], $0x10000, $0x38;
	[tilespmem:$0x1B000] =	vst v63  }
0x1af: {  	_ =	swait.ge [sflag:s19], $0x10000  }
0x1b0: {  	[sflag:s19] =	ssyncset.done $0x0  }
0x1b1: {  	[sflag:s19] =	ssyncadd.s32 $0xFFFF0000  }
0x1b2: {  	s25 =	simm.s32 $0x10;
	v0 =	vld [tilespmem:s24+$0x0]  }
.LBB2_30:
0x1b3: {  	p1 =	sne.s32 s25, $0xFF0;
	_ =	sdelay $0x6  }
0x1b4: {  	s26 =	sand.u32 $0xFF0, s23;
	s23 =	smov.u32 s25;
	v0 =	vld.idx.msk [tilespmem:v0+s21+$0x0], $0xffff  }
0x1b5: {  	v1 =	vld [tilespmem:s26+$0x14000];
	_ =	sdelay $0x3  }
.Ltmp16:
0x1b6: {  	(pc) =	sbr.rel @p1 .LBB2_30-.Ltmp16, $3  }
0x1b7: {  	v0 =	vadd.f32 v1, v0;
	_ =	sdelay $0x1  }
0x1b8: {  	s24 =	sadd.s32 $0x10, s24;
	[tilespmem:s26+$0x14000] =	vst v0  }
0x1b9: {  	s25 =	sadd.s32 $0x10, s25;
	v0 =	vld [tilespmem:s24+$0x0]  }
0x1ba: {  	_ =	sdelay $0x5  }
0x1bb: {  	s23 =	sand.u32 $0xFF0, s23  }
0x1bc: {  	v1 =	vld [tilespmem:s23+$0x14000]  }
0x1bd: {  	v0 =	vld.idx.msk [tilespmem:v0+s21+$0x0], $0xffff;
	_ =	sdelay $0x4  }
0x1be: {  	v0 =	vadd.f32 v1, v0;
	_ =	sdelay $0x1  }
0x1bf: {  	s24 =	simm.s32 $0x10000;
	s25 =	rddreg [dreg:$0x12];
	[tilespmem:s23+$0x14000] =	vst v0;
	s23 =	simm.s32 $0x0  }
0x1c0: {  	[tilespmem:s24], [sflag:$0x1] =	stream.linear.gather [hbm4b:s25+s23], $0x1000, $0x38;
	[tilespmem:$0x1B000] =	vst v63  }
0x1c1: {  	_ =	swait.ge [sflag:s19], $0x1000  }
0x1c2: {  	[sflag:s19] =	ssyncset.done $0x0  }
0x1c3: {  	[sflag:s19] =	ssyncadd.s32 $0xFFFFF000  }
0x1c4: {  	[tilespmem:s23], [sflag:$0x1] =	stream.linear.gather [hbm4b:s6+s23], $0x10000, $0x38;
	[tilespmem:$0x1B000] =	vst v63  }
0x1c5: {  	_ =	swait.ge [sflag:s19], $0x10000  }
0x1c6: {  	[sflag:s19] =	ssyncset.done $0x0  }
0x1c7: {  	[sflag:s19] =	ssyncadd.s32 $0xFFFF0000  }
0x1c8: {  	s25 =	simm.s32 $0x10;
	v0 =	vld [tilespmem:s24+$0x0]  }
.LBB2_32:
0x1c9: {  	p1 =	sne.s32 s25, $0xFF0;
	_ =	sdelay $0x6  }
0x1ca: {  	s26 =	sand.u32 $0xFF0, s23;
	s23 =	smov.u32 s25;
	v0 =	vld.idx.msk [tilespmem:v0+s21+$0x0], $0xffff  }
0x1cb: {  	v1 =	vld [tilespmem:s26+$0x14000];
	_ =	sdelay $0x3  }
.Ltmp17:
0x1cc: {  	(pc) =	sbr.rel @p1 .LBB2_32-.Ltmp17, $3  }
0x1cd: {  	v0 =	vadd.f32 v1, v0;
	_ =	sdelay $0x1  }
0x1ce: {  	s24 =	sadd.s32 $0x10, s24;
	[tilespmem:s26+$0x14000] =	vst v0  }
0x1cf: {  	s25 =	sadd.s32 $0x10, s25;
	v0 =	vld [tilespmem:s24+$0x0]  }
0x1d0: {  	_ =	sdelay $0x5  }
0x1d1: {  	s23 =	sand.u32 $0xFF0, s23  }
0x1d2: {  	v1 =	vld [tilespmem:s23+$0x14000]  }
0x1d3: {  	v0 =	vld.idx.msk [tilespmem:v0+s21+$0x0], $0xffff;
	_ =	sdelay $0x4  }
0x1d4: {  	v0 =	vadd.f32 v1, v0;
	_ =	sdelay $0x1  }
0x1d5: {  	s24 =	simm.s32 $0x10000;
	s25 =	rddreg [dreg:$0x13];
	[tilespmem:s23+$0x14000] =	vst v0;
	s23 =	simm.s32 $0x0  }
0x1d6: {  	[tilespmem:s24], [sflag:$0x1] =	stream.linear.gather [hbm4b:s25+s23], $0x1000, $0x38;
	[tilespmem:$0x1B000] =	vst v63  }
0x1d7: {  	_ =	swait.ge [sflag:s19], $0x1000  }
0x1d8: {  	[sflag:s19] =	ssyncset.done $0x0  }
0x1d9: {  	[sflag:s19] =	ssyncadd.s32 $0xFFFFF000  }
0x1da: {  	[tilespmem:s23], [sflag:$0x1] =	stream.linear.gather [hbm4b:s7+s23], $0x10000, $0x38;
	[tilespmem:$0x1B000] =	vst v63  }
0x1db: {  	_ =	swait.ge [sflag:s19], $0x10000  }
0x1dc: {  	[sflag:s19] =	ssyncset.done $0x0  }
0x1dd: {  	[sflag:s19] =	ssyncadd.s32 $0xFFFF0000  }
0x1de: {  	s25 =	simm.s32 $0x10;
	v0 =	vld [tilespmem:s24+$0x0]  }
.LBB2_34:
0x1df: {  	p1 =	sne.s32 s25, $0xFF0;
	_ =	sdelay $0x6  }
0x1e0: {  	s26 =	sand.u32 $0xFF0, s23;
	s23 =	smov.u32 s25;
	v0 =	vld.idx.msk [tilespmem:v0+s21+$0x0], $0xffff  }
0x1e1: {  	v1 =	vld [tilespmem:s26+$0x15000];
	_ =	sdelay $0x3  }
.Ltmp18:
0x1e2: {  	(pc) =	sbr.rel @p1 .LBB2_34-.Ltmp18, $3  }
0x1e3: {  	v0 =	vadd.f32 v1, v0;
	_ =	sdelay $0x1  }
0x1e4: {  	s24 =	sadd.s32 $0x10, s24;
	[tilespmem:s26+$0x15000] =	vst v0  }
0x1e5: {  	s25 =	sadd.s32 $0x10, s25;
	v0 =	vld [tilespmem:s24+$0x0]  }
0x1e6: {  	_ =	sdelay $0x5  }
0x1e7: {  	s23 =	sand.u32 $0xFF0, s23  }
0x1e8: {  	v1 =	vld [tilespmem:s23+$0x15000]  }
0x1e9: {  	v0 =	vld.idx.msk [tilespmem:v0+s21+$0x0], $0xffff;
	_ =	sdelay $0x4  }
0x1ea: {  	v0 =	vadd.f32 v1, v0;
	_ =	sdelay $0x1  }
0x1eb: {  	s24 =	simm.s32 $0x10000;
	s25 =	rddreg [dreg:$0x14];
	[tilespmem:s23+$0x15000] =	vst v0;
	s23 =	simm.s32 $0x0  }
0x1ec: {  	[tilespmem:s24], [sflag:$0x1] =	stream.linear.gather [hbm4b:s25+s23], $0x1000, $0x38;
	[tilespmem:$0x1B000] =	vst v63  }
0x1ed: {  	_ =	swait.ge [sflag:s19], $0x1000  }
0x1ee: {  	[sflag:s19] =	ssyncset.done $0x0  }
0x1ef: {  	[sflag:s19] =	ssyncadd.s32 $0xFFFFF000  }
0x1f0: {  	[tilespmem:s23], [sflag:$0x1] =	stream.linear.gather [hbm4b:s8+s23], $0x10000, $0x38;
	[tilespmem:$0x1B000] =	vst v63  }
0x1f1: {  	_ =	swait.ge [sflag:s19], $0x10000  }
0x1f2: {  	[sflag:s19] =	ssyncset.done $0x0  }
0x1f3: {  	[sflag:s19] =	ssyncadd.s32 $0xFFFF0000  }
0x1f4: {  	s25 =	simm.s32 $0x10;
	v0 =	vld [tilespmem:s24+$0x0]  }
.LBB2_36:
0x1f5: {  	p1 =	sne.s32 s25, $0xFF0;
	_ =	sdelay $0x6  }
0x1f6: {  	s26 =	sand.u32 $0xFF0, s23;
	s23 =	smov.u32 s25;
	v0 =	vld.idx.msk [tilespmem:v0+s21+$0x0], $0xffff  }
0x1f7: {  	v1 =	vld [tilespmem:s26+$0x15000];
	_ =	sdelay $0x3  }
.Ltmp19:
0x1f8: {  	(pc) =	sbr.rel @p1 .LBB2_36-.Ltmp19, $3  }
0x1f9: {  	v0 =	vadd.f32 v1, v0;
	_ =	sdelay $0x1  }
0x1fa: {  	s24 =	sadd.s32 $0x10, s24;
	[tilespmem:s26+$0x15000] =	vst v0  }
0x1fb: {  	s25 =	sadd.s32 $0x10, s25;
	v0 =	vld [tilespmem:s24+$0x0]  }
0x1fc: {  	_ =	sdelay $0x5  }
0x1fd: {  	s23 =	sand.u32 $0xFF0, s23  }
0x1fe: {  	v1 =	vld [tilespmem:s23+$0x15000]  }
0x1ff: {  	v0 =	vld.idx.msk [tilespmem:v0+s21+$0x0], $0xffff;
	_ =	sdelay $0x4  }
0x200: {  	v0 =	vadd.f32 v1, v0;
	_ =	sdelay $0x1  }
0x201: {  	s24 =	simm.s32 $0x10000;
	s25 =	rddreg [dreg:$0x15];
	[tilespmem:s23+$0x15000] =	vst v0;
	s23 =	simm.s32 $0x0  }
0x202: {  	[tilespmem:s24], [sflag:$0x1] =	stream.linear.gather [hbm4b:s25+s23], $0x1000, $0x38;
	[tilespmem:$0x1B000] =	vst v63  }
0x203: {  	_ =	swait.ge [sflag:s19], $0x1000  }
0x204: {  	[sflag:s19] =	ssyncset.done $0x0  }
0x205: {  	[sflag:s19] =	ssyncadd.s32 $0xFFFFF000  }
0x206: {  	[tilespmem:s23], [sflag:$0x1] =	stream.linear.gather [hbm4b:s9+s23], $0x10000, $0x38;
	[tilespmem:$0x1B000] =	vst v63  }
0x207: {  	_ =	swait.ge [sflag:s19], $0x10000  }
0x208: {  	[sflag:s19] =	ssyncset.done $0x0  }
0x209: {  	[sflag:s19] =	ssyncadd.s32 $0xFFFF0000  }
0x20a: {  	s25 =	simm.s32 $0x10;
	v0 =	vld [tilespmem:s24+$0x0]  }
.LBB2_38:
0x20b: {  	p1 =	sne.s32 s25, $0xFF0;
	_ =	sdelay $0x6  }
0x20c: {  	s26 =	sand.u32 $0xFF0, s23;
	s23 =	smov.u32 s25;
	v0 =	vld.idx.msk [tilespmem:v0+s21+$0x0], $0xffff  }
0x20d: {  	v1 =	vld [tilespmem:s26+$0x15000];
	_ =	sdelay $0x3  }
.Ltmp20:
0x20e: {  	(pc) =	sbr.rel @p1 .LBB2_38-.Ltmp20, $3  }
0x20f: {  	v0 =	vadd.f32 v1, v0;
	_ =	sdelay $0x1  }
0x210: {  	s24 =	sadd.s32 $0x10, s24;
	[tilespmem:s26+$0x15000] =	vst v0  }
0x211: {  	s25 =	sadd.s32 $0x10, s25;
	v0 =	vld [tilespmem:s24+$0x0]  }
0x212: {  	_ =	sdelay $0x5  }
0x213: {  	s23 =	sand.u32 $0xFF0, s23  }
0x214: {  	v1 =	vld [tilespmem:s23+$0x15000]  }
0x215: {  	v0 =	vld.idx.msk [tilespmem:v0+s21+$0x0], $0xffff;
	_ =	sdelay $0x4  }
0x216: {  	v0 =	vadd.f32 v1, v0;
	_ =	sdelay $0x1  }
0x217: {  	s24 =	simm.s32 $0x10000;
	s25 =	rddreg [dreg:$0x16];
	[tilespmem:s23+$0x15000] =	vst v0;
	s23 =	simm.s32 $0x0  }
0x218: {  	[tilespmem:s24], [sflag:$0x1] =	stream.linear.gather [hbm4b:s25+s23], $0x1000, $0x38;
	[tilespmem:$0x1B000] =	vst v63  }
0x219: {  	_ =	swait.ge [sflag:s19], $0x1000  }
0x21a: {  	[sflag:s19] =	ssyncset.done $0x0  }
0x21b: {  	[sflag:s19] =	ssyncadd.s32 $0xFFFFF000  }
0x21c: {  	[tilespmem:s23], [sflag:$0x1] =	stream.linear.gather [hbm4b:s10+s23], $0x10000, $0x38;
	[tilespmem:$0x1B000] =	vst v63  }
0x21d: {  	_ =	swait.ge [sflag:s19], $0x10000  }
0x21e: {  	[sflag:s19] =	ssyncset.done $0x0  }
0x21f: {  	[sflag:s19] =	ssyncadd.s32 $0xFFFF0000  }
0x220: {  	s25 =	simm.s32 $0x10;
	v0 =	vld [tilespmem:s24+$0x0]  }
.LBB2_40:
0x221: {  	p1 =	sne.s32 s25, $0xFF0;
	_ =	sdelay $0x6  }
0x222: {  	s26 =	sand.u32 $0xFF0, s23;
	s23 =	smov.u32 s25;
	v0 =	vld.idx.msk [tilespmem:v0+s21+$0x0], $0xffff  }
0x223: {  	v1 =	vld [tilespmem:s26+$0x15000];
	_ =	sdelay $0x3  }
.Ltmp21:
0x224: {  	(pc) =	sbr.rel @p1 .LBB2_40-.Ltmp21, $3  }
0x225: {  	v0 =	vadd.f32 v1, v0;
	_ =	sdelay $0x1  }
0x226: {  	s24 =	sadd.s32 $0x10, s24;
	[tilespmem:s26+$0x15000] =	vst v0  }
0x227: {  	s25 =	sadd.s32 $0x10, s25;
	v0 =	vld [tilespmem:s24+$0x0]  }
0x228: {  	_ =	sdelay $0x5  }
0x229: {  	s23 =	sand.u32 $0xFF0, s23  }
0x22a: {  	v1 =	vld [tilespmem:s23+$0x15000]  }
0x22b: {  	v0 =	vld.idx.msk [tilespmem:v0+s21+$0x0], $0xffff;
	_ =	sdelay $0x4  }
0x22c: {  	v0 =	vadd.f32 v1, v0;
	_ =	sdelay $0x1  }
0x22d: {  	[tilespmem:s23+$0x15000] =	vst v0  }
0x22e: {  	[spmem:s11] =	stream.linear.scatter [tilespmem:s18], [sflag:$0x1], $0x1000, $0x38;
	[tilespmem:$0x1B000] =	vst v63  }
0x22f: {  	_ =	swait.ge [sflag:s19], $0x1000  }
0x230: {  	[sflag:s19] =	ssyncset.done $0x0  }
0x231: {  	s26 =	simm.s32 $0x12000;
	[sflag:s19] =	ssyncadd.s32 $0xFFFFF000  }
0x232: {  	[spmem:s14] =	stream.linear.scatter [tilespmem:s26], [sflag:$0x1], $0x1000, $0x38;
	[tilespmem:$0x1B000] =	vst v63  }
0x233: {  	_ =	swait.ge [sflag:s19], $0x1000  }
0x234: {  	[sflag:s19] =	ssyncset.done $0x0  }
0x235: {  	s24 =	simm.s32 $0x13000;
	[sflag:s19] =	ssyncadd.s32 $0xFFFFF000  }
0x236: {  	[spmem:s15] =	stream.linear.scatter [tilespmem:s24], [sflag:$0x1], $0x1000, $0x38;
	[tilespmem:$0x1B000] =	vst v63  }
0x237: {  	_ =	swait.ge [sflag:s19], $0x1000  }
0x238: {  	[sflag:s19] =	ssyncset.done $0x0  }
0x239: {  	s25 =	simm.s32 $0x14000;
	[sflag:s19] =	ssyncadd.s32 $0xFFFFF000  }
0x23a: {  	[spmem:s16] =	stream.linear.scatter [tilespmem:s25], [sflag:$0x1], $0x1000, $0x38;
	[tilespmem:$0x1B000] =	vst v63  }
0x23b: {  	_ =	swait.ge [sflag:s19], $0x1000  }
0x23c: {  	[sflag:s19] =	ssyncset.done $0x0  }
0x23d: {  	s26 =	simm.s32 $0x15000;
	[sflag:s19] =	ssyncadd.s32 $0xFFFFF000  }
0x23e: {  	[spmem:s17] =	stream.linear.scatter [tilespmem:s26], [sflag:$0x1], $0x1000, $0x38;
	[tilespmem:$0x1B000] =	vst v63  }
.Ltmp22:
0x23f: {  	_ =	swait.ge [sflag:s19], $0x1000;
	(pc) =	sbr.rel @p0 .LBB2_45-.Ltmp22, $3  }
0x240: {  	[sflag:s19] =	ssyncset.done $0x0  }
0x241: {  	[sflag:s19] =	ssyncadd.s32 $0xFFFFF000  }
0x242: {  	[bflag:$0x0] =	sbarrier.arrive $0xFFFF;
	_ =	sdelay $0x1  }
0x243: {  	s23 =	simm.s32 $0x0;
	s24 =	rddreg [dreg:$0x1c]  }
0x244: {  	[tilespmem:s23], [sflag:$0x1] =	stream.linear.gather [spmem:s24], $0x10000, $0x38;
	[tilespmem:$0x1B000] =	vst v63  }
0x245: {  	_ =	swait.ge [sflag:s19], $0x10000  }
0x246: {  	[sflag:s19] =	ssyncset.done $0x0  }
0x247: {  	s26 =	sand.u32 $0xFF0, s23;
	[sflag:s19] =	ssyncadd.s32 $0xFFFF0000  }
0x248: {  	v0 =	vld [tilespmem:s26+$0x1000]  }
0x249: {  	v1 =	vld [tilespmem:s23+$0x0];
	_ =	sdelay $0x1  }
0x24a: {  	v2 =	vld [tilespmem:s26+$0x2000];
	_ =	sdelay $0x1  }
0x24b: {  	v3 =	vld [tilespmem:s26+$0x3000]  }
0x24c: {  	v0 =	vadd.f32 v0, v1  }
0x24d: {  	v1 =	vld [tilespmem:s26+$0x4000]  }
0x24e: {  	v0 =	vadd.f32 v2, v0  }
0x24f: {  	v2 =	vld [tilespmem:s26+$0x5000]  }
0x250: {  	v0 =	vadd.f32 v3, v0  }
0x251: {  	v3 =	vld [tilespmem:s26+$0x6000]  }
0x252: {  	v0 =	vadd.f32 v1, v0  }
0x253: {  	v1 =	vld [tilespmem:s26+$0x7000]  }
0x254: {  	v0 =	vadd.f32 v2, v0  }
0x255: {  	v2 =	vld [tilespmem:s26+$0x8000]  }
0x256: {  	v0 =	vadd.f32 v3, v0  }
0x257: {  	v3 =	vld [tilespmem:s26+$0x9000]  }
0x258: {  	v0 =	vadd.f32 v1, v0  }
0x259: {  	v1 =	vld [tilespmem:s26+$0xA000]  }
0x25a: {  	v0 =	vadd.f32 v2, v0  }
0x25b: {  	v2 =	vld [tilespmem:s26+$0xB000]  }
0x25c: {  	v0 =	vadd.f32 v3, v0  }
0x25d: {  	v3 =	vld [tilespmem:s26+$0xC000]  }
0x25e: {  	v0 =	vadd.f32 v1, v0  }
0x25f: {  	v1 =	vld [tilespmem:s26+$0xD000]  }
0x260: {  	v0 =	vadd.f32 v2, v0  }
0x261: {  	v2 =	vld [tilespmem:s26+$0xE000]  }
0x262: {  	v0 =	vadd.f32 v3, v0  }
0x263: {  	v3 =	vld [tilespmem:s26+$0xF000]  }
0x264: {  	v0 =	vadd.f32 v1, v0;
	_ =	sdelay $0x1  }
0x265: {  	v0 =	vadd.f32 v2, v0;
	_ =	sdelay $0x1  }
0x266: {  	v0 =	vadd.f32 v3, v0  }
0x267: {  	s25 =	simm.s32 $0x10;
	s23 =	simm.s32 $0x11000  }
0x268: {  	s24 =	sand.u32 $0xFF0, s25;
	[tilespmem:s23+$0x0] =	vst v0  }
0x269: {  	s26 =	simm.s32 $0x20;
	v0 =	vld [tilespmem:s24+$0x1000]  }
.LBB2_43:
0x26a: {  	p1 =	sne.s32 s26, $0xFF0;
	v1 =	vld [tilespmem:s25+$0x0];
	_ =	sdelay $0x1  }
0x26b: {  	v2 =	vld [tilespmem:s24+$0x2000];
	_ =	sdelay $0x1  }
0x26c: {  	v3 =	vld [tilespmem:s24+$0x3000]  }
0x26d: {  	v0 =	vadd.f32 v0, v1  }
0x26e: {  	v1 =	vld [tilespmem:s24+$0x4000]  }
0x26f: {  	v0 =	vadd.f32 v2, v0  }
0x270: {  	v2 =	vld [tilespmem:s24+$0x5000]  }
0x271: {  	v0 =	vadd.f32 v3, v0  }
0x272: {  	v3 =	vld [tilespmem:s24+$0x6000]  }
0x273: {  	v0 =	vadd.f32 v1, v0  }
0x274: {  	v1 =	vld [tilespmem:s24+$0x7000]  }
0x275: {  	v0 =	vadd.f32 v2, v0  }
0x276: {  	v2 =	vld [tilespmem:s24+$0x8000]  }
0x277: {  	v0 =	vadd.f32 v3, v0  }
0x278: {  	v3 =	vld [tilespmem:s24+$0x9000]  }
0x279: {  	v0 =	vadd.f32 v1, v0  }
0x27a: {  	v1 =	vld [tilespmem:s24+$0xA000]  }
0x27b: {  	v0 =	vadd.f32 v2, v0  }
0x27c: {  	v2 =	vld [tilespmem:s24+$0xB000]  }
0x27d: {  	v0 =	vadd.f32 v3, v0  }
0x27e: {  	v3 =	vld [tilespmem:s24+$0xC000]  }
0x27f: {  	v0 =	vadd.f32 v1, v0  }
0x280: {  	v1 =	vld [tilespmem:s24+$0xD000]  }
0x281: {  	v0 =	vadd.f32 v2, v0  }
0x282: {  	v2 =	vld [tilespmem:s24+$0xE000]  }
0x283: {  	v0 =	vadd.f32 v3, v0  }
0x284: {  	v3 =	vld [tilespmem:s24+$0xF000]  }
0x285: {  	v0 =	vadd.f32 v1, v0;
	_ =	sdelay $0x1  }
0x286: {  	v0 =	vadd.f32 v2, v0  }
.Ltmp23:
0x287: {  	(pc) =	sbr.rel @p1 .LBB2_43-.Ltmp23, $4  }
0x288: {  	v0 =	vadd.f32 v3, v0  }
0x289: {  	s23 =	sadd.s32 $0x10, s23  }
0x28a: {  	s24 =	sand.u32 $0xFF0, s26;
	[tilespmem:s23+$0x0] =	vst v0  }
0x28b: {  	s25 =	sadd.s32 $0x10, s25;
	s26 =	sadd.s32 $0x10, s26;
	v0 =	vld [tilespmem:s24+$0x1000]  }
.Ltmp24:
0x28c: {  	_ = 	snop;
	(pc) =	sbr.rel .LBB2_44-.Ltmp24, $1  }
0x28d: {  	_ =	sdelay $0x3  }
.LBB2_46:
0x28e: {  	_ =	sfence.sel $0x180000  }
0x28f: {  	[bflag:$0x0] =	sbarrier.arrive $0xFFFF  }
0x290: {  	_ =	strace $0x9000004A  }
0x291: {  	s0 =	stileid.u32;
	[bflag:$0x2] =	sbarrier.arrive $0xFFFF  }
0x292: {  	p0 =	sne.s32 s0, $0x0;
	s0 =	rddreg [dreg:$0x2]  }
0x293: {  	s0 =	sadd.s32 @!p0 $0x100000, s0  }
0x294: {  	[sflag:s0] =	ssyncadd.tile.s32 @!p0 $0x1;
	_ =	shalt  }
.Lfunc_end2:
_tile_overlayer_lowered:
.L_overlay_start_2:
0x295: {  	(tag) =	ssettag $0x2  }
0x296: {  	s0 =	rddreg [dreg:$0x0];
	s2 =	stileid.u32  }
0x297: {  	s1 =	rddreg [dreg:$0x1];
	p0 =	sne.s32 s2, $0x0  }
0x298: {  	s3 =	rddreg [dreg:$0x2];
	[bflag:$0x3] =	sbarrier.arrive $0xFFFF;
	s2 =	simm.s32 @!p0 $0x1C01  }
0x299: {  	[timem:s3], [sflag:s2] =	dma.local @!p0 [hbm:s0], s1  }
0x29a: {  	s0 =	simm.s32 @!p0 $0x1  }
0x29b: {  	_ =	swait.ge @!p0 [sflag:s0], s1  }
0x29c: {  	s1 =	ssub.s32 @!p0 $0x0, s1;
	[sflag:s0] =	ssyncset.done @!p0 $0x0  }
0x29d: {  	[sflag:s0] =	ssyncadd.s32 @!p0 s1  }
0x29e: {  	[bflag:$0x3] =	sbarrier.arrive $0xFFFF  }
0x29f: {  	_ =	shalt  }

// kernel: sparse-core-data-format-call.cloned.1.call-start
scs
called_computation_lowered:
.L_overlay_start_0:
0x0: {  	s2 =	sld [smem:$0x3FD9]  }
0x1: {  	s3 =	sld [smem:$0x3FFE];
	_ =	sdelay $0x1  }
0x2: {  	s1 =	srdreg.scid  }
0x3: {  	s0 =	sand.u32 $0x1, s1  }
0x4: {  	s18 =	sshll.u32 s0, $0xA;
	s2 =	sadd.s32 s3, s2  }
0x5: {  	s2 =	sadd.s32 s2, s18  }
0x6: {  	[smem:$0x3FC5] =	sst s2  }
0x7: {  	_ = 	snop  }
0x8: {  	s2 =	sld [smem:$0x3FC7];
	(tm) =	ssettm $0x1  }
0x9: {  	s19 =	sld [smem:$0x3FFB];
	_ =	sdelay $0x3  }
0xa: {  	_ =	strace s19  }
0xb: {  	s3 =	sld [smem:$0x3FFC];
	_ =	sdelay $0x3  }
0xc: {  	_ =	strace s3  }
0xd: {  	s3 =	sld [smem:$0x3FFD];
	_ =	sdelay $0x3  }
0xe: {  	_ =	strace s3  }
0xf: {  	_ =	strace $0x8FFFFFFF  }
0x10: {  	s20 =	sld [smem:$0x3FDB];
	_ =	sdelay $0x1  }
0x11: {  	s4 =	simm.s32 $_scs_section_size  }
0x12: {  	s5 =	simm.s32 $_size__tile_overlayer_lowered;
	s6 =	simm.s32 $_tile_overlayer_lowered  }
0x13: {  	s23 =	simm.s32 $0x1BFF;
	s22 =	sshll.u32 s6, $0x1;
	s3 =	sadd.s32 s4, s20  }
0x14: {  	s7 =	simm.s32 $0x0;
	s21 =	sshll.u32 s5, $0x1;
	s5 =	sadd.s32 s22, s3  }
0x15: {  	[timem:s7], [sflag:s23] =	dma.local [hbm:s5], s21  }
0x16: {  	_ =	swait.ge [sflag:s23], s21  }
0x17: {  	s4 =	ssub.s32 $0x0, s21;
	[sflag:s23] =	ssyncset.done $0x0  }
0x18: {  	[sflag:s23] =	ssyncadd.s32 s4;
	_ =	sdelay $0x1  }
0x19: {  	s24 =	simm.s32 $0x1B8B  }
0x1a: {  	_ =	swait.ge [sflag:s24], $0x1  }
0x1b: {  	[sflag:s24] =	ssyncset.done $0x0  }
0x1c: {  	s26 =	simm.s32 $0x1B8E;
	s25 =	sld [smem:$0x3FFE];
	[sflag:s24] =	ssyncadd.s32 $0xFFFFFFFF  }
0x1d: {  	s27 =	simm.s32 $execute0_lowered;
	[smem:$0x3FD2] =	sst s26  }
0x1e: {  	s5 =	sshll.u32 s27, $0x1;
	_ =	strace $0x80000046;
	[dreg:$0x1] =	wrdreg $0xFFFFFFFF  }
0x1f: {  	s28 =	simm.s32 $_size_execute0_lowered;
	s3 =	sadd.s32 s3, s5;
	[dreg:$0x0] =	wrdreg $0x0  }
0x20: {  	s5 =	sshll.u32 s28, $0x1;
	[dreg:$0x2] =	wrdreg s3  }
0x21: {  	[dreg:$0x3] =	wrdreg s5  }
0x22: {  	[dreg:$0x4] =	wrdreg $0xC0  }
0x23: {  	_ =	task [dreg:s7], $0x5FFFF  }
0x24: {  	[dreg:$0x1] =	wrdreg $0xFFFFFFFF  }
0x25: {  	[dreg:$0x0] =	wrdreg $0x60  }
0x26: {  	[dreg:$0x2] =	wrdreg s2  }
0x27: {  	[dreg:$0x3] =	wrdreg s25  }
0x28: {  	[dreg:$0x4] =	wrdreg $0x9  }
0x29: {  	_ =	task.clear_ibuf [dreg:s7], $0x5FFFF;
	_ =	strace $0x90000046  }
0x2a: {  	s29 =	simm.s32 $0x9;
	_ =	strace $0x80000048  }
0x2b: {  	_ =	swait.ge [sflag:s29], $0x1  }
0x2c: {  	[sflag:s29] =	ssyncadd.s32 $0xFFFFFFFF  }
0x2d: {  	_ =	strace $0x90000048  }
0x2e: {  	_ =	sfence  }
0x2f: {  	s30 =	sld [smem:$0x0];
	_ =	sdelay $0x2  }
0x30: {  	s31 =	sshll.u32 s1, $0xD;
	s1 =	sshrl.u32 s1, $0x2  }
0x31: {  	s3 =	sand.u32 $0x4000, s31;
	s1 =	sadd.s32 s1, s30  }
0x32: {  	s0 =	sor.u32 s3, s0;
	s1 =	sshll.u32 s1, $0x11  }
0x33: {  	s0 =	sor.u32 s1, s0  }
0x34: {  	s0 =	sadd.s32 $0x8F2B, s0  }
0x35: {  	[sflag:s0] =	ssyncadd.remote.s32 $0x1  }
0x36: {  	_ =	sfence.sel $0xFFFF  }
0x37: {  	[dreg:$0x0] =	wrdreg $0xFFFFFFFF;
	(pc) =	sbr.abs _section_cstart, $3  }
0x38: {  	[dreg:$0x1] =	wrdreg $0xFFFFFFFF  }
0x39: {  	_ =	task.clear_ibuf [dreg:s7], $0x2FFFF;
	_ =	strace $0x9FFFFFFF  }
0x3a: {  	(tm) =	ssettm $0x7FFFFFFF  }
0x3b: {  	_ =	shalt  }
tec
execute0_lowered:
.L_overlay_start_1:
0x0: {  	(tag) =	ssettag $0x1  }
0x1: {  	s0 =	srdreg.scid  }
0x2: {  	s1 =	sshll.u32 s0, $0x4  }
0x3: {  	s7 =	rddreg [dreg:$0x0];
	s0 =	stileid.u32;
	s1 =	sand.u32 $0x10, s1  }
0x4: {  	s5 =	rddreg [dreg:$0x1];
	s6 =	sor.u32 s0, s1  }
0x5: {  	s4 =	simm.s32 $0x1;
	s31 =	simm.s32 $0x2;
	s2 =	sshll.u32 s6, $0x4  }
0x6: {  	s13 =	simm.s32 $0x0;
	s9 =	simm.s32 $0x10000;
	s3 =	ssub.s32 $0x200, s2  }
0x7: {  	s10 =	simm.s32 $0x0;
	s14 =	simm.s32 $0x0;
	s30 =	sand.u32 $0x1F0, s3  }
0x8: {  	s11 =	simm.s32 $0x0;
	s12 =	simm.s32 $0x0;
	p0 =	sne.s32 s30, $0x0  }
.Ltmp0:
0x9: {  	s8 =	sshrl.u32 s3, $0x9;
	s4 =	simm.s32 @!p0 $0x0;
	(pc) =	sbr.rel .LBB1_1-.Ltmp0, $4  }
0xa: {  	s1 =	rddreg [dreg:$0x2];
	_ =	strace $0x80000047;
	s4 =	sadd.s32 s4, s8  }
0xb: {  	s6 =	sshll.u32 s6, $0xB;
	s3 =	simm.s32 $0x1;
	s4 =	smul.u32 $0x50, s4  }
0xc: {  	s5 =	sadd.s32 $0xA00, s5;
	s6 =	sadd.s32 s7, s6;
	[sflag:s3] =	ssyncpa.u1 $0x0  }
0xd: {  	[sflag:s31] =	ssyncpa.u1 $0x0;
	s8 =	simm.s32 $0x800;
	s7 =	sor.u32 $0x1, s4  }
.LBB1_7:
0xe: {  	s15 =	sadd.s32 $0x1, s11  }
0xf: {  	p1 =	sgt.s32 s15, $0x4F  }
0x10: {  	s15 =	simm.s32 @p1 $0x0;
	p1 =	sne.s32 s12, s7  }
.Ltmp1:
0x11: {  	p0 =	slt.u32 s12, $0x2;
	(pc) =	sbr.rel @!p1 .LBB1_8-.Ltmp1, $4  }
0x12: {  	s13 =	simm.s32 @!p0 $0x2  }
0x13: {  	s16 =	sadd.s32 $0x1, s12;
	s14 =	smov.u32 s11;
	_ =	swait.ge @!p0 [sflag:s13], $0x4000  }
0x14: {  	s10 =	sadd.s32 $0x4000, s10;
	s12 =	smov.u32 s16;
	[sflag:s13] =	ssyncset.done @!p0 $0x0  }
0x15: {  	s11 =	smov.u32 s15;
	[sflag:s13] =	ssyncadd.s32 @!p0 $0xFFFFC000;
	s13 =	smov.u32 s2  }
.LBB1_1:
0x16: {  	p0 =	sge.u32 s12, s4  }
0x17: {  	s15 =	sxor.u32 @!p0 $0xFFFFFFFF, s12  }
0x18: {  	s31 =	sadd.s32 $0xFFFFFFFF, s12;
	s16 =	sshll.u32 @!p0 s11, $0x10;
	s15 =	sshll.u32 @!p0 s15, $0xE  }
0x19: {  	s17 =	simm.s32 @!p0 $0x0;
	s16 =	sadd.s32 @!p0 s16, s6;
	s15 =	sand.u32 @!p0 $0x4000, s15  }
0x1a: {  	[tilespmem:s15], [sflag:$0x1] =	stream.linear.gather @!p0 [hbm4b:s16+s17], $0x4000, $0x38;
	[tilespmem:$0x10000] =	vst v63  }
0x1b: {  	p0 =	sge.u32 s31, s4  }
.Ltmp2:
0x1c: {  	_ = 	snop;
	(pc) =	sbr.rel @p0 .LBB1_7-.Ltmp2, $1  }
0x1d: {  	_ =	sdelay $0x3  }
0x1e: {  	s16 =	sand.u32 $0x4000, s10  }
0x1f: {  	_ =	swait.ge [sflag:s3], $0x4000;
	s18 =	sshll.u32 s12, $0xE;
	s15 =	sor.u32 $0x8040, s16  }
0x20: {  	s17 =	sor.u32 $0x40, s16;
	[sflag:s3] =	ssyncset.done $0x0;
	s31 =	sand.u32 $0x4000, s18  }
0x21: {  	s18 =	simm.s32 $0x0;
	[sflag:s3] =	ssyncadd.s32 $0xFFFFC000;
	s16 =	sor.u32 $0x8000, s31  }
.LBB1_3:
0x22: {  	v0 =	vmov s17;
	_ =	sdelay $0x3  }
0x23: {  	s20 =	simm.s32 $0x0  }
0x24: {  	v6 =	vld.idx.msk [tilespmem:v0+s20+$0x30 ss:$0x1], $0xffff  }
0x25: {  	v7 =	vld.idx.msk [tilespmem:v0+s20+$0xFFFFFFC0 ss:$0x1], $0xffff  }
0x26: {  	v5 =	vld.idx.msk [tilespmem:v0+s20+$0xFFFFFFD0 ss:$0x1], $0xffff  }
0x27: {  	v4 =	vld.idx.msk [tilespmem:v0+s20+$0xFFFFFFE0 ss:$0x1], $0xffff  }
0x28: {  	v3 =	vld.idx.msk [tilespmem:v0+s20+$0xFFFFFFF0 ss:$0x1], $0xffff  }
0x29: {  	v1 =	vld.idx.msk [tilespmem:v0+s20+$0x0 ss:$0x1], $0xffff  }
0x2a: {  	v2 =	vld.idx.msk [tilespmem:v0+s20+$0x10 ss:$0x1], $0xffff;
	[tilespmem:s15+$0x30] =	vst v6  }
0x2b: {  	s19 =	simm.s32 $0x80;
	s21 =	simm.s32 $0x400;
	[tilespmem:s15+$0xFFFFFFC0] =	vst v7;
	v6 =	vld.idx.msk [tilespmem:v0+s20+$0x20 ss:$0x1], $0xffff;
	s20 =	smov.u32 s15  }
.LBB1_4:
0x2c: {  	p0 =	sne.s32 s21, $0xE00;
	v7 =	vld.idx.msk [tilespmem:v0+s19+$0x30 ss:$0x1], $0xffff;
	[tilespmem:s20+$0xFFFFFFD0] =	vst v5  }
0x2d: {  	v8 =	vld.idx.msk [tilespmem:v0+s19+$0xFFFFFFC0 ss:$0x1], $0xffff;
	[tilespmem:s20+$0xFFFFFFE0] =	vst v4  }
0x2e: {  	v5 =	vld.idx.msk [tilespmem:v0+s19+$0xFFFFFFD0 ss:$0x1], $0xffff;
	[tilespmem:s20+$0xFFFFFFF0] =	vst v3  }
.Ltmp3:
0x2f: {  	v4 =	vld.idx.msk [tilespmem:v0+s19+$0xFFFFFFE0 ss:$0x1], $0xffff;
	[tilespmem:s20+$0x0] =	vst v1;
	(pc) =	sbr.rel @p0 .LBB1_4-.Ltmp3, $4  }
0x30: {  	v3 =	vld.idx.msk [tilespmem:v0+s19+$0xFFFFFFF0 ss:$0x1], $0xffff;
	[tilespmem:s20+$0x10] =	vst v2  }
0x31: {  	v1 =	vld.idx.msk [tilespmem:v0+s19+$0x0 ss:$0x1], $0xffff;
	[tilespmem:s20+$0x20] =	vst v6;
	s20 =	sadd.s32 $0x800, s20  }
0x32: {  	v2 =	vld.idx.msk [tilespmem:v0+s19+$0x10 ss:$0x1], $0xffff;
	[tilespmem:s20+$0x30] =	vst v7  }
0x33: {  	[tilespmem:s20+$0xFFFFFFC0] =	vst v8;
	v6 =	vld.idx.msk [tilespmem:v0+s19+$0x20 ss:$0x1], $0xffff;
	s19 =	sshra.s32 s21, $0x2;
	s21 =	sadd.s32 $0x200, s21  }
0x34: {  	_ =	sdelay $0x2  }
0x35: {  	[tilespmem:s20+$0xFFFFFFD0] =	vst v5  }
0x36: {  	v56 =	vld.idx.msk [tilespmem:v0+s19+$0x30 ss:$0x1], $0xffff;
	[tilespmem:s20+$0xFFFFFFE0] =	vst v4  }
0x37: {  	v57 =	vld.idx.msk [tilespmem:v0+s19+$0xFFFFFFC0 ss:$0x1], $0xffff;
	[tilespmem:s20+$0xFFFFFFF0] =	vst v3  }
0x38: {  	v58 =	vld.idx.msk [tilespmem:v0+s19+$0xFFFFFFD0 ss:$0x1], $0xffff;
	[tilespmem:s20+$0x0] =	vst v1  }
0x39: {  	v59 =	vld.idx.msk [tilespmem:v0+s19+$0xFFFFFFE0 ss:$0x1], $0xffff;
	[tilespmem:s20+$0x10] =	vst v2  }
0x3a: {  	v60 =	vld.idx.msk [tilespmem:v0+s19+$0xFFFFFFF0 ss:$0x1], $0xffff;
	s31 =	sadd.s32 $0x800, s20;
	[tilespmem:s20+$0x20] =	vst v6  }
0x3b: {  	v61 =	vld.idx.msk [tilespmem:v0+s19+$0x0 ss:$0x1], $0xffff;
	[tilespmem:s31+$0x30] =	vst v56  }
0x3c: {  	v62 =	vld.idx.msk [tilespmem:v0+s19+$0x10 ss:$0x1], $0xffff;
	s18 =	sadd.s32 $0x1, s18;
	[tilespmem:s31+$0xFFFFFFC0] =	vst v57  }
0x3d: {  	v63 =	vld.idx.msk [tilespmem:v0+s19+$0x20 ss:$0x1], $0xffff;
	p0 =	sne.s32 s18, $0x10;
	[tilespmem:s31+$0xFFFFFFD0] =	vst v58  }
.Ltmp4:
0x3e: {  	[tilespmem:s31+$0xFFFFFFE0] =	vst v59;
	(pc) =	sbr.rel @p0 .LBB1_3-.Ltmp4, $4  }
0x3f: {  	[tilespmem:s31+$0xFFFFFFF0] =	vst v60  }
0x40: {  	[tilespmem:s31+$0x0] =	vst v61  }
0x41: {  	[tilespmem:s31+$0x10] =	vst v62  }
0x42: {  	s15 =	sadd.s32 $0x80, s15;
	s17 =	sadd.s32 $0x400, s17;
	[tilespmem:s31+$0x20] =	vst v63  }
.Ltmp5:
0x43: {  	(pc) =	sbr.rel .LBB1_7-.Ltmp5, $4  }
0x44: {  	s14 =	sshll.u32 s14, $0x10;
	s13 =	sshll.u32 s13, $0x4  }
0x45: {  	s13 =	sand.u32 $0x1F00, s13;
	s14 =	sadd.s32 s5, s14  }
0x46: {  	s13 =	sadd.s32 s13, s14  }
0x47: {  	[hbm4b:s13+s8] =	stream.strided.scatter [tilespmem:s16], [sflag:$0x2], $0x4000, s9, s8, $0x38;
	[tilespmem:$0x10000] =	vst v63  }
.LBB1_8:
0x48: {  	_ =	sfence.sel $0x180000  }
0x49: {  	s2 =	simm.s32 $0x1;
	[bflag:$0x0] =	sbarrier.arrive $0xFFFF  }
0x4a: {  	s31 =	simm.s32 $0x2;
	[sflag:s2] =	ssyncpa.u1 $0x1  }
0x4b: {  	[sflag:s31] =	ssyncpa.u1 $0x1  }
0x4c: {  	p0 =	sne.s32 s0, $0x0;
	_ =	strace $0x90000047  }
0x4d: {  	s0 =	sadd.s32 @!p0 $0x100000, s1;
	[bflag:$0x2] =	sbarrier.arrive $0xFFFF  }
0x4e: {  	[sflag:s0] =	ssyncadd.tile.s32 @!p0 $0x1;
	_ =	shalt  }
.Lfunc_end1:
_tile_overlayer_lowered:
.L_overlay_start_2:
0x4f: {  	(tag) =	ssettag $0x2  }
0x50: {  	s0 =	rddreg [dreg:$0x0];
	s2 =	stileid.u32  }
0x51: {  	s1 =	rddreg [dreg:$0x1];
	p0 =	sne.s32 s2, $0x0  }
0x52: {  	s3 =	rddreg [dreg:$0x2];
	[bflag:$0x3] =	sbarrier.arrive $0xFFFF;
	s2 =	simm.s32 @!p0 $0x1C01  }
0x53: {  	[timem:s3], [sflag:s2] =	dma.local @!p0 [hbm:s0], s1  }
0x54: {  	s0 =	simm.s32 @!p0 $0x1  }
0x55: {  	_ =	swait.ge @!p0 [sflag:s0], s1  }
0x56: {  	s1 =	ssub.s32 @!p0 $0x0, s1;
	[sflag:s0] =	ssyncset.done @!p0 $0x0  }
0x57: {  	[sflag:s0] =	ssyncadd.s32 @!p0 s1  }
0x58: {  	[bflag:$0x3] =	sbarrier.arrive $0xFFFF  }
0x59: {  	_ =	shalt  }

</sc_bundles>
